<compile_context>
chip_gen: v7x
topology: tpu7x:2x2x1
jax: 0.10.2.dev20260603
libtpu: 0.0.44.dev20260713+nightly
codegen_flags: <defaults>
</compile_context>

<pallas_src>
import functools

import jax
import jax.numpy as jnp
from jax import lax
from jax.experimental import pallas as pl
from jax.experimental.pallas import tpu as pltpu
from jax.experimental.pallas import tpu_sc as plsc

QK_DIM = 32
TOPK = 16
SCALE = QK_DIM ** (-0.5)
MM_BLOCK = 16
ROW_BLOCK = 128
NUM_WORKERS = 32


def _logits_body(q_ref, k_ref, x_ref):
    x_ref[...] = lax.dot_general(
        q_ref[...] * SCALE, k_ref[...],
        dimension_numbers=(((1,), (1,)), ((0,), (0,))),
        preferred_element_type=jnp.float32,
    )


def _tc_logits(qt, kt):
    n, d, p = qt.shape
    b = MM_BLOCK
    return pl.pallas_call(
        _logits_body,
        grid=(n // b,),
        in_specs=[
            pl.BlockSpec((b, d, p), lambda i: (i, 0, 0)),
            pl.BlockSpec((b, d, p), lambda i: (i, 0, 0)),
        ],
        out_specs=pl.BlockSpec((b, p, p), lambda i: (i, 0, 0)),
        out_shape=jax.ShapeDtypeStruct((n, p, p), jnp.float32),
    )(qt, kt)


def _sc_topk_body(x_hbm, w_hbm, i_hbm, xbuf0, xbuf1, wbuf, ibuf, sem0, sem1):
    nrows, p = x_hbm.shape
    rows_per_w = nrows // NUM_WORKERS
    nblk = rows_per_w // ROW_BLOCK
    nchunk = p // 16
    wid = lax.axis_index("s") * 2 + lax.axis_index("c")
    wbase = wid * rows_per_w
    lane = lax.broadcasted_iota(jnp.int32, (16,), 0)

    def compute_block(xbuf):
        @plsc.parallel_loop(0, ROW_BLOCK, unroll=2)
        def row_body(r):
            level = []
            for c in range(nchunk):
                v, i = plsc.sort_key_val(
                    xbuf[r, pl.ds(c * 16, 16)], lane + c * 16,
                    descending=(c % 2 == 0))
                level.append((v, i))
            while len(level) > 1:
                nxt = []
                for j in range(0, len(level), 2):
                    av, ai = level[j]
                    bv, bi = level[j + 1]
                    ge = av >= bv
                    nv = jnp.where(ge, av, bv)
                    ni = jnp.where(ge, ai, bi)
                    desc = True if len(level) == 2 else (j // 2) % 2 == 0
                    nxt.append(plsc.sort_key_val(nv, ni, descending=desc))
                level = nxt
            ov, oi = level[0]
            m = lax.reduce_max(ov, axes=(0,))
            e = jnp.exp(ov - m)
            s = lax.reduce_sum(e, axes=(0,))
            wbuf[r] = e / s
            ibuf[r] = oi

    pltpu.async_copy(x_hbm.at[pl.ds(wbase, ROW_BLOCK)], xbuf0, sem0)
    pltpu.async_copy(x_hbm.at[pl.ds(wbase + ROW_BLOCK, ROW_BLOCK)], xbuf1, sem1)

    def pair_body(b2, _):
        for ph, (xb, sem) in enumerate(((xbuf0, sem0), (xbuf1, sem1))):
            b = 2 * b2 + ph
            base = wbase + b * ROW_BLOCK
            pltpu.make_async_copy(
                x_hbm.at[pl.ds(base, ROW_BLOCK)], xb, sem).wait()
            compute_block(xb)

            @pl.when(b + 2 < nblk)
            def _():
                pltpu.async_copy(
                    x_hbm.at[pl.ds(base + 2 * ROW_BLOCK, ROW_BLOCK)], xb, sem)

            pltpu.sync_copy(wbuf, w_hbm.at[pl.ds(base, ROW_BLOCK)])
            pltpu.sync_copy(ibuf, i_hbm.at[pl.ds(base, ROW_BLOCK)])
        return 0

    lax.fori_loop(0, nblk // 2, pair_body, 0)


def _sc_topk(x, n):
    nrows, p = x.shape
    mesh = plsc.VectorSubcoreMesh(
        core_axis_name="c", subcore_axis_name="s",
        num_cores=2, num_subcores=16)
    f = functools.partial(
        pl.kernel,
        mesh=mesh,
        out_type=[
            jax.ShapeDtypeStruct((nrows, TOPK), jnp.float32),
            jax.ShapeDtypeStruct((nrows, TOPK), jnp.int32),
        ],
        scratch_types=[
            pltpu.VMEM((ROW_BLOCK, p), jnp.float32),
            pltpu.VMEM((ROW_BLOCK, p), jnp.float32),
            pltpu.VMEM((ROW_BLOCK, TOPK), jnp.float32),
            pltpu.VMEM((ROW_BLOCK, TOPK), jnp.int32),
            pltpu.SemaphoreType.DMA,
            pltpu.SemaphoreType.DMA,
        ],
        compiler_params=pltpu.CompilerParams(needs_layout_passes=False),
    )(_sc_topk_body)
    return f(x)


@jax.jit
def kernel(query, key):
    n, p, d = query.shape
    x = _tc_logits(jnp.transpose(query, (0, 2, 1)),
                   jnp.transpose(key, (0, 2, 1)))
    w, i = _sc_topk(x.reshape(n * p, p), n)
    return w.reshape(n, p, TOPK), i.reshape(n, p, TOPK)

# --- scband reference (transcript-rebuilt; emitter-appended) ---
"""Pipeline reference for scband-topk-routing-1700807049483 (READ-ONLY COPY).

The authoritative reference and input builder live on the scoring server;
editing this copy changes nothing except your own understanding.
"""

import jax, jax.numpy as jnp
import numpy as np

QK_DIM = 32
TOPK = 16

def setup_inputs(seed: int = 0) -> dict:
    key = jax.random.key(seed)
    k1, k2 = jax.random.split(key, 2)
    query = jax.random.normal(k1, (1024, 256, QK_DIM), dtype=jnp.float32)
    key_t = jax.random.normal(k2, (1024, 256, QK_DIM), dtype=jnp.float32)
    return {"query": query, "key": key_t}

def reference(query, key):
    scale = QK_DIM ** (-0.5)
    # module detaches q, k before routing
    q = jax.lax.stop_gradient(query)
    k = jax.lax.stop_gradient(key)
    attn_logit = (q * scale) @ jnp.swapaxes(k, -2, -1)  # (n, p2, p2)
    topk_attn_logit, topk_index = jax.lax.top_k(attn_logit, TOPK)  # (n, p2, topk)
    r_weight = jax.nn.softmax(topk_attn_logit, axis=-1)
    return (r_weight, topk_index)

if __name__ == "__main__":
    import jax
    _d = setup_inputs()
    print(jax.jit(kernel)(*tuple(_d.values())))

</pallas_src>

<mosaic_0001>
#map = affine_map<(d0, d1) -> (0, 0)>
module attributes {stable_mosaic.version = 14 : i64} {
  func.func @_sc_topk_body(%arg0: i32, %arg1: i32, %arg2: memref<262144x256xf32, #tpu.memory_space<hbm>>, %arg3: memref<262144x16xf32, #tpu.memory_space<hbm>>, %arg4: memref<262144x16xi32, #tpu.memory_space<hbm>>, %arg5: memref<128x256xf32, #tpu.memory_space<vmem>>, %arg6: memref<128x256xf32, #tpu.memory_space<vmem>>, %arg7: memref<128x16xf32, #tpu.memory_space<vmem>>, %arg8: memref<128x16xi32, #tpu.memory_space<vmem>>, %arg9: memref<!tpu.dma_semaphore, #tpu.memory_space<semaphore_mem>>, %arg10: memref<!tpu.dma_semaphore, #tpu.memory_space<semaphore_mem>>) attributes {dimension_semantics = [#tpu.dimension_semantics<core_parallel>, #tpu.dimension_semantics<subcore_parallel>], iteration_bounds = array<i64: 2, 16>, scalar_prefetch = 0 : i64, scratch_operands = 6 : i64, tpu.core_type = #tpu.core_type<sc_vector_subcore>, window_params = [{transform_indices = #map}, {transform_indices = #map}, {transform_indices = #map}]} {
    %mul3A = arith.constant 2 : i32
    %mul3A_0 = arith.muli %arg1, %mul3A : i32
    %add3A = arith.addi %mul3A_0, %arg0 : i32
    %mul3A_1 = arith.constant 8192 : i32
    %mul3A_2 = arith.muli %add3A, %mul3A_1 : i32
    %iota3A = tpu.iota {dimensions = array<i32: 0>} : vector<16xi32>
    %dma_start3A = arith.constant 0 : i32
    %dma_start3A_3 = tpu.memref_slice %arg2[%mul3A_2, %dma_start3A] : memref<262144x256xf32, #tpu.memory_space<hbm>> -> memref<128x256xf32, #tpu.memory_space<hbm>>
    %dma_start3A_4 = arith.constant 0 : i32
    %dma_start3A_5 = tpu.memref_slice %arg2[%mul3A_2, %dma_start3A_4] : memref<262144x256xf32, #tpu.memory_space<hbm>> -> memref<128x256xf32, #tpu.memory_space<hbm>>
    tpu.enqueue_dma source(%dma_start3A_5 : memref<128x256xf32, #tpu.memory_space<hbm>>) target(%arg5 : memref<128x256xf32, #tpu.memory_space<vmem>>) target_semaphore(%arg9 : memref<!tpu.dma_semaphore, #tpu.memory_space<semaphore_mem>>)
    %add3A_6 = arith.constant 128 : i32
    %add3A_7 = arith.addi %mul3A_2, %add3A_6 : i32
    %dma_start3A_8 = arith.constant 0 : i32
    %dma_start3A_9 = tpu.memref_slice %arg2[%add3A_7, %dma_start3A_8] : memref<262144x256xf32, #tpu.memory_space<hbm>> -> memref<128x256xf32, #tpu.memory_space<hbm>>
    %dma_start3A_10 = arith.constant 0 : i32
    %dma_start3A_11 = tpu.memref_slice %arg2[%add3A_7, %dma_start3A_10] : memref<262144x256xf32, #tpu.memory_space<hbm>> -> memref<128x256xf32, #tpu.memory_space<hbm>>
    tpu.enqueue_dma source(%dma_start3A_11 : memref<128x256xf32, #tpu.memory_space<hbm>>) target(%arg6 : memref<128x256xf32, #tpu.memory_space<vmem>>) target_semaphore(%arg10 : memref<!tpu.dma_semaphore, #tpu.memory_space<semaphore_mem>>)
    %scan3A = arith.constant 0 : i32
    %scan3A_12 = arith.constant 0 : i32
    %scan3A_13 = arith.constant 32 : i32
    %scan3A_14 = arith.addi %scan3A_12, %scan3A_13 : i32
    %scan3A_15 = arith.constant 1 : i32
    %scan3A_16 = scf.for %scan3A_18 = %scan3A_12 to %scan3A_14 step %scan3A_15 iter_args(%scan3A_19 = %scan3A) -> (i32)  : i32 {
      %mul3A_20 = arith.constant 2 : i32
      %mul3A_21 = arith.muli %mul3A_20, %scan3A_18 : i32
      %add3A_22 = arith.constant 0 : i32
      %add3A_23 = arith.addi %mul3A_21, %add3A_22 : i32
      %mul3A_24 = arith.constant 128 : i32
      %mul3A_25 = arith.muli %add3A_23, %mul3A_24 : i32
      %add3A_26 = arith.addi %mul3A_2, %mul3A_25 : i32
      %dma_wait3A = arith.constant 0 : i32
      %dma_wait3A_27 = tpu.memref_slice %arg2[%add3A_26, %dma_wait3A] : memref<262144x256xf32, #tpu.memory_space<hbm>> -> memref<128x256xf32, #tpu.memory_space<hbm>>
      %dma_wait3A_28 = arith.constant 0 : i32
      %dma_wait3A_29 = tpu.memref_slice %arg2[%add3A_26, %dma_wait3A_28] : memref<262144x256xf32, #tpu.memory_space<hbm>> -> memref<128x256xf32, #tpu.memory_space<hbm>>
      tpu.wait_dma2 semaphore(%arg9 : memref<!tpu.dma_semaphore, #tpu.memory_space<semaphore_mem>>) src(%dma_wait3A_29 : memref<128x256xf32, #tpu.memory_space<hbm>>) dst(%arg5 : memref<128x256xf32, #tpu.memory_space<vmem>>)
      %parallel_loop3A = arith.constant 0 : i32
      %parallel_loop3A_30 = arith.constant 128 : i32
      %parallel_loop3A_31 = arith.constant 1 : i32
      scf.for %parallel_loop3A_58 = %parallel_loop3A to %parallel_loop3A_30 step %parallel_loop3A_31  : i32 {
        %parallel_loop3A_59 = arith.index_cast %parallel_loop3A_58 : i32 to index
        %parallel_loop3A_60 = arith.constant 0 : index
        %parallel_loop3A_61 = tpu.vector_load %arg5[%parallel_loop3A_59, %parallel_loop3A_60] {strides = array<i32>} : memref<128x256xf32, #tpu.memory_space<vmem>>, vector<16xf32>,
        %parallel_loop3A_62 = arith.constant 0 : i32
        %parallel_loop3A_63 = vector.broadcast %parallel_loop3A_62 : i32 to vector<16xi32>
        %parallel_loop3A_64 = arith.addi %iota3A, %parallel_loop3A_63 : vector<16xi32>
        %parallel_loop3A_65 = arith.constant dense<true> : vector<16xi1>
        %parallel_loop3A_66, %parallel_loop3A_67, %parallel_loop3A_68 = tpu.sort %parallel_loop3A_61, %parallel_loop3A_64 masked %parallel_loop3A_65 {descending = true} : (vector<16xf32>, vector<16xi32>, vector<16xi1>) -> (vector<16xi1>, vector<16xf32>, vector<16xi32>)
        %parallel_loop3A_69 = arith.index_cast %parallel_loop3A_58 : i32 to index
        %parallel_loop3A_70 = arith.constant 16 : index
        %parallel_loop3A_71 = tpu.vector_load %arg5[%parallel_loop3A_69, %parallel_loop3A_70] {strides = array<i32>} : memref<128x256xf32, #tpu.memory_space<vmem>>, vector<16xf32>,
        %parallel_loop3A_72 = arith.constant 16 : i32
        %parallel_loop3A_73 = vector.broadcast %parallel_loop3A_72 : i32 to vector<16xi32>
        %parallel_loop3A_74 = arith.addi %iota3A, %parallel_loop3A_73 : vector<16xi32>
        %parallel_loop3A_75 = arith.constant dense<true> : vector<16xi1>
        %parallel_loop3A_76, %parallel_loop3A_77, %parallel_loop3A_78 = tpu.sort %parallel_loop3A_71, %parallel_loop3A_74 masked %parallel_loop3A_75 : (vector<16xf32>, vector<16xi32>, vector<16xi1>) -> (vector<16xi1>, vector<16xf32>, vector<16xi32>)
        %parallel_loop3A_79 = arith.index_cast %parallel_loop3A_58 : i32 to index
        %parallel_loop3A_80 = arith.constant 32 : index
        %parallel_loop3A_81 = tpu.vector_load %arg5[%parallel_loop3A_79, %parallel_loop3A_80] {strides = array<i32>} : memref<128x256xf32, #tpu.memory_space<vmem>>, vector<16xf32>,
        %parallel_loop3A_82 = arith.constant 32 : i32
        %parallel_loop3A_83 = vector.broadcast %parallel_loop3A_82 : i32 to vector<16xi32>
        %parallel_loop3A_84 = arith.addi %iota3A, %parallel_loop3A_83 : vector<16xi32>
        %parallel_loop3A_85 = arith.constant dense<true> : vector<16xi1>
        %parallel_loop3A_86, %parallel_loop3A_87, %parallel_loop3A_88 = tpu.sort %parallel_loop3A_81, %parallel_loop3A_84 masked %parallel_loop3A_85 {descending = true} : (vector<16xf32>, vector<16xi32>, vector<16xi1>) -> (vector<16xi1>, vector<16xf32>, vector<16xi32>)
        %parallel_loop3A_89 = arith.index_cast %parallel_loop3A_58 : i32 to index
        %parallel_loop3A_90 = arith.constant 48 : index
        %parallel_loop3A_91 = tpu.vector_load %arg5[%parallel_loop3A_89, %parallel_loop3A_90] {strides = array<i32>} : memref<128x256xf32, #tpu.memory_space<vmem>>, vector<16xf32>,
        %parallel_loop3A_92 = arith.constant 48 : i32
        %parallel_loop3A_93 = vector.broadcast %parallel_loop3A_92 : i32 to vector<16xi32>
        %parallel_loop3A_94 = arith.addi %iota3A, %parallel_loop3A_93 : vector<16xi32>
        %parallel_loop3A_95 = arith.constant dense<true> : vector<16xi1>
        %parallel_loop3A_96, %parallel_loop3A_97, %parallel_loop3A_98 = tpu.sort %parallel_loop3A_91, %parallel_loop3A_94 masked %parallel_loop3A_95 : (vector<16xf32>, vector<16xi32>, vector<16xi1>) -> (vector<16xi1>, vector<16xf32>, vector<16xi32>)
        %parallel_loop3A_99 = arith.index_cast %parallel_loop3A_58 : i32 to index
        %parallel_loop3A_100 = arith.constant 64 : index
        %parallel_loop3A_101 = tpu.vector_load %arg5[%parallel_loop3A_99, %parallel_loop3A_100] {strides = array<i32>} : memref<128x256xf32, #tpu.memory_space<vmem>>, vector<16xf32>,
        %parallel_loop3A_102 = arith.constant 64 : i32
        %parallel_loop3A_103 = vector.broadcast %parallel_loop3A_102 : i32 to vector<16xi32>
        %parallel_loop3A_104 = arith.addi %iota3A, %parallel_loop3A_103 : vector<16xi32>
        %parallel_loop3A_105 = arith.constant dense<true> : vector<16xi1>
        %parallel_loop3A_106, %parallel_loop3A_107, %parallel_loop3A_108 = tpu.sort %parallel_loop3A_101, %parallel_loop3A_104 masked %parallel_loop3A_105 {descending = true} : (vector<16xf32>, vector<16xi32>, vector<16xi1>) -> (vector<16xi1>, vector<16xf32>, vector<16xi32>)
        %parallel_loop3A_109 = arith.index_cast %parallel_loop3A_58 : i32 to index
        %parallel_loop3A_110 = arith.constant 80 : index
        %parallel_loop3A_111 = tpu.vector_load %arg5[%parallel_loop3A_109, %parallel_loop3A_110] {strides = array<i32>} : memref<128x256xf32, #tpu.memory_space<vmem>>, vector<16xf32>,
        %parallel_loop3A_112 = arith.constant 80 : i32
        %parallel_loop3A_113 = vector.broadcast %parallel_loop3A_112 : i32 to vector<16xi32>
        %parallel_loop3A_114 = arith.addi %iota3A, %parallel_loop3A_113 : vector<16xi32>
        %parallel_loop3A_115 = arith.constant dense<true> : vector<16xi1>
        %parallel_loop3A_116, %parallel_loop3A_117, %parallel_loop3A_118 = tpu.sort %parallel_loop3A_111, %parallel_loop3A_114 masked %parallel_loop3A_115 : (vector<16xf32>, vector<16xi32>, vector<16xi1>) -> (vector<16xi1>, vector<16xf32>, vector<16xi32>)
        %parallel_loop3A_119 = arith.index_cast %parallel_loop3A_58 : i32 to index
        %parallel_loop3A_120 = arith.constant 96 : index
        %parallel_loop3A_121 = tpu.vector_load %arg5[%parallel_loop3A_119, %parallel_loop3A_120] {strides = array<i32>} : memref<128x256xf32, #tpu.memory_space<vmem>>, vector<16xf32>,
        %parallel_loop3A_122 = arith.constant 96 : i32
        %parallel_loop3A_123 = vector.broadcast %parallel_loop3A_122 : i32 to vector<16xi32>
        %parallel_loop3A_124 = arith.addi %iota3A, %parallel_loop3A_123 : vector<16xi32>
        %parallel_loop3A_125 = arith.constant dense<true> : vector<16xi1>
        %parallel_loop3A_126, %parallel_loop3A_127, %parallel_loop3A_128 = tpu.sort %parallel_loop3A_121, %parallel_loop3A_124 masked %parallel_loop3A_125 {descending = true} : (vector<16xf32>, vector<16xi32>, vector<16xi1>) -> (vector<16xi1>, vector<16xf32>, vector<16xi32>)
        %parallel_loop3A_129 = arith.index_cast %parallel_loop3A_58 : i32 to index
        %parallel_loop3A_130 = arith.constant 112 : index
        %parallel_loop3A_131 = tpu.vector_load %arg5[%parallel_loop3A_129, %parallel_loop3A_130] {strides = array<i32>} : memref<128x256xf32, #tpu.memory_space<vmem>>, vector<16xf32>,
        %parallel_loop3A_132 = arith.constant 112 : i32
        %parallel_loop3A_133 = vector.broadcast %parallel_loop3A_132 : i32 to vector<16xi32>
        %parallel_loop3A_134 = arith.addi %iota3A, %parallel_loop3A_133 : vector<16xi32>
        %parallel_loop3A_135 = arith.constant dense<true> : vector<16xi1>
        %parallel_loop3A_136, %parallel_loop3A_137, %parallel_loop3A_138 = tpu.sort %parallel_loop3A_131, %parallel_loop3A_134 masked %parallel_loop3A_135 : (vector<16xf32>, vector<16xi32>, vector<16xi1>) -> (vector<16xi1>, vector<16xf32>, vector<16xi32>)
        %parallel_loop3A_139 = arith.index_cast %parallel_loop3A_58 : i32 to index
        %parallel_loop3A_140 = arith.constant 128 : index
        %parallel_loop3A_141 = tpu.vector_load %arg5[%parallel_loop3A_139, %parallel_loop3A_140] {strides = array<i32>} : memref<128x256xf32, #tpu.memory_space<vmem>>, vector<16xf32>,
        %parallel_loop3A_142 = arith.constant 128 : i32
        %parallel_loop3A_143 = vector.broadcast %parallel_loop3A_142 : i32 to vector<16xi32>
        %parallel_loop3A_144 = arith.addi %iota3A, %parallel_loop3A_143 : vector<16xi32>
        %parallel_loop3A_145 = arith.constant dense<true> : vector<16xi1>
        %parallel_loop3A_146, %parallel_loop3A_147, %parallel_loop3A_148 = tpu.sort %parallel_loop3A_141, %parallel_loop3A_144 masked %parallel_loop3A_145 {descending = true} : (vector<16xf32>, vector<16xi32>, vector<16xi1>) -> (vector<16xi1>, vector<16xf32>, vector<16xi32>)
        %parallel_loop3A_149 = arith.index_cast %parallel_loop3A_58 : i32 to index
        %parallel_loop3A_150 = arith.constant 144 : index
        %parallel_loop3A_151 = tpu.vector_load %arg5[%parallel_loop3A_149, %parallel_loop3A_150] {strides = array<i32>} : memref<128x256xf32, #tpu.memory_space<vmem>>, vector<16xf32>,
        %parallel_loop3A_152 = arith.constant 144 : i32
        %parallel_loop3A_153 = vector.broadcast %parallel_loop3A_152 : i32 to vector<16xi32>
        %parallel_loop3A_154 = arith.addi %iota3A, %parallel_loop3A_153 : vector<16xi32>
        %parallel_loop3A_155 = arith.constant dense<true> : vector<16xi1>
        %parallel_loop3A_156, %parallel_loop3A_157, %parallel_loop3A_158 = tpu.sort %parallel_loop3A_151, %parallel_loop3A_154 masked %parallel_loop3A_155 : (vector<16xf32>, vector<16xi32>, vector<16xi1>) -> (vector<16xi1>, vector<16xf32>, vector<16xi32>)
        %parallel_loop3A_159 = arith.index_cast %parallel_loop3A_58 : i32 to index
        %parallel_loop3A_160 = arith.constant 160 : index
        %parallel_loop3A_161 = tpu.vector_load %arg5[%parallel_loop3A_159, %parallel_loop3A_160] {strides = array<i32>} : memref<128x256xf32, #tpu.memory_space<vmem>>, vector<16xf32>,
        %parallel_loop3A_162 = arith.constant 160 : i32
        %parallel_loop3A_163 = vector.broadcast %parallel_loop3A_162 : i32 to vector<16xi32>
        %parallel_loop3A_164 = arith.addi %iota3A, %parallel_loop3A_163 : vector<16xi32>
        %parallel_loop3A_165 = arith.constant dense<true> : vector<16xi1>
        %parallel_loop3A_166, %parallel_loop3A_167, %parallel_loop3A_168 = tpu.sort %parallel_loop3A_161, %parallel_loop3A_164 masked %parallel_loop3A_165 {descending = true} : (vector<16xf32>, vector<16xi32>, vector<16xi1>) -> (vector<16xi1>, vector<16xf32>, vector<16xi32>)
        %parallel_loop3A_169 = arith.index_cast %parallel_loop3A_58 : i32 to index
        %parallel_loop3A_170 = arith.constant 176 : index
        %parallel_loop3A_171 = tpu.vector_load %arg5[%parallel_loop3A_169, %parallel_loop3A_170] {strides = array<i32>} : memref<128x256xf32, #tpu.memory_space<vmem>>, vector<16xf32>,
        %parallel_loop3A_172 = arith.constant 176 : i32
        %parallel_loop3A_173 = vector.broadcast %parallel_loop3A_172 : i32 to vector<16xi32>
        %parallel_loop3A_174 = arith.addi %iota3A, %parallel_loop3A_173 : vector<16xi32>
        %parallel_loop3A_175 = arith.constant dense<true> : vector<16xi1>
        %parallel_loop3A_176, %parallel_loop3A_177, %parallel_loop3A_178 = tpu.sort %parallel_loop3A_171, %parallel_loop3A_174 masked %parallel_loop3A_175 : (vector<16xf32>, vector<16xi32>, vector<16xi1>) -> (vector<16xi1>, vector<16xf32>, vector<16xi32>)
        %parallel_loop3A_179 = arith.index_cast %parallel_loop3A_58 : i32 to index
        %parallel_loop3A_180 = arith.constant 192 : index
        %parallel_loop3A_181 = tpu.vector_load %arg5[%parallel_loop3A_179, %parallel_loop3A_180] {strides = array<i32>} : memref<128x256xf32, #tpu.memory_space<vmem>>, vector<16xf32>,
        %parallel_loop3A_182 = arith.constant 192 : i32
        %parallel_loop3A_183 = vector.broadcast %parallel_loop3A_182 : i32 to vector<16xi32>
        %parallel_loop3A_184 = arith.addi %iota3A, %parallel_loop3A_183 : vector<16xi32>
        %parallel_loop3A_185 = arith.constant dense<true> : vector<16xi1>
        %parallel_loop3A_186, %parallel_loop3A_187, %parallel_loop3A_188 = tpu.sort %parallel_loop3A_181, %parallel_loop3A_184 masked %parallel_loop3A_185 {descending = true} : (vector<16xf32>, vector<16xi32>, vector<16xi1>) -> (vector<16xi1>, vector<16xf32>, vector<16xi32>)
        %parallel_loop3A_189 = arith.index_cast %parallel_loop3A_58 : i32 to index
        %parallel_loop3A_190 = arith.constant 208 : index
        %parallel_loop3A_191 = tpu.vector_load %arg5[%parallel_loop3A_189, %parallel_loop3A_190] {strides = array<i32>} : memref<128x256xf32, #tpu.memory_space<vmem>>, vector<16xf32>,
        %parallel_loop3A_192 = arith.constant 208 : i32
        %parallel_loop3A_193 = vector.broadcast %parallel_loop3A_192 : i32 to vector<16xi32>
        %parallel_loop3A_194 = arith.addi %iota3A, %parallel_loop3A_193 : vector<16xi32>
        %parallel_loop3A_195 = arith.constant dense<true> : vector<16xi1>
        %parallel_loop3A_196, %parallel_loop3A_197, %parallel_loop3A_198 = tpu.sort %parallel_loop3A_191, %parallel_loop3A_194 masked %parallel_loop3A_195 : (vector<16xf32>, vector<16xi32>, vector<16xi1>) -> (vector<16xi1>, vector<16xf32>, vector<16xi32>)
        %parallel_loop3A_199 = arith.index_cast %parallel_loop3A_58 : i32 to index
        %parallel_loop3A_200 = arith.constant 224 : index
        %parallel_loop3A_201 = tpu.vector_load %arg5[%parallel_loop3A_199, %parallel_loop3A_200] {strides = array<i32>} : memref<128x256xf32, #tpu.memory_space<vmem>>, vector<16xf32>,
        %parallel_loop3A_202 = arith.constant 224 : i32
        %parallel_loop3A_203 = vector.broadcast %parallel_loop3A_202 : i32 to vector<16xi32>
        %parallel_loop3A_204 = arith.addi %iota3A, %parallel_loop3A_203 : vector<16xi32>
        %parallel_loop3A_205 = arith.constant dense<true> : vector<16xi1>
        %parallel_loop3A_206, %parallel_loop3A_207, %parallel_loop3A_208 = tpu.sort %parallel_loop3A_201, %parallel_loop3A_204 masked %parallel_loop3A_205 {descending = true} : (vector<16xf32>, vector<16xi32>, vector<16xi1>) -> (vector<16xi1>, vector<16xf32>, vector<16xi32>)
        %parallel_loop3A_209 = arith.index_cast %parallel_loop3A_58 : i32 to index
        %parallel_loop3A_210 = arith.constant 240 : index
        %parallel_loop3A_211 = tpu.vector_load %arg5[%parallel_loop3A_209, %parallel_loop3A_210] {strides = array<i32>} : memref<128x256xf32, #tpu.memory_space<vmem>>, vector<16xf32>,
        %parallel_loop3A_212 = arith.constant 240 : i32
        %parallel_loop3A_213 = vector.broadcast %parallel_loop3A_212 : i32 to vector<16xi32>
        %parallel_loop3A_214 = arith.addi %iota3A, %parallel_loop3A_213 : vector<16xi32>
        %parallel_loop3A_215 = arith.constant dense<true> : vector<16xi1>
        %parallel_loop3A_216, %parallel_loop3A_217, %parallel_loop3A_218 = tpu.sort %parallel_loop3A_211, %parallel_loop3A_214 masked %parallel_loop3A_215 : (vector<16xf32>, vector<16xi32>, vector<16xi1>) -> (vector<16xi1>, vector<16xf32>, vector<16xi32>)
        %parallel_loop3A_219 = arith.cmpf oge, %parallel_loop3A_67, %parallel_loop3A_77 : vector<16xf32>
        %parallel_loop3A_220 = arith.select %parallel_loop3A_219, %parallel_loop3A_67, %parallel_loop3A_77 : vector<16xi1>, vector<16xf32>
        %parallel_loop3A_221 = arith.select %parallel_loop3A_219, %parallel_loop3A_68, %parallel_loop3A_78 : vector<16xi1>, vector<16xi32>
        %parallel_loop3A_222 = arith.constant dense<true> : vector<16xi1>
        %parallel_loop3A_223, %parallel_loop3A_224, %parallel_loop3A_225 = tpu.sort %parallel_loop3A_220, %parallel_loop3A_221 masked %parallel_loop3A_222 {descending = true} : (vector<16xf32>, vector<16xi32>, vector<16xi1>) -> (vector<16xi1>, vector<16xf32>, vector<16xi32>)
        %parallel_loop3A_226 = arith.cmpf oge, %parallel_loop3A_87, %parallel_loop3A_97 : vector<16xf32>
        %parallel_loop3A_227 = arith.select %parallel_loop3A_226, %parallel_loop3A_87, %parallel_loop3A_97 : vector<16xi1>, vector<16xf32>
        %parallel_loop3A_228 = arith.select %parallel_loop3A_226, %parallel_loop3A_88, %parallel_loop3A_98 : vector<16xi1>, vector<16xi32>
        %parallel_loop3A_229 = arith.constant dense<true> : vector<16xi1>
        %parallel_loop3A_230, %parallel_loop3A_231, %parallel_loop3A_232 = tpu.sort %parallel_loop3A_227, %parallel_loop3A_228 masked %parallel_loop3A_229 : (vector<16xf32>, vector<16xi32>, vector<16xi1>) -> (vector<16xi1>, vector<16xf32>, vector<16xi32>)
        %parallel_loop3A_233 = arith.cmpf oge, %parallel_loop3A_107, %parallel_loop3A_117 : vector<16xf32>
        %parallel_loop3A_234 = arith.select %parallel_loop3A_233, %parallel_loop3A_107, %parallel_loop3A_117 : vector<16xi1>, vector<16xf32>
        %parallel_loop3A_235 = arith.select %parallel_loop3A_233, %parallel_loop3A_108, %parallel_loop3A_118 : vector<16xi1>, vector<16xi32>
        %parallel_loop3A_236 = arith.constant dense<true> : vector<16xi1>
        %parallel_loop3A_237, %parallel_loop3A_238, %parallel_loop3A_239 = tpu.sort %parallel_loop3A_234, %parallel_loop3A_235 masked %parallel_loop3A_236 {descending = true} : (vector<16xf32>, vector<16xi32>, vector<16xi1>) -> (vector<16xi1>, vector<16xf32>, vector<16xi32>)
        %parallel_loop3A_240 = arith.cmpf oge, %parallel_loop3A_127, %parallel_loop3A_137 : vector<16xf32>
        %parallel_loop3A_241 = arith.select %parallel_loop3A_240, %parallel_loop3A_127, %parallel_loop3A_137 : vector<16xi1>, vector<16xf32>
        %parallel_loop3A_242 = arith.select %parallel_loop3A_240, %parallel_loop3A_128, %parallel_loop3A_138 : vector<16xi1>, vector<16xi32>
        %parallel_loop3A_243 = arith.constant dense<true> : vector<16xi1>
        %parallel_loop3A_244, %parallel_loop3A_245, %parallel_loop3A_246 = tpu.sort %parallel_loop3A_241, %parallel_loop3A_242 masked %parallel_loop3A_243 : (vector<16xf32>, vector<16xi32>, vector<16xi1>) -> (vector<16xi1>, vector<16xf32>, vector<16xi32>)
        %parallel_loop3A_247 = arith.cmpf oge, %parallel_loop3A_147, %parallel_loop3A_157 : vector<16xf32>
        %parallel_loop3A_248 = arith.select %parallel_loop3A_247, %parallel_loop3A_147, %parallel_loop3A_157 : vector<16xi1>, vector<16xf32>
        %parallel_loop3A_249 = arith.select %parallel_loop3A_247, %parallel_loop3A_148, %parallel_loop3A_158 : vector<16xi1>, vector<16xi32>
        %parallel_loop3A_250 = arith.constant dense<true> : vector<16xi1>
        %parallel_loop3A_251, %parallel_loop3A_252, %parallel_loop3A_253 = tpu.sort %parallel_loop3A_248, %parallel_loop3A_249 masked %parallel_loop3A_250 {descending = true} : (vector<16xf32>, vector<16xi32>, vector<16xi1>) -> (vector<16xi1>, vector<16xf32>, vector<16xi32>)
        %parallel_loop3A_254 = arith.cmpf oge, %parallel_loop3A_167, %parallel_loop3A_177 : vector<16xf32>
        %parallel_loop3A_255 = arith.select %parallel_loop3A_254, %parallel_loop3A_167, %parallel_loop3A_177 : vector<16xi1>, vector<16xf32>
        %parallel_loop3A_256 = arith.select %parallel_loop3A_254, %parallel_loop3A_168, %parallel_loop3A_178 : vector<16xi1>, vector<16xi32>
        %parallel_loop3A_257 = arith.constant dense<true> : vector<16xi1>
        %parallel_loop3A_258, %parallel_loop3A_259, %parallel_loop3A_260 = tpu.sort %parallel_loop3A_255, %parallel_loop3A_256 masked %parallel_loop3A_257 : (vector<16xf32>, vector<16xi32>, vector<16xi1>) -> (vector<16xi1>, vector<16xf32>, vector<16xi32>)
        %parallel_loop3A_261 = arith.cmpf oge, %parallel_loop3A_187, %parallel_loop3A_197 : vector<16xf32>
        %parallel_loop3A_262 = arith.select %parallel_loop3A_261, %parallel_loop3A_187, %parallel_loop3A_197 : vector<16xi1>, vector<16xf32>
        %parallel_loop3A_263 = arith.select %parallel_loop3A_261, %parallel_loop3A_188, %parallel_loop3A_198 : vector<16xi1>, vector<16xi32>
        %parallel_loop3A_264 = arith.constant dense<true> : vector<16xi1>
        %parallel_loop3A_265, %parallel_loop3A_266, %parallel_loop3A_267 = tpu.sort %parallel_loop3A_262, %parallel_loop3A_263 masked %parallel_loop3A_264 {descending = true} : (vector<16xf32>, vector<16xi32>, vector<16xi1>) -> (vector<16xi1>, vector<16xf32>, vector<16xi32>)
        %parallel_loop3A_268 = arith.cmpf oge, %parallel_loop3A_207, %parallel_loop3A_217 : vector<16xf32>
        %parallel_loop3A_269 = arith.select %parallel_loop3A_268, %parallel_loop3A_207, %parallel_loop3A_217 : vector<16xi1>, vector<16xf32>
        %parallel_loop3A_270 = arith.select %parallel_loop3A_268, %parallel_loop3A_208, %parallel_loop3A_218 : vector<16xi1>, vector<16xi32>
        %parallel_loop3A_271 = arith.constant dense<true> : vector<16xi1>
        %parallel_loop3A_272, %parallel_loop3A_273, %parallel_loop3A_274 = tpu.sort %parallel_loop3A_269, %parallel_loop3A_270 masked %parallel_loop3A_271 : (vector<16xf32>, vector<16xi32>, vector<16xi1>) -> (vector<16xi1>, vector<16xf32>, vector<16xi32>)
        %parallel_loop3A_275 = arith.cmpf oge, %parallel_loop3A_224, %parallel_loop3A_231 : vector<16xf32>
        %parallel_loop3A_276 = arith.select %parallel_loop3A_275, %parallel_loop3A_224, %parallel_loop3A_231 : vector<16xi1>, vector<16xf32>
        %parallel_loop3A_277 = arith.select %parallel_loop3A_275, %parallel_loop3A_225, %parallel_loop3A_232 : vector<16xi1>, vector<16xi32>
        %parallel_loop3A_278 = arith.constant dense<true> : vector<16xi1>
        %parallel_loop3A_279, %parallel_loop3A_280, %parallel_loop3A_281 = tpu.sort %parallel_loop3A_276, %parallel_loop3A_277 masked %parallel_loop3A_278 {descending = true} : (vector<16xf32>, vector<16xi32>, vector<16xi1>) -> (vector<16xi1>, vector<16xf32>, vector<16xi32>)
        %parallel_loop3A_282 = arith.cmpf oge, %parallel_loop3A_238, %parallel_loop3A_245 : vector<16xf32>
        %parallel_loop3A_283 = arith.select %parallel_loop3A_282, %parallel_loop3A_238, %parallel_loop3A_245 : vector<16xi1>, vector<16xf32>
        %parallel_loop3A_284 = arith.select %parallel_loop3A_282, %parallel_loop3A_239, %parallel_loop3A_246 : vector<16xi1>, vector<16xi32>
        %parallel_loop3A_285 = arith.constant dense<true> : vector<16xi1>
        %parallel_loop3A_286, %parallel_loop3A_287, %parallel_loop3A_288 = tpu.sort %parallel_loop3A_283, %parallel_loop3A_284 masked %parallel_loop3A_285 : (vector<16xf32>, vector<16xi32>, vector<16xi1>) -> (vector<16xi1>, vector<16xf32>, vector<16xi32>)
        %parallel_loop3A_289 = arith.cmpf oge, %parallel_loop3A_252, %parallel_loop3A_259 : vector<16xf32>
        %parallel_loop3A_290 = arith.select %parallel_loop3A_289, %parallel_loop3A_252, %parallel_loop3A_259 : vector<16xi1>, vector<16xf32>
        %parallel_loop3A_291 = arith.select %parallel_loop3A_289, %parallel_loop3A_253, %parallel_loop3A_260 : vector<16xi1>, vector<16xi32>
        %parallel_loop3A_292 = arith.constant dense<true> : vector<16xi1>
        %parallel_loop3A_293, %parallel_loop3A_294, %parallel_loop3A_295 = tpu.sort %parallel_loop3A_290, %parallel_loop3A_291 masked %parallel_loop3A_292 {descending = true} : (vector<16xf32>, vector<16xi32>, vector<16xi1>) -> (vector<16xi1>, vector<16xf32>, vector<16xi32>)
        %parallel_loop3A_296 = arith.cmpf oge, %parallel_loop3A_266, %parallel_loop3A_273 : vector<16xf32>
        %parallel_loop3A_297 = arith.select %parallel_loop3A_296, %parallel_loop3A_266, %parallel_loop3A_273 : vector<16xi1>, vector<16xf32>
        %parallel_loop3A_298 = arith.select %parallel_loop3A_296, %parallel_loop3A_267, %parallel_loop3A_274 : vector<16xi1>, vector<16xi32>
        %parallel_loop3A_299 = arith.constant dense<true> : vector<16xi1>
        %parallel_loop3A_300, %parallel_loop3A_301, %parallel_loop3A_302 = tpu.sort %parallel_loop3A_297, %parallel_loop3A_298 masked %parallel_loop3A_299 : (vector<16xf32>, vector<16xi32>, vector<16xi1>) -> (vector<16xi1>, vector<16xf32>, vector<16xi32>)
        %parallel_loop3A_303 = arith.cmpf oge, %parallel_loop3A_280, %parallel_loop3A_287 : vector<16xf32>
        %parallel_loop3A_304 = arith.select %parallel_loop3A_303, %parallel_loop3A_280, %parallel_loop3A_287 : vector<16xi1>, vector<16xf32>
        %parallel_loop3A_305 = arith.select %parallel_loop3A_303, %parallel_loop3A_281, %parallel_loop3A_288 : vector<16xi1>, vector<16xi32>
        %parallel_loop3A_306 = arith.constant dense<true> : vector<16xi1>
        %parallel_loop3A_307, %parallel_loop3A_308, %parallel_loop3A_309 = tpu.sort %parallel_loop3A_304, %parallel_loop3A_305 masked %parallel_loop3A_306 {descending = true} : (vector<16xf32>, vector<16xi32>, vector<16xi1>) -> (vector<16xi1>, vector<16xf32>, vector<16xi32>)
        %parallel_loop3A_310 = arith.cmpf oge, %parallel_loop3A_294, %parallel_loop3A_301 : vector<16xf32>
        %parallel_loop3A_311 = arith.select %parallel_loop3A_310, %parallel_loop3A_294, %parallel_loop3A_301 : vector<16xi1>, vector<16xf32>
        %parallel_loop3A_312 = arith.select %parallel_loop3A_310, %parallel_loop3A_295, %parallel_loop3A_302 : vector<16xi1>, vector<16xi32>
        %parallel_loop3A_313 = arith.constant dense<true> : vector<16xi1>
        %parallel_loop3A_314, %parallel_loop3A_315, %parallel_loop3A_316 = tpu.sort %parallel_loop3A_311, %parallel_loop3A_312 masked %parallel_loop3A_313 : (vector<16xf32>, vector<16xi32>, vector<16xi1>) -> (vector<16xi1>, vector<16xf32>, vector<16xi32>)
        %parallel_loop3A_317 = arith.cmpf oge, %parallel_loop3A_308, %parallel_loop3A_315 : vector<16xf32>
        %parallel_loop3A_318 = arith.select %parallel_loop3A_317, %parallel_loop3A_308, %parallel_loop3A_315 : vector<16xi1>, vector<16xf32>
        %parallel_loop3A_319 = arith.select %parallel_loop3A_317, %parallel_loop3A_309, %parallel_loop3A_316 : vector<16xi1>, vector<16xi32>
        %parallel_loop3A_320 = arith.constant dense<true> : vector<16xi1>
        %parallel_loop3A_321, %parallel_loop3A_322, %parallel_loop3A_323 = tpu.sort %parallel_loop3A_318, %parallel_loop3A_319 masked %parallel_loop3A_320 {descending = true} : (vector<16xf32>, vector<16xi32>, vector<16xi1>) -> (vector<16xi1>, vector<16xf32>, vector<16xi32>)
        %parallel_loop3A_324 = arith.constant true
        %parallel_loop3A_325 = vector.broadcast %parallel_loop3A_324 : i1 to vector<16xi1>
        %parallel_loop3A_326 = tpu.scan <max>, %parallel_loop3A_322 masked %parallel_loop3A_325 : vector<16xf32>, vector<16xi1> -> vector<16xf32>
        %parallel_loop3A_327 = vector.extract %parallel_loop3A_326[15] : f32 from vector<16xf32>
        %parallel_loop3A_328 = vector.broadcast %parallel_loop3A_327 : f32 to vector<16xf32>
        %parallel_loop3A_329 = arith.subf %parallel_loop3A_322, %parallel_loop3A_328 : vector<16xf32>
        %parallel_loop3A_330 = math.exp %parallel_loop3A_329 : vector<16xf32>
        %parallel_loop3A_331 = arith.constant true
        %parallel_loop3A_332 = vector.broadcast %parallel_loop3A_331 : i1 to vector<16xi1>
        %parallel_loop3A_333 = tpu.scan <sum>, %parallel_loop3A_330 masked %parallel_loop3A_332 : vector<16xf32>, vector<16xi1> -> vector<16xf32>
        %parallel_loop3A_334 = vector.extract %parallel_loop3A_333[15] : f32 from vector<16xf32>
        %parallel_loop3A_335 = vector.broadcast %parallel_loop3A_334 : f32 to vector<16xf32>
        %parallel_loop3A_336 = arith.divf %parallel_loop3A_330, %parallel_loop3A_335 : vector<16xf32>
        %parallel_loop3A_337 = arith.index_cast %parallel_loop3A_58 : i32 to index
        %parallel_loop3A_338 = arith.constant 0 : index
        %parallel_loop3A_339 = tpu.vector_load %arg7[%parallel_loop3A_337, %parallel_loop3A_338] {strides = array<i32>} : memref<128x16xf32, #tpu.memory_space<vmem>>, vector<16xf32>,
        tpu.vector_store %arg7[%parallel_loop3A_337, %parallel_loop3A_338], %parallel_loop3A_336 {strides = array<i32>} : memref<128x16xf32, #tpu.memory_space<vmem>>, vector<16xf32>,
        %parallel_loop3A_340 = arith.index_cast %parallel_loop3A_58 : i32 to index
        %parallel_loop3A_341 = arith.constant 0 : index
        %parallel_loop3A_342 = tpu.vector_load %arg8[%parallel_loop3A_340, %parallel_loop3A_341] {strides = array<i32>} : memref<128x16xi32, #tpu.memory_space<vmem>>, vector<16xi32>,
        tpu.vector_store %arg8[%parallel_loop3A_340, %parallel_loop3A_341], %parallel_loop3A_323 {strides = array<i32>} : memref<128x16xi32, #tpu.memory_space<vmem>>, vector<16xi32>,
      } {sc.loop_unroll_factor = 2 : i64, sc.parallel_access}
      %add3A_32 = arith.constant 2 : i32
      %add3A_33 = arith.addi %add3A_23, %add3A_32 : i32
      %lt3A = arith.constant 64 : i32
      %lt3A_34 = arith.cmpi slt, %add3A_33, %lt3A : i32
      %convert_element_type3A = arith.extui %lt3A_34 : i1 to i32
      %cond3A = arith.constant 0 : i32
      %cond3A_35 = arith.cmpi ne, %convert_element_type3A, %cond3A : i32
      scf.if %cond3A_35 {
        %add3A_58 = arith.constant 256 : i32
        %add3A_59 = arith.addi %add3A_26, %add3A_58 : i32
        %dma_start3A_60 = arith.constant 0 : i32
        %dma_start3A_61 = tpu.memref_slice %arg2[%add3A_59, %dma_start3A_60] : memref<262144x256xf32, #tpu.memory_space<hbm>> -> memref<128x256xf32, #tpu.memory_space<hbm>>
        %dma_start3A_62 = arith.constant 0 : i32
        %dma_start3A_63 = tpu.memref_slice %arg2[%add3A_59, %dma_start3A_62] : memref<262144x256xf32, #tpu.memory_space<hbm>> -> memref<128x256xf32, #tpu.memory_space<hbm>>
        tpu.enqueue_dma source(%dma_start3A_63 : memref<128x256xf32, #tpu.memory_space<hbm>>) target(%arg5 : memref<128x256xf32, #tpu.memory_space<vmem>>) target_semaphore(%arg9 : memref<!tpu.dma_semaphore, #tpu.memory_space<semaphore_mem>>)
      } else {
      }
      "tpu.region"() ({
        %run_scoped3A = tpu.sem_alloc : memref<!tpu.dma_semaphore, #tpu.memory_space<semaphore_mem>>
        %dma_start3A_58 = arith.constant 0 : i32
        %dma_start3A_59 = tpu.memref_slice %arg3[%add3A_26, %dma_start3A_58] : memref<262144x16xf32, #tpu.memory_space<hbm>> -> memref<128x16xf32, #tpu.memory_space<hbm>>
        %dma_start3A_60 = arith.constant 0 : i32
        %dma_start3A_61 = tpu.memref_slice %arg3[%add3A_26, %dma_start3A_60] : memref<262144x16xf32, #tpu.memory_space<hbm>> -> memref<128x16xf32, #tpu.memory_space<hbm>>
        tpu.enqueue_dma source(%arg7 : memref<128x16xf32, #tpu.memory_space<vmem>>) target(%dma_start3A_61 : memref<128x16xf32, #tpu.memory_space<hbm>>) target_semaphore(%run_scoped3A : memref<!tpu.dma_semaphore, #tpu.memory_space<semaphore_mem>>)
        %dma_wait3A_62 = arith.constant 0 : i32
        %dma_wait3A_63 = tpu.memref_slice %arg3[%add3A_26, %dma_wait3A_62] : memref<262144x16xf32, #tpu.memory_space<hbm>> -> memref<128x16xf32, #tpu.memory_space<hbm>>
        %dma_wait3A_64 = arith.constant 0 : i32
        %dma_wait3A_65 = tpu.memref_slice %arg3[%add3A_26, %dma_wait3A_64] : memref<262144x16xf32, #tpu.memory_space<hbm>> -> memref<128x16xf32, #tpu.memory_space<hbm>>
        tpu.wait_dma2 semaphore(%run_scoped3A : memref<!tpu.dma_semaphore, #tpu.memory_space<semaphore_mem>>) src(%arg7 : memref<128x16xf32, #tpu.memory_space<vmem>>) dst(%dma_wait3A_65 : memref<128x16xf32, #tpu.memory_space<hbm>>)
        tpu.yield
      }) : () -> ()
      "tpu.region"() ({
        %run_scoped3A = tpu.sem_alloc : memref<!tpu.dma_semaphore, #tpu.memory_space<semaphore_mem>>
        %dma_start3A_58 = arith.constant 0 : i32
        %dma_start3A_59 = tpu.memref_slice %arg4[%add3A_26, %dma_start3A_58] : memref<262144x16xi32, #tpu.memory_space<hbm>> -> memref<128x16xi32, #tpu.memory_space<hbm>>
        %dma_start3A_60 = arith.constant 0 : i32
        %dma_start3A_61 = tpu.memref_slice %arg4[%add3A_26, %dma_start3A_60] : memref<262144x16xi32, #tpu.memory_space<hbm>> -> memref<128x16xi32, #tpu.memory_space<hbm>>
        tpu.enqueue_dma source(%arg8 : memref<128x16xi32, #tpu.memory_space<vmem>>) target(%dma_start3A_61 : memref<128x16xi32, #tpu.memory_space<hbm>>) target_semaphore(%run_scoped3A : memref<!tpu.dma_semaphore, #tpu.memory_space<semaphore_mem>>)
        %dma_wait3A_62 = arith.constant 0 : i32
        %dma_wait3A_63 = tpu.memref_slice %arg4[%add3A_26, %dma_wait3A_62] : memref<262144x16xi32, #tpu.memory_space<hbm>> -> memref<128x16xi32, #tpu.memory_space<hbm>>
        %dma_wait3A_64 = arith.constant 0 : i32
        %dma_wait3A_65 = tpu.memref_slice %arg4[%add3A_26, %dma_wait3A_64] : memref<262144x16xi32, #tpu.memory_space<hbm>> -> memref<128x16xi32, #tpu.memory_space<hbm>>
        tpu.wait_dma2 semaphore(%run_scoped3A : memref<!tpu.dma_semaphore, #tpu.memory_space<semaphore_mem>>) src(%arg8 : memref<128x16xi32, #tpu.memory_space<vmem>>) dst(%dma_wait3A_65 : memref<128x16xi32, #tpu.memory_space<hbm>>)
        tpu.yield
      }) : () -> ()
      %mul3A_36 = arith.constant 2 : i32
      %mul3A_37 = arith.muli %mul3A_36, %scan3A_18 : i32
      %add3A_38 = arith.constant 1 : i32
      %add3A_39 = arith.addi %mul3A_37, %add3A_38 : i32
      %mul3A_40 = arith.constant 128 : i32
      %mul3A_41 = arith.muli %add3A_39, %mul3A_40 : i32
      %add3A_42 = arith.addi %mul3A_2, %mul3A_41 : i32
      %dma_wait3A_43 = arith.constant 0 : i32
      %dma_wait3A_44 = tpu.memref_slice %arg2[%add3A_42, %dma_wait3A_43] : memref<262144x256xf32, #tpu.memory_space<hbm>> -> memref<128x256xf32, #tpu.memory_space<hbm>>
      %dma_wait3A_45 = arith.constant 0 : i32
      %dma_wait3A_46 = tpu.memref_slice %arg2[%add3A_42, %dma_wait3A_45] : memref<262144x256xf32, #tpu.memory_space<hbm>> -> memref<128x256xf32, #tpu.memory_space<hbm>>
      tpu.wait_dma2 semaphore(%arg10 : memref<!tpu.dma_semaphore, #tpu.memory_space<semaphore_mem>>) src(%dma_wait3A_46 : memref<128x256xf32, #tpu.memory_space<hbm>>) dst(%arg6 : memref<128x256xf32, #tpu.memory_space<vmem>>)
      %parallel_loop3A_47 = arith.constant 0 : i32
      %parallel_loop3A_48 = arith.constant 128 : i32
      %parallel_loop3A_49 = arith.constant 1 : i32
      scf.for %parallel_loop3A_58 = %parallel_loop3A_47 to %parallel_loop3A_48 step %parallel_loop3A_49  : i32 {
        %parallel_loop3A_59 = arith.index_cast %parallel_loop3A_58 : i32 to index
        %parallel_loop3A_60 = arith.constant 0 : index
        %parallel_loop3A_61 = tpu.vector_load %arg6[%parallel_loop3A_59, %parallel_loop3A_60] {strides = array<i32>} : memref<128x256xf32, #tpu.memory_space<vmem>>, vector<16xf32>,
        %parallel_loop3A_62 = arith.constant 0 : i32
        %parallel_loop3A_63 = vector.broadcast %parallel_loop3A_62 : i32 to vector<16xi32>
        %parallel_loop3A_64 = arith.addi %iota3A, %parallel_loop3A_63 : vector<16xi32>
        %parallel_loop3A_65 = arith.constant dense<true> : vector<16xi1>
        %parallel_loop3A_66, %parallel_loop3A_67, %parallel_loop3A_68 = tpu.sort %parallel_loop3A_61, %parallel_loop3A_64 masked %parallel_loop3A_65 {descending = true} : (vector<16xf32>, vector<16xi32>, vector<16xi1>) -> (vector<16xi1>, vector<16xf32>, vector<16xi32>)
        %parallel_loop3A_69 = arith.index_cast %parallel_loop3A_58 : i32 to index
        %parallel_loop3A_70 = arith.constant 16 : index
        %parallel_loop3A_71 = tpu.vector_load %arg6[%parallel_loop3A_69, %parallel_loop3A_70] {strides = array<i32>} : memref<128x256xf32, #tpu.memory_space<vmem>>, vector<16xf32>,
        %parallel_loop3A_72 = arith.constant 16 : i32
        %parallel_loop3A_73 = vector.broadcast %parallel_loop3A_72 : i32 to vector<16xi32>
        %parallel_loop3A_74 = arith.addi %iota3A, %parallel_loop3A_73 : vector<16xi32>
        %parallel_loop3A_75 = arith.constant dense<true> : vector<16xi1>
        %parallel_loop3A_76, %parallel_loop3A_77, %parallel_loop3A_78 = tpu.sort %parallel_loop3A_71, %parallel_loop3A_74 masked %parallel_loop3A_75 : (vector<16xf32>, vector<16xi32>, vector<16xi1>) -> (vector<16xi1>, vector<16xf32>, vector<16xi32>)
        %parallel_loop3A_79 = arith.index_cast %parallel_loop3A_58 : i32 to index
        %parallel_loop3A_80 = arith.constant 32 : index
        %parallel_loop3A_81 = tpu.vector_load %arg6[%parallel_loop3A_79, %parallel_loop3A_80] {strides = array<i32>} : memref<128x256xf32, #tpu.memory_space<vmem>>, vector<16xf32>,
        %parallel_loop3A_82 = arith.constant 32 : i32
        %parallel_loop3A_83 = vector.broadcast %parallel_loop3A_82 : i32 to vector<16xi32>
        %parallel_loop3A_84 = arith.addi %iota3A, %parallel_loop3A_83 : vector<16xi32>
        %parallel_loop3A_85 = arith.constant dense<true> : vector<16xi1>
        %parallel_loop3A_86, %parallel_loop3A_87, %parallel_loop3A_88 = tpu.sort %parallel_loop3A_81, %parallel_loop3A_84 masked %parallel_loop3A_85 {descending = true} : (vector<16xf32>, vector<16xi32>, vector<16xi1>) -> (vector<16xi1>, vector<16xf32>, vector<16xi32>)
        %parallel_loop3A_89 = arith.index_cast %parallel_loop3A_58 : i32 to index
        %parallel_loop3A_90 = arith.constant 48 : index
        %parallel_loop3A_91 = tpu.vector_load %arg6[%parallel_loop3A_89, %parallel_loop3A_90] {strides = array<i32>} : memref<128x256xf32, #tpu.memory_space<vmem>>, vector<16xf32>,
        %parallel_loop3A_92 = arith.constant 48 : i32
        %parallel_loop3A_93 = vector.broadcast %parallel_loop3A_92 : i32 to vector<16xi32>
        %parallel_loop3A_94 = arith.addi %iota3A, %parallel_loop3A_93 : vector<16xi32>
        %parallel_loop3A_95 = arith.constant dense<true> : vector<16xi1>
        %parallel_loop3A_96, %parallel_loop3A_97, %parallel_loop3A_98 = tpu.sort %parallel_loop3A_91, %parallel_loop3A_94 masked %parallel_loop3A_95 : (vector<16xf32>, vector<16xi32>, vector<16xi1>) -> (vector<16xi1>, vector<16xf32>, vector<16xi32>)
        %parallel_loop3A_99 = arith.index_cast %parallel_loop3A_58 : i32 to index
        %parallel_loop3A_100 = arith.constant 64 : index
        %parallel_loop3A_101 = tpu.vector_load %arg6[%parallel_loop3A_99, %parallel_loop3A_100] {strides = array<i32>} : memref<128x256xf32, #tpu.memory_space<vmem>>, vector<16xf32>,
        %parallel_loop3A_102 = arith.constant 64 : i32
        %parallel_loop3A_103 = vector.broadcast %parallel_loop3A_102 : i32 to vector<16xi32>
        %parallel_loop3A_104 = arith.addi %iota3A, %parallel_loop3A_103 : vector<16xi32>
        %parallel_loop3A_105 = arith.constant dense<true> : vector<16xi1>
        %parallel_loop3A_106, %parallel_loop3A_107, %parallel_loop3A_108 = tpu.sort %parallel_loop3A_101, %parallel_loop3A_104 masked %parallel_loop3A_105 {descending = true} : (vector<16xf32>, vector<16xi32>, vector<16xi1>) -> (vector<16xi1>, vector<16xf32>, vector<16xi32>)
        %parallel_loop3A_109 = arith.index_cast %parallel_loop3A_58 : i32 to index
        %parallel_loop3A_110 = arith.constant 80 : index
        %parallel_loop3A_111 = tpu.vector_load %arg6[%parallel_loop3A_109, %parallel_loop3A_110] {strides = array<i32>} : memref<128x256xf32, #tpu.memory_space<vmem>>, vector<16xf32>,
        %parallel_loop3A_112 = arith.constant 80 : i32
        %parallel_loop3A_113 = vector.broadcast %parallel_loop3A_112 : i32 to vector<16xi32>
        %parallel_loop3A_114 = arith.addi %iota3A, %parallel_loop3A_113 : vector<16xi32>
        %parallel_loop3A_115 = arith.constant dense<true> : vector<16xi1>
        %parallel_loop3A_116, %parallel_loop3A_117, %parallel_loop3A_118 = tpu.sort %parallel_loop3A_111, %parallel_loop3A_114 masked %parallel_loop3A_115 : (vector<16xf32>, vector<16xi32>, vector<16xi1>) -> (vector<16xi1>, vector<16xf32>, vector<16xi32>)
        %parallel_loop3A_119 = arith.index_cast %parallel_loop3A_58 : i32 to index
        %parallel_loop3A_120 = arith.constant 96 : index
        %parallel_loop3A_121 = tpu.vector_load %arg6[%parallel_loop3A_119, %parallel_loop3A_120] {strides = array<i32>} : memref<128x256xf32, #tpu.memory_space<vmem>>, vector<16xf32>,
        %parallel_loop3A_122 = arith.constant 96 : i32
        %parallel_loop3A_123 = vector.broadcast %parallel_loop3A_122 : i32 to vector<16xi32>
        %parallel_loop3A_124 = arith.addi %iota3A, %parallel_loop3A_123 : vector<16xi32>
        %parallel_loop3A_125 = arith.constant dense<true> : vector<16xi1>
        %parallel_loop3A_126, %parallel_loop3A_127, %parallel_loop3A_128 = tpu.sort %parallel_loop3A_121, %parallel_loop3A_124 masked %parallel_loop3A_125 {descending = true} : (vector<16xf32>, vector<16xi32>, vector<16xi1>) -> (vector<16xi1>, vector<16xf32>, vector<16xi32>)
        %parallel_loop3A_129 = arith.index_cast %parallel_loop3A_58 : i32 to index
        %parallel_loop3A_130 = arith.constant 112 : index
        %parallel_loop3A_131 = tpu.vector_load %arg6[%parallel_loop3A_129, %parallel_loop3A_130] {strides = array<i32>} : memref<128x256xf32, #tpu.memory_space<vmem>>, vector<16xf32>,
        %parallel_loop3A_132 = arith.constant 112 : i32
        %parallel_loop3A_133 = vector.broadcast %parallel_loop3A_132 : i32 to vector<16xi32>
        %parallel_loop3A_134 = arith.addi %iota3A, %parallel_loop3A_133 : vector<16xi32>
        %parallel_loop3A_135 = arith.constant dense<true> : vector<16xi1>
        %parallel_loop3A_136, %parallel_loop3A_137, %parallel_loop3A_138 = tpu.sort %parallel_loop3A_131, %parallel_loop3A_134 masked %parallel_loop3A_135 : (vector<16xf32>, vector<16xi32>, vector<16xi1>) -> (vector<16xi1>, vector<16xf32>, vector<16xi32>)
        %parallel_loop3A_139 = arith.index_cast %parallel_loop3A_58 : i32 to index
        %parallel_loop3A_140 = arith.constant 128 : index
        %parallel_loop3A_141 = tpu.vector_load %arg6[%parallel_loop3A_139, %parallel_loop3A_140] {strides = array<i32>} : memref<128x256xf32, #tpu.memory_space<vmem>>, vector<16xf32>,
        %parallel_loop3A_142 = arith.constant 128 : i32
        %parallel_loop3A_143 = vector.broadcast %parallel_loop3A_142 : i32 to vector<16xi32>
        %parallel_loop3A_144 = arith.addi %iota3A, %parallel_loop3A_143 : vector<16xi32>
        %parallel_loop3A_145 = arith.constant dense<true> : vector<16xi1>
        %parallel_loop3A_146, %parallel_loop3A_147, %parallel_loop3A_148 = tpu.sort %parallel_loop3A_141, %parallel_loop3A_144 masked %parallel_loop3A_145 {descending = true} : (vector<16xf32>, vector<16xi32>, vector<16xi1>) -> (vector<16xi1>, vector<16xf32>, vector<16xi32>)
        %parallel_loop3A_149 = arith.index_cast %parallel_loop3A_58 : i32 to index
        %parallel_loop3A_150 = arith.constant 144 : index
        %parallel_loop3A_151 = tpu.vector_load %arg6[%parallel_loop3A_149, %parallel_loop3A_150] {strides = array<i32>} : memref<128x256xf32, #tpu.memory_space<vmem>>, vector<16xf32>,
        %parallel_loop3A_152 = arith.constant 144 : i32
        %parallel_loop3A_153 = vector.broadcast %parallel_loop3A_152 : i32 to vector<16xi32>
        %parallel_loop3A_154 = arith.addi %iota3A, %parallel_loop3A_153 : vector<16xi32>
        %parallel_loop3A_155 = arith.constant dense<true> : vector<16xi1>
        %parallel_loop3A_156, %parallel_loop3A_157, %parallel_loop3A_158 = tpu.sort %parallel_loop3A_151, %parallel_loop3A_154 masked %parallel_loop3A_155 : (vector<16xf32>, vector<16xi32>, vector<16xi1>) -> (vector<16xi1>, vector<16xf32>, vector<16xi32>)
        %parallel_loop3A_159 = arith.index_cast %parallel_loop3A_58 : i32 to index
        %parallel_loop3A_160 = arith.constant 160 : index
        %parallel_loop3A_161 = tpu.vector_load %arg6[%parallel_loop3A_159, %parallel_loop3A_160] {strides = array<i32>} : memref<128x256xf32, #tpu.memory_space<vmem>>, vector<16xf32>,
        %parallel_loop3A_162 = arith.constant 160 : i32
        %parallel_loop3A_163 = vector.broadcast %parallel_loop3A_162 : i32 to vector<16xi32>
        %parallel_loop3A_164 = arith.addi %iota3A, %parallel_loop3A_163 : vector<16xi32>
        %parallel_loop3A_165 = arith.constant dense<true> : vector<16xi1>
        %parallel_loop3A_166, %parallel_loop3A_167, %parallel_loop3A_168 = tpu.sort %parallel_loop3A_161, %parallel_loop3A_164 masked %parallel_loop3A_165 {descending = true} : (vector<16xf32>, vector<16xi32>, vector<16xi1>) -> (vector<16xi1>, vector<16xf32>, vector<16xi32>)
        %parallel_loop3A_169 = arith.index_cast %parallel_loop3A_58 : i32 to index
        %parallel_loop3A_170 = arith.constant 176 : index
        %parallel_loop3A_171 = tpu.vector_load %arg6[%parallel_loop3A_169, %parallel_loop3A_170] {strides = array<i32>} : memref<128x256xf32, #tpu.memory_space<vmem>>, vector<16xf32>,
        %parallel_loop3A_172 = arith.constant 176 : i32
        %parallel_loop3A_173 = vector.broadcast %parallel_loop3A_172 : i32 to vector<16xi32>
        %parallel_loop3A_174 = arith.addi %iota3A, %parallel_loop3A_173 : vector<16xi32>
        %parallel_loop3A_175 = arith.constant dense<true> : vector<16xi1>
        %parallel_loop3A_176, %parallel_loop3A_177, %parallel_loop3A_178 = tpu.sort %parallel_loop3A_171, %parallel_loop3A_174 masked %parallel_loop3A_175 : (vector<16xf32>, vector<16xi32>, vector<16xi1>) -> (vector<16xi1>, vector<16xf32>, vector<16xi32>)
        %parallel_loop3A_179 = arith.index_cast %parallel_loop3A_58 : i32 to index
        %parallel_loop3A_180 = arith.constant 192 : index
        %parallel_loop3A_181 = tpu.vector_load %arg6[%parallel_loop3A_179, %parallel_loop3A_180] {strides = array<i32>} : memref<128x256xf32, #tpu.memory_space<vmem>>, vector<16xf32>,
        %parallel_loop3A_182 = arith.constant 192 : i32
        %parallel_loop3A_183 = vector.broadcast %parallel_loop3A_182 : i32 to vector<16xi32>
        %parallel_loop3A_184 = arith.addi %iota3A, %parallel_loop3A_183 : vector<16xi32>
        %parallel_loop3A_185 = arith.constant dense<true> : vector<16xi1>
        %parallel_loop3A_186, %parallel_loop3A_187, %parallel_loop3A_188 = tpu.sort %parallel_loop3A_181, %parallel_loop3A_184 masked %parallel_loop3A_185 {descending = true} : (vector<16xf32>, vector<16xi32>, vector<16xi1>) -> (vector<16xi1>, vector<16xf32>, vector<16xi32>)
        %parallel_loop3A_189 = arith.index_cast %parallel_loop3A_58 : i32 to index
        %parallel_loop3A_190 = arith.constant 208 : index
        %parallel_loop3A_191 = tpu.vector_load %arg6[%parallel_loop3A_189, %parallel_loop3A_190] {strides = array<i32>} : memref<128x256xf32, #tpu.memory_space<vmem>>, vector<16xf32>,
        %parallel_loop3A_192 = arith.constant 208 : i32
        %parallel_loop3A_193 = vector.broadcast %parallel_loop3A_192 : i32 to vector<16xi32>
        %parallel_loop3A_194 = arith.addi %iota3A, %parallel_loop3A_193 : vector<16xi32>
        %parallel_loop3A_195 = arith.constant dense<true> : vector<16xi1>
        %parallel_loop3A_196, %parallel_loop3A_197, %parallel_loop3A_198 = tpu.sort %parallel_loop3A_191, %parallel_loop3A_194 masked %parallel_loop3A_195 : (vector<16xf32>, vector<16xi32>, vector<16xi1>) -> (vector<16xi1>, vector<16xf32>, vector<16xi32>)
        %parallel_loop3A_199 = arith.index_cast %parallel_loop3A_58 : i32 to index
        %parallel_loop3A_200 = arith.constant 224 : index
        %parallel_loop3A_201 = tpu.vector_load %arg6[%parallel_loop3A_199, %parallel_loop3A_200] {strides = array<i32>} : memref<128x256xf32, #tpu.memory_space<vmem>>, vector<16xf32>,
        %parallel_loop3A_202 = arith.constant 224 : i32
        %parallel_loop3A_203 = vector.broadcast %parallel_loop3A_202 : i32 to vector<16xi32>
        %parallel_loop3A_204 = arith.addi %iota3A, %parallel_loop3A_203 : vector<16xi32>
        %parallel_loop3A_205 = arith.constant dense<true> : vector<16xi1>
        %parallel_loop3A_206, %parallel_loop3A_207, %parallel_loop3A_208 = tpu.sort %parallel_loop3A_201, %parallel_loop3A_204 masked %parallel_loop3A_205 {descending = true} : (vector<16xf32>, vector<16xi32>, vector<16xi1>) -> (vector<16xi1>, vector<16xf32>, vector<16xi32>)
        %parallel_loop3A_209 = arith.index_cast %parallel_loop3A_58 : i32 to index
        %parallel_loop3A_210 = arith.constant 240 : index
        %parallel_loop3A_211 = tpu.vector_load %arg6[%parallel_loop3A_209, %parallel_loop3A_210] {strides = array<i32>} : memref<128x256xf32, #tpu.memory_space<vmem>>, vector<16xf32>,
        %parallel_loop3A_212 = arith.constant 240 : i32
        %parallel_loop3A_213 = vector.broadcast %parallel_loop3A_212 : i32 to vector<16xi32>
        %parallel_loop3A_214 = arith.addi %iota3A, %parallel_loop3A_213 : vector<16xi32>
        %parallel_loop3A_215 = arith.constant dense<true> : vector<16xi1>
        %parallel_loop3A_216, %parallel_loop3A_217, %parallel_loop3A_218 = tpu.sort %parallel_loop3A_211, %parallel_loop3A_214 masked %parallel_loop3A_215 : (vector<16xf32>, vector<16xi32>, vector<16xi1>) -> (vector<16xi1>, vector<16xf32>, vector<16xi32>)
        %parallel_loop3A_219 = arith.cmpf oge, %parallel_loop3A_67, %parallel_loop3A_77 : vector<16xf32>
        %parallel_loop3A_220 = arith.select %parallel_loop3A_219, %parallel_loop3A_67, %parallel_loop3A_77 : vector<16xi1>, vector<16xf32>
        %parallel_loop3A_221 = arith.select %parallel_loop3A_219, %parallel_loop3A_68, %parallel_loop3A_78 : vector<16xi1>, vector<16xi32>
        %parallel_loop3A_222 = arith.constant dense<true> : vector<16xi1>
        %parallel_loop3A_223, %parallel_loop3A_224, %parallel_loop3A_225 = tpu.sort %parallel_loop3A_220, %parallel_loop3A_221 masked %parallel_loop3A_222 {descending = true} : (vector<16xf32>, vector<16xi32>, vector<16xi1>) -> (vector<16xi1>, vector<16xf32>, vector<16xi32>)
        %parallel_loop3A_226 = arith.cmpf oge, %parallel_loop3A_87, %parallel_loop3A_97 : vector<16xf32>
        %parallel_loop3A_227 = arith.select %parallel_loop3A_226, %parallel_loop3A_87, %parallel_loop3A_97 : vector<16xi1>, vector<16xf32>
        %parallel_loop3A_228 = arith.select %parallel_loop3A_226, %parallel_loop3A_88, %parallel_loop3A_98 : vector<16xi1>, vector<16xi32>
        %parallel_loop3A_229 = arith.constant dense<true> : vector<16xi1>
        %parallel_loop3A_230, %parallel_loop3A_231, %parallel_loop3A_232 = tpu.sort %parallel_loop3A_227, %parallel_loop3A_228 masked %parallel_loop3A_229 : (vector<16xf32>, vector<16xi32>, vector<16xi1>) -> (vector<16xi1>, vector<16xf32>, vector<16xi32>)
        %parallel_loop3A_233 = arith.cmpf oge, %parallel_loop3A_107, %parallel_loop3A_117 : vector<16xf32>
        %parallel_loop3A_234 = arith.select %parallel_loop3A_233, %parallel_loop3A_107, %parallel_loop3A_117 : vector<16xi1>, vector<16xf32>
        %parallel_loop3A_235 = arith.select %parallel_loop3A_233, %parallel_loop3A_108, %parallel_loop3A_118 : vector<16xi1>, vector<16xi32>
        %parallel_loop3A_236 = arith.constant dense<true> : vector<16xi1>
        %parallel_loop3A_237, %parallel_loop3A_238, %parallel_loop3A_239 = tpu.sort %parallel_loop3A_234, %parallel_loop3A_235 masked %parallel_loop3A_236 {descending = true} : (vector<16xf32>, vector<16xi32>, vector<16xi1>) -> (vector<16xi1>, vector<16xf32>, vector<16xi32>)
        %parallel_loop3A_240 = arith.cmpf oge, %parallel_loop3A_127, %parallel_loop3A_137 : vector<16xf32>
        %parallel_loop3A_241 = arith.select %parallel_loop3A_240, %parallel_loop3A_127, %parallel_loop3A_137 : vector<16xi1>, vector<16xf32>
        %parallel_loop3A_242 = arith.select %parallel_loop3A_240, %parallel_loop3A_128, %parallel_loop3A_138 : vector<16xi1>, vector<16xi32>
        %parallel_loop3A_243 = arith.constant dense<true> : vector<16xi1>
        %parallel_loop3A_244, %parallel_loop3A_245, %parallel_loop3A_246 = tpu.sort %parallel_loop3A_241, %parallel_loop3A_242 masked %parallel_loop3A_243 : (vector<16xf32>, vector<16xi32>, vector<16xi1>) -> (vector<16xi1>, vector<16xf32>, vector<16xi32>)
        %parallel_loop3A_247 = arith.cmpf oge, %parallel_loop3A_147, %parallel_loop3A_157 : vector<16xf32>
        %parallel_loop3A_248 = arith.select %parallel_loop3A_247, %parallel_loop3A_147, %parallel_loop3A_157 : vector<16xi1>, vector<16xf32>
        %parallel_loop3A_249 = arith.select %parallel_loop3A_247, %parallel_loop3A_148, %parallel_loop3A_158 : vector<16xi1>, vector<16xi32>
        %parallel_loop3A_250 = arith.constant dense<true> : vector<16xi1>
        %parallel_loop3A_251, %parallel_loop3A_252, %parallel_loop3A_253 = tpu.sort %parallel_loop3A_248, %parallel_loop3A_249 masked %parallel_loop3A_250 {descending = true} : (vector<16xf32>, vector<16xi32>, vector<16xi1>) -> (vector<16xi1>, vector<16xf32>, vector<16xi32>)
        %parallel_loop3A_254 = arith.cmpf oge, %parallel_loop3A_167, %parallel_loop3A_177 : vector<16xf32>
        %parallel_loop3A_255 = arith.select %parallel_loop3A_254, %parallel_loop3A_167, %parallel_loop3A_177 : vector<16xi1>, vector<16xf32>
        %parallel_loop3A_256 = arith.select %parallel_loop3A_254, %parallel_loop3A_168, %parallel_loop3A_178 : vector<16xi1>, vector<16xi32>
        %parallel_loop3A_257 = arith.constant dense<true> : vector<16xi1>
        %parallel_loop3A_258, %parallel_loop3A_259, %parallel_loop3A_260 = tpu.sort %parallel_loop3A_255, %parallel_loop3A_256 masked %parallel_loop3A_257 : (vector<16xf32>, vector<16xi32>, vector<16xi1>) -> (vector<16xi1>, vector<16xf32>, vector<16xi32>)
        %parallel_loop3A_261 = arith.cmpf oge, %parallel_loop3A_187, %parallel_loop3A_197 : vector<16xf32>
        %parallel_loop3A_262 = arith.select %parallel_loop3A_261, %parallel_loop3A_187, %parallel_loop3A_197 : vector<16xi1>, vector<16xf32>
        %parallel_loop3A_263 = arith.select %parallel_loop3A_261, %parallel_loop3A_188, %parallel_loop3A_198 : vector<16xi1>, vector<16xi32>
        %parallel_loop3A_264 = arith.constant dense<true> : vector<16xi1>
        %parallel_loop3A_265, %parallel_loop3A_266, %parallel_loop3A_267 = tpu.sort %parallel_loop3A_262, %parallel_loop3A_263 masked %parallel_loop3A_264 {descending = true} : (vector<16xf32>, vector<16xi32>, vector<16xi1>) -> (vector<16xi1>, vector<16xf32>, vector<16xi32>)
        %parallel_loop3A_268 = arith.cmpf oge, %parallel_loop3A_207, %parallel_loop3A_217 : vector<16xf32>
        %parallel_loop3A_269 = arith.select %parallel_loop3A_268, %parallel_loop3A_207, %parallel_loop3A_217 : vector<16xi1>, vector<16xf32>
        %parallel_loop3A_270 = arith.select %parallel_loop3A_268, %parallel_loop3A_208, %parallel_loop3A_218 : vector<16xi1>, vector<16xi32>
        %parallel_loop3A_271 = arith.constant dense<true> : vector<16xi1>
        %parallel_loop3A_272, %parallel_loop3A_273, %parallel_loop3A_274 = tpu.sort %parallel_loop3A_269, %parallel_loop3A_270 masked %parallel_loop3A_271 : (vector<16xf32>, vector<16xi32>, vector<16xi1>) -> (vector<16xi1>, vector<16xf32>, vector<16xi32>)
        %parallel_loop3A_275 = arith.cmpf oge, %parallel_loop3A_224, %parallel_loop3A_231 : vector<16xf32>
        %parallel_loop3A_276 = arith.select %parallel_loop3A_275, %parallel_loop3A_224, %parallel_loop3A_231 : vector<16xi1>, vector<16xf32>
        %parallel_loop3A_277 = arith.select %parallel_loop3A_275, %parallel_loop3A_225, %parallel_loop3A_232 : vector<16xi1>, vector<16xi32>
        %parallel_loop3A_278 = arith.constant dense<true> : vector<16xi1>
        %parallel_loop3A_279, %parallel_loop3A_280, %parallel_loop3A_281 = tpu.sort %parallel_loop3A_276, %parallel_loop3A_277 masked %parallel_loop3A_278 {descending = true} : (vector<16xf32>, vector<16xi32>, vector<16xi1>) -> (vector<16xi1>, vector<16xf32>, vector<16xi32>)
        %parallel_loop3A_282 = arith.cmpf oge, %parallel_loop3A_238, %parallel_loop3A_245 : vector<16xf32>
        %parallel_loop3A_283 = arith.select %parallel_loop3A_282, %parallel_loop3A_238, %parallel_loop3A_245 : vector<16xi1>, vector<16xf32>
        %parallel_loop3A_284 = arith.select %parallel_loop3A_282, %parallel_loop3A_239, %parallel_loop3A_246 : vector<16xi1>, vector<16xi32>
        %parallel_loop3A_285 = arith.constant dense<true> : vector<16xi1>
        %parallel_loop3A_286, %parallel_loop3A_287, %parallel_loop3A_288 = tpu.sort %parallel_loop3A_283, %parallel_loop3A_284 masked %parallel_loop3A_285 : (vector<16xf32>, vector<16xi32>, vector<16xi1>) -> (vector<16xi1>, vector<16xf32>, vector<16xi32>)
        %parallel_loop3A_289 = arith.cmpf oge, %parallel_loop3A_252, %parallel_loop3A_259 : vector<16xf32>
        %parallel_loop3A_290 = arith.select %parallel_loop3A_289, %parallel_loop3A_252, %parallel_loop3A_259 : vector<16xi1>, vector<16xf32>
        %parallel_loop3A_291 = arith.select %parallel_loop3A_289, %parallel_loop3A_253, %parallel_loop3A_260 : vector<16xi1>, vector<16xi32>
        %parallel_loop3A_292 = arith.constant dense<true> : vector<16xi1>
        %parallel_loop3A_293, %parallel_loop3A_294, %parallel_loop3A_295 = tpu.sort %parallel_loop3A_290, %parallel_loop3A_291 masked %parallel_loop3A_292 {descending = true} : (vector<16xf32>, vector<16xi32>, vector<16xi1>) -> (vector<16xi1>, vector<16xf32>, vector<16xi32>)
        %parallel_loop3A_296 = arith.cmpf oge, %parallel_loop3A_266, %parallel_loop3A_273 : vector<16xf32>
        %parallel_loop3A_297 = arith.select %parallel_loop3A_296, %parallel_loop3A_266, %parallel_loop3A_273 : vector<16xi1>, vector<16xf32>
        %parallel_loop3A_298 = arith.select %parallel_loop3A_296, %parallel_loop3A_267, %parallel_loop3A_274 : vector<16xi1>, vector<16xi32>
        %parallel_loop3A_299 = arith.constant dense<true> : vector<16xi1>
        %parallel_loop3A_300, %parallel_loop3A_301, %parallel_loop3A_302 = tpu.sort %parallel_loop3A_297, %parallel_loop3A_298 masked %parallel_loop3A_299 : (vector<16xf32>, vector<16xi32>, vector<16xi1>) -> (vector<16xi1>, vector<16xf32>, vector<16xi32>)
        %parallel_loop3A_303 = arith.cmpf oge, %parallel_loop3A_280, %parallel_loop3A_287 : vector<16xf32>
        %parallel_loop3A_304 = arith.select %parallel_loop3A_303, %parallel_loop3A_280, %parallel_loop3A_287 : vector<16xi1>, vector<16xf32>
        %parallel_loop3A_305 = arith.select %parallel_loop3A_303, %parallel_loop3A_281, %parallel_loop3A_288 : vector<16xi1>, vector<16xi32>
        %parallel_loop3A_306 = arith.constant dense<true> : vector<16xi1>
        %parallel_loop3A_307, %parallel_loop3A_308, %parallel_loop3A_309 = tpu.sort %parallel_loop3A_304, %parallel_loop3A_305 masked %parallel_loop3A_306 {descending = true} : (vector<16xf32>, vector<16xi32>, vector<16xi1>) -> (vector<16xi1>, vector<16xf32>, vector<16xi32>)
        %parallel_loop3A_310 = arith.cmpf oge, %parallel_loop3A_294, %parallel_loop3A_301 : vector<16xf32>
        %parallel_loop3A_311 = arith.select %parallel_loop3A_310, %parallel_loop3A_294, %parallel_loop3A_301 : vector<16xi1>, vector<16xf32>
        %parallel_loop3A_312 = arith.select %parallel_loop3A_310, %parallel_loop3A_295, %parallel_loop3A_302 : vector<16xi1>, vector<16xi32>
        %parallel_loop3A_313 = arith.constant dense<true> : vector<16xi1>
        %parallel_loop3A_314, %parallel_loop3A_315, %parallel_loop3A_316 = tpu.sort %parallel_loop3A_311, %parallel_loop3A_312 masked %parallel_loop3A_313 : (vector<16xf32>, vector<16xi32>, vector<16xi1>) -> (vector<16xi1>, vector<16xf32>, vector<16xi32>)
        %parallel_loop3A_317 = arith.cmpf oge, %parallel_loop3A_308, %parallel_loop3A_315 : vector<16xf32>
        %parallel_loop3A_318 = arith.select %parallel_loop3A_317, %parallel_loop3A_308, %parallel_loop3A_315 : vector<16xi1>, vector<16xf32>
        %parallel_loop3A_319 = arith.select %parallel_loop3A_317, %parallel_loop3A_309, %parallel_loop3A_316 : vector<16xi1>, vector<16xi32>
        %parallel_loop3A_320 = arith.constant dense<true> : vector<16xi1>
        %parallel_loop3A_321, %parallel_loop3A_322, %parallel_loop3A_323 = tpu.sort %parallel_loop3A_318, %parallel_loop3A_319 masked %parallel_loop3A_320 {descending = true} : (vector<16xf32>, vector<16xi32>, vector<16xi1>) -> (vector<16xi1>, vector<16xf32>, vector<16xi32>)
        %parallel_loop3A_324 = arith.constant true
        %parallel_loop3A_325 = vector.broadcast %parallel_loop3A_324 : i1 to vector<16xi1>
        %parallel_loop3A_326 = tpu.scan <max>, %parallel_loop3A_322 masked %parallel_loop3A_325 : vector<16xf32>, vector<16xi1> -> vector<16xf32>
        %parallel_loop3A_327 = vector.extract %parallel_loop3A_326[15] : f32 from vector<16xf32>
        %parallel_loop3A_328 = vector.broadcast %parallel_loop3A_327 : f32 to vector<16xf32>
        %parallel_loop3A_329 = arith.subf %parallel_loop3A_322, %parallel_loop3A_328 : vector<16xf32>
        %parallel_loop3A_330 = math.exp %parallel_loop3A_329 : vector<16xf32>
        %parallel_loop3A_331 = arith.constant true
        %parallel_loop3A_332 = vector.broadcast %parallel_loop3A_331 : i1 to vector<16xi1>
        %parallel_loop3A_333 = tpu.scan <sum>, %parallel_loop3A_330 masked %parallel_loop3A_332 : vector<16xf32>, vector<16xi1> -> vector<16xf32>
        %parallel_loop3A_334 = vector.extract %parallel_loop3A_333[15] : f32 from vector<16xf32>
        %parallel_loop3A_335 = vector.broadcast %parallel_loop3A_334 : f32 to vector<16xf32>
        %parallel_loop3A_336 = arith.divf %parallel_loop3A_330, %parallel_loop3A_335 : vector<16xf32>
        %parallel_loop3A_337 = arith.index_cast %parallel_loop3A_58 : i32 to index
        %parallel_loop3A_338 = arith.constant 0 : index
        %parallel_loop3A_339 = tpu.vector_load %arg7[%parallel_loop3A_337, %parallel_loop3A_338] {strides = array<i32>} : memref<128x16xf32, #tpu.memory_space<vmem>>, vector<16xf32>,
        tpu.vector_store %arg7[%parallel_loop3A_337, %parallel_loop3A_338], %parallel_loop3A_336 {strides = array<i32>} : memref<128x16xf32, #tpu.memory_space<vmem>>, vector<16xf32>,
        %parallel_loop3A_340 = arith.index_cast %parallel_loop3A_58 : i32 to index
        %parallel_loop3A_341 = arith.constant 0 : index
        %parallel_loop3A_342 = tpu.vector_load %arg8[%parallel_loop3A_340, %parallel_loop3A_341] {strides = array<i32>} : memref<128x16xi32, #tpu.memory_space<vmem>>, vector<16xi32>,
        tpu.vector_store %arg8[%parallel_loop3A_340, %parallel_loop3A_341], %parallel_loop3A_323 {strides = array<i32>} : memref<128x16xi32, #tpu.memory_space<vmem>>, vector<16xi32>,
      } {sc.loop_unroll_factor = 2 : i64, sc.parallel_access}
      %add3A_50 = arith.constant 2 : i32
      %add3A_51 = arith.addi %add3A_39, %add3A_50 : i32
      %lt3A_52 = arith.constant 64 : i32
      %lt3A_53 = arith.cmpi slt, %add3A_51, %lt3A_52 : i32
      %convert_element_type3A_54 = arith.extui %lt3A_53 : i1 to i32
      %cond3A_55 = arith.constant 0 : i32
      %cond3A_56 = arith.cmpi ne, %convert_element_type3A_54, %cond3A_55 : i32
      scf.if %cond3A_56 {
        %add3A_58 = arith.constant 256 : i32
        %add3A_59 = arith.addi %add3A_42, %add3A_58 : i32
        %dma_start3A_60 = arith.constant 0 : i32
        %dma_start3A_61 = tpu.memref_slice %arg2[%add3A_59, %dma_start3A_60] : memref<262144x256xf32, #tpu.memory_space<hbm>> -> memref<128x256xf32, #tpu.memory_space<hbm>>
        %dma_start3A_62 = arith.constant 0 : i32
        %dma_start3A_63 = tpu.memref_slice %arg2[%add3A_59, %dma_start3A_62] : memref<262144x256xf32, #tpu.memory_space<hbm>> -> memref<128x256xf32, #tpu.memory_space<hbm>>
        tpu.enqueue_dma source(%dma_start3A_63 : memref<128x256xf32, #tpu.memory_space<hbm>>) target(%arg6 : memref<128x256xf32, #tpu.memory_space<vmem>>) target_semaphore(%arg10 : memref<!tpu.dma_semaphore, #tpu.memory_space<semaphore_mem>>)
      } else {
      }
      "tpu.region"() ({
        %run_scoped3A = tpu.sem_alloc : memref<!tpu.dma_semaphore, #tpu.memory_space<semaphore_mem>>
        %dma_start3A_58 = arith.constant 0 : i32
        %dma_start3A_59 = tpu.memref_slice %arg3[%add3A_42, %dma_start3A_58] : memref<262144x16xf32, #tpu.memory_space<hbm>> -> memref<128x16xf32, #tpu.memory_space<hbm>>
        %dma_start3A_60 = arith.constant 0 : i32
        %dma_start3A_61 = tpu.memref_slice %arg3[%add3A_42, %dma_start3A_60] : memref<262144x16xf32, #tpu.memory_space<hbm>> -> memref<128x16xf32, #tpu.memory_space<hbm>>
        tpu.enqueue_dma source(%arg7 : memref<128x16xf32, #tpu.memory_space<vmem>>) target(%dma_start3A_61 : memref<128x16xf32, #tpu.memory_space<hbm>>) target_semaphore(%run_scoped3A : memref<!tpu.dma_semaphore, #tpu.memory_space<semaphore_mem>>)
        %dma_wait3A_62 = arith.constant 0 : i32
        %dma_wait3A_63 = tpu.memref_slice %arg3[%add3A_42, %dma_wait3A_62] : memref<262144x16xf32, #tpu.memory_space<hbm>> -> memref<128x16xf32, #tpu.memory_space<hbm>>
        %dma_wait3A_64 = arith.constant 0 : i32
        %dma_wait3A_65 = tpu.memref_slice %arg3[%add3A_42, %dma_wait3A_64] : memref<262144x16xf32, #tpu.memory_space<hbm>> -> memref<128x16xf32, #tpu.memory_space<hbm>>
        tpu.wait_dma2 semaphore(%run_scoped3A : memref<!tpu.dma_semaphore, #tpu.memory_space<semaphore_mem>>) src(%arg7 : memref<128x16xf32, #tpu.memory_space<vmem>>) dst(%dma_wait3A_65 : memref<128x16xf32, #tpu.memory_space<hbm>>)
        tpu.yield
      }) : () -> ()
      "tpu.region"() ({
        %run_scoped3A = tpu.sem_alloc : memref<!tpu.dma_semaphore, #tpu.memory_space<semaphore_mem>>
        %dma_start3A_58 = arith.constant 0 : i32
        %dma_start3A_59 = tpu.memref_slice %arg4[%add3A_42, %dma_start3A_58] : memref<262144x16xi32, #tpu.memory_space<hbm>> -> memref<128x16xi32, #tpu.memory_space<hbm>>
        %dma_start3A_60 = arith.constant 0 : i32
        %dma_start3A_61 = tpu.memref_slice %arg4[%add3A_42, %dma_start3A_60] : memref<262144x16xi32, #tpu.memory_space<hbm>> -> memref<128x16xi32, #tpu.memory_space<hbm>>
        tpu.enqueue_dma source(%arg8 : memref<128x16xi32, #tpu.memory_space<vmem>>) target(%dma_start3A_61 : memref<128x16xi32, #tpu.memory_space<hbm>>) target_semaphore(%run_scoped3A : memref<!tpu.dma_semaphore, #tpu.memory_space<semaphore_mem>>)
        %dma_wait3A_62 = arith.constant 0 : i32
        %dma_wait3A_63 = tpu.memref_slice %arg4[%add3A_42, %dma_wait3A_62] : memref<262144x16xi32, #tpu.memory_space<hbm>> -> memref<128x16xi32, #tpu.memory_space<hbm>>
        %dma_wait3A_64 = arith.constant 0 : i32
        %dma_wait3A_65 = tpu.memref_slice %arg4[%add3A_42, %dma_wait3A_64] : memref<262144x16xi32, #tpu.memory_space<hbm>> -> memref<128x16xi32, #tpu.memory_space<hbm>>
        tpu.wait_dma2 semaphore(%run_scoped3A : memref<!tpu.dma_semaphore, #tpu.memory_space<semaphore_mem>>) src(%arg8 : memref<128x16xi32, #tpu.memory_space<vmem>>) dst(%dma_wait3A_65 : memref<128x16xi32, #tpu.memory_space<hbm>>)
        tpu.yield
      }) : () -> ()
      %scan3A_57 = arith.constant 0 : i32
      scf.yield %scan3A_57 : i32
    }
    %scan3A_17 = arith.constant 32 : i32
    return
  }
}

module attributes {stable_mosaic.version = 14 : i64} {
  func.func @_logits_body(%arg0: i32, %arg1: memref<16x32x256xf32, #tpu.memory_space<vmem>>, %arg2: memref<16x32x256xf32, #tpu.memory_space<vmem>>, %arg3: memref<16x256x256xf32, #tpu.memory_space<vmem>>) attributes {dimension_semantics = [#tpu.dimension_semantics<arbitrary>], iteration_bounds = array<i64: 64>, scalar_prefetch = 0 : i64, scratch_operands = 0 : i64, tpu.core_type = #tpu.core_type<tc>, window_params = [{transform_indices = @transform_0, window_bounds = array<i64: 16, 32, 256>}, {transform_indices = @transform_1, window_bounds = array<i64: 16, 32, 256>}, {transform_indices = @transform_2, window_bounds = array<i64: 16, 256, 256>}]} {
    %get3A = arith.constant 0 : index
    %get3A_0 = arith.constant 0 : index
    %get3A_1 = arith.constant 0 : index
    %get3A_2 = vector.load %arg1[%get3A, %get3A_0, %get3A_1] : memref<16x32x256xf32, #tpu.memory_space<vmem>>, vector<16x32x256xf32>
    %mul3A = arith.constant 0.176776692 : f32
    %mul3A_3 = vector.broadcast %mul3A : f32 to vector<16x32x256xf32>
    %mul3A_4 = arith.mulf %get3A_2, %mul3A_3 : vector<16x32x256xf32>
    %get3A_5 = arith.constant 0 : index
    %get3A_6 = arith.constant 0 : index
    %get3A_7 = arith.constant 0 : index
    %get3A_8 = vector.load %arg2[%get3A_5, %get3A_6, %get3A_7] : memref<16x32x256xf32, #tpu.memory_space<vmem>>, vector<16x32x256xf32>
    %dot_general3A = arith.constant dense<0.000000e+00> : vector<16x256x256xf32>
    %dot_general3A_9 = tpu.matmul %mul3A_4, %get3A_8, %dot_general3A {dimension_numbers = #tpu.dot_dimension_numbers<[1], [1], [2], [2], [0, 0, 0, 2, 1, 2], [0], [0]>, transpose_lhs_hint = false} : vector<16x32x256xf32>, vector<16x32x256xf32>, vector<16x256x256xf32> -> vector<16x256x256xf32>
    %swap3A = arith.constant 0 : index
    %swap3A_10 = arith.constant 0 : index
    %swap3A_11 = arith.constant 0 : index
    %swap3A_12 = vector.load %arg3[%swap3A, %swap3A_10, %swap3A_11] : memref<16x256x256xf32, #tpu.memory_space<vmem>>, vector<16x256x256xf32>
    tpu.vector_store %arg3[%swap3A, %swap3A_10, %swap3A_11], %dot_general3A_9 {strides = array<i32>} : memref<16x256x256xf32, #tpu.memory_space<vmem>>, vector<16x256x256xf32>,
    return
  }
  func.func @transform_0(%arg0: i32) -> (i32, i32, i32) {
    %c0_i32 = arith.constant 0 : i32
    %c0_i32_0 = arith.constant 0 : i32
    %c0_i32_1 = arith.constant 0 : i32
    return %arg0, %c0_i32, %c0_i32_0 : i32, i32, i32
  }
  func.func @transform_1(%arg0: i32) -> (i32, i32, i32) {
    %c0_i32 = arith.constant 0 : i32
    %c0_i32_0 = arith.constant 0 : i32
    %c0_i32_1 = arith.constant 0 : i32
    return %arg0, %c0_i32, %c0_i32_0 : i32, i32, i32
  }
  func.func @transform_2(%arg0: i32) -> (i32, i32, i32) {
    %c0_i32 = arith.constant 0 : i32
    %c0_i32_0 = arith.constant 0 : i32
    %c0_i32_1 = arith.constant 0 : i32
    return %arg0, %c0_i32, %c0_i32_0 : i32, i32, i32
  }
}

</mosaic_0001>

<sc_bundles>
// kernel: kernel.4.cloned.1.call-start
scs
__scs_entry_jumppad:
0x0: {  	(pc) =	sbr.rel $0x88, $3  }
0x1: {  	(tag) =	ssettag $0x0;
	lr =	simm.s32 $0x1  }
0x2: {  	[smem:$0x3F9F] =	sst lr;
	_ =	strace $0xD0000000  }
0x3: {  	_ = 	snop  }
0x4: {  	_ = 	snop  }
0x5: {  	_ = 	snop  }
0x6: {  	_ = 	snop  }
0x7: {  	_ = 	snop  }
__scs_overlays_trampoline_lowered:
0x8: {  	[smem:$0x3FAE] =	sst s0  }
0x9: {  	[smem:$0x3FAF] =	sst s1  }
0xa: {  	[smem:$0x3FB0] =	sst s2  }
0xb: {  	[smem:$0x3FB1] =	sst s3  }
0xc: {  	[smem:$0x3FB2] =	sst s4  }
0xd: {  	[smem:$0x3FB3] =	sst s5  }
0xe: {  	[smem:$0x3FB4] =	sst s6  }
0xf: {  	[smem:$0x3FB5] =	sst s7  }
0x10: {  	[smem:$0x3FB6] =	sst s8  }
0x11: {  	[smem:$0x3FB7] =	sst s9;
	s0 =	simm.s32 @!p0 $0x0  }
0x12: {  	s1 =	sld [smem:$0x3F9D];
	s0 =	simm.s32 @p0 $0x1  }
0x13: {  	[smem:$0x3FB8] =	sst s0;
	s0 =	simm.s32 @!p1 $0x0  }
0x14: {  	s2 =	sld [smem:$0x3F9C];
	s0 =	simm.s32 @p1 $0x1  }
0x15: {  	[smem:$0x3FB9] =	sst s0;
	s0 =	simm.s32 @!p2 $0x0  }
0x16: {  	s3 =	sld [smem:$0x3FDB];
	s0 =	simm.s32 @p2 $0x1  }
0x17: {  	s4 =	simm.s32 $0x1BF5;
	[smem:$0x3FBB] =	sst s0  }
0x18: {  	s0 =	sld [smem:$0x3F9E];
	_ =	swait.ge [sflag:s4], $0x0  }
0x19: {  	s7 =	sld [smem:$0x3F9F]  }
0x1a: {  	s8 =	sadd.s32 $0xFFFFE003, lr  }
0x1b: {  	s9 =	sadd.s32 $0xFFFFFEF7, lr;
	s5 =	simm.s32 $0xFFFFFFFF;
	p2 =	slt.u32 s8, $0xFFFFF086  }
0x1c: {  	p1 =	slt.u32 s9, $0xF7A;
	s5 =	simm.s32 @!p2 $0x0  }
0x1d: {  	s5 =	simm.s32 @p1 $0x1;
	p0 =	seq.s32 s7, s2  }
0x1e: {  	s7 =	smul.u32 @!p0 $0xF7A, s2;
	p2 =	seq.s32 @!p0 s5, $0x0  }
0x1f: {  	s9 =	smul.u32 $0xF7A, s1;
	s8 =	simm.s32 @!p0 $0x1BF5;
	p2 =	por !p2, p0  }
0x20: {  	[sflag:s8] =	ssyncset.s32 @!p0 $0xFFFFF086;
	s6 =	sadd.s32 @!p0 s3, s7;
	s7 =	simm.s32 @!p0 $0x108  }
0x21: {  	s3 =	sadd.s32 s3, s9;
	s6 =	sadd.s32 @!p0 $0x88, s6;
	s7 =	simm.s32 @p2 $0x1082  }
0x22: {  	[simem:s7], [sflag:s8] =	dma.local @!p0 [hbm:s6], $0xF7A  }
0x23: {  	s9 =	sor.u32 $0xD0000000, s2;
	s6 =	simm.s32 $0x108;
	_ =	swait.ge @!p0 [sflag:s8], $0x0  }
0x24: {  	s3 =	sadd.s32 $0x88, s3;
	s6 =	simm.s32 @!p1 $0x1082;
	[sflag:s4] =	ssyncset.s32 $0xFFFFF086  }
0x25: {  	[simem:s6], [sflag:s4] =	dma.local [hbm:s3], $0xF7A  }
0x26: {  	[smem:$0x3F9F] =	sst s1;
	(tag) =	ssettag s2;
	_ =	strace s9  }
0x27: {  	s1 =	sld [smem:$0x3FAF]  }
0x28: {  	s2 =	sld [smem:$0x3FB0]  }
0x29: {  	s4 =	sld [smem:$0x3FB2]  }
0x2a: {  	p0 =	seq.s32 s5, $0x0;
	s5 =	sld [smem:$0x3FB3]  }
0x2b: {  	s6 =	sld [smem:$0x3FB4]  }
0x2c: {  	s7 =	sld [smem:$0x3FB5]  }
0x2d: {  	s3 =	simm.s32 $0x108;
	s8 =	sld [smem:$0x3FB6]  }
0x2e: {  	s3 =	simm.s32 @!p0 $0x1082;
	s9 =	sld [smem:$0x3FB7]  }
0x2f: {  	lr =	sadd.s32 s0, s3;
	s0 =	sld [smem:$0x3FAE]  }
0x30: {  	s3 =	sld [smem:$0x3FB1]  }
0x31: {  	[smem:$0x3FBA] =	sst s10  }
0x32: {  	s10 =	sld [smem:$0x3FB8];
	_ =	sdelay $0x3  }
0x33: {  	p0 =	seq.s32 s10, $0x1;
	s10 =	sld [smem:$0x3FBA];
	_ =	sdelay $0x3  }
0x34: {  	[smem:$0x3FBA] =	sst s10  }
0x35: {  	s10 =	sld [smem:$0x3FB9];
	_ =	sdelay $0x3  }
0x36: {  	p1 =	seq.s32 s10, $0x1;
	s10 =	sld [smem:$0x3FBA];
	_ =	sdelay $0x3  }
0x37: {  	[smem:$0x3FBA] =	sst s10  }
0x38: {  	s10 =	sld [smem:$0x3FBB]  }
0x39: {  	_ = 	snop;
	(pc) =	sbr.ind lr, $3  }
0x3a: {  	_ = 	snop  }
0x3b: {  	_ = 	snop  }
0x3c: {  	p2 =	seq.s32 s10, $0x1;
	s10 =	sld [smem:$0x3FBA]  }
0x3d: {  	_ =	shalt  }
0x3e: {  	_ =	shalt  }
0x3f: {  	_ =	shalt  }
0x40: {  	_ =	shalt  }
0x41: {  	_ =	shalt  }
0x42: {  	_ =	shalt  }
0x43: {  	_ =	shalt  }
0x44: {  	_ =	shalt  }
0x45: {  	_ =	shalt  }
0x46: {  	_ =	shalt  }
0x47: {  	_ =	shalt  }
0x48: {  	_ =	shalt  }
0x49: {  	_ =	shalt  }
0x4a: {  	_ =	shalt  }
0x4b: {  	_ =	shalt  }
0x4c: {  	_ =	shalt  }
0x4d: {  	_ =	shalt  }
0x4e: {  	_ =	shalt  }
0x4f: {  	_ =	shalt  }
0x50: {  	_ =	shalt  }
0x51: {  	_ =	shalt  }
0x52: {  	_ =	shalt  }
0x53: {  	_ =	shalt  }
0x54: {  	_ =	shalt  }
0x55: {  	_ =	shalt  }
0x56: {  	_ =	shalt  }
0x57: {  	_ =	shalt  }
0x58: {  	_ =	shalt  }
0x59: {  	_ =	shalt  }
0x5a: {  	_ =	shalt  }
0x5b: {  	_ =	shalt  }
0x5c: {  	_ =	shalt  }
0x5d: {  	_ =	shalt  }
0x5e: {  	_ =	shalt  }
0x5f: {  	_ =	shalt  }
0x60: {  	_ =	shalt  }
0x61: {  	_ =	shalt  }
0x62: {  	_ =	shalt  }
0x63: {  	_ =	shalt  }
0x64: {  	_ =	shalt  }
0x65: {  	_ =	shalt  }
0x66: {  	_ =	shalt  }
0x67: {  	_ =	shalt  }
0x68: {  	_ =	shalt  }
0x69: {  	_ =	shalt  }
0x6a: {  	_ =	shalt  }
0x6b: {  	_ =	shalt  }
0x6c: {  	_ =	shalt  }
0x6d: {  	_ =	shalt  }
0x6e: {  	_ =	shalt  }
0x6f: {  	_ =	shalt  }
0x70: {  	_ =	shalt  }
0x71: {  	_ =	shalt  }
0x72: {  	_ =	shalt  }
0x73: {  	_ =	shalt  }
0x74: {  	_ =	shalt  }
0x75: {  	_ =	shalt  }
0x76: {  	_ =	shalt  }
0x77: {  	_ =	shalt  }
0x78: {  	_ =	shalt  }
0x79: {  	_ =	shalt  }
0x7a: {  	_ =	shalt  }
0x7b: {  	_ =	shalt  }
0x7c: {  	_ =	shalt  }
0x7d: {  	_ =	shalt  }
0x7e: {  	_ =	shalt  }
0x7f: {  	_ =	shalt  }
0x80: {  	_ =	shalt  }
0x81: {  	_ =	shalt  }
0x82: {  	_ =	shalt  }
0x83: {  	_ =	shalt  }
0x84: {  	_ =	shalt  }
0x85: {  	_ =	shalt  }
0x86: {  	_ =	shalt  }
0x87: {  	_ =	shalt  }
.Lfunc_end0:
.L_simem_size_0:
called_computation_lowered:
.L_overlay_start_0:
0x88: {  	s2 =	sld [smem:$0x3FD9]  }
0x89: {  	s3 =	sld [smem:$0x3FFE];
	_ =	sdelay $0x1  }
0x8a: {  	s1 =	srdreg.scid  }
0x8b: {  	s0 =	sand.u32 $0x1, s1  }
0x8c: {  	s16 =	sshll.u32 s0, $0xA;
	s2 =	sadd.s32 s3, s2  }
0x8d: {  	s2 =	sadd.s32 s2, s16  }
0x8e: {  	[smem:$0x3FC6] =	sst s2  }
0x8f: {  	_ = 	snop  }
0x90: {  	(tm) =	ssettm $0x1  }
0x91: {  	s17 =	sld [smem:$0x3FFB];
	_ =	sdelay $0x3  }
0x92: {  	_ =	strace s17  }
0x93: {  	s2 =	sld [smem:$0x3FFC];
	_ =	sdelay $0x3  }
0x94: {  	_ =	strace s2  }
0x95: {  	s2 =	sld [smem:$0x3FFD];
	_ =	sdelay $0x3  }
0x96: {  	_ =	strace s2  }
0x97: {  	_ =	strace $0x8FFFFFFF  }
0x98: {  	s18 =	sld [smem:$0x3FDB];
	_ =	sdelay $0x1  }
0x99: {  	s19 =	simm.s32 $_scs_section_size  }
0x9a: {  	s4 =	simm.s32 $_size__tile_overlayer_lowered;
	s5 =	simm.s32 $_tile_overlayer_lowered  }
0x9b: {  	s22 =	simm.s32 $0x1BFF;
	s21 =	sshll.u32 s5, $0x1;
	s2 =	sadd.s32 s19, s18  }
0x9c: {  	s6 =	simm.s32 $0x0;
	s20 =	sshll.u32 s4, $0x1;
	s4 =	sadd.s32 s21, s2  }
0x9d: {  	[timem:s6], [sflag:s22] =	dma.local [hbm:s4], s20  }
0x9e: {  	_ =	swait.ge [sflag:s22], s20  }
0x9f: {  	s3 =	ssub.s32 $0x0, s20;
	[sflag:s22] =	ssyncset.done $0x0  }
0xa0: {  	[sflag:s22] =	ssyncadd.s32 s3;
	_ =	sdelay $0x1  }
0xa1: {  	s23 =	simm.s32 $0x1B8B  }
0xa2: {  	_ =	swait.ge [sflag:s23], $0x1  }
0xa3: {  	[sflag:s23] =	ssyncset.done $0x0  }
0xa4: {  	s25 =	simm.s32 $0x1B8E;
	s24 =	sld [smem:$0x3FFE];
	[sflag:s23] =	ssyncadd.s32 $0xFFFFFFFF  }
0xa5: {  	s26 =	simm.s32 $execute0_lowered;
	[smem:$0x3FD2] =	sst s25  }
0xa6: {  	s4 =	sshll.u32 s26, $0x1;
	_ =	strace $0x80000046;
	[dreg:$0x1] =	wrdreg $0xFFFFFFFF  }
0xa7: {  	s28 =	simm.s32 $_size_execute0_lowered;
	s2 =	sadd.s32 s2, s4;
	[dreg:$0x0] =	wrdreg $0x0  }
0xa8: {  	s4 =	sshll.u32 s28, $0x1;
	[dreg:$0x2] =	wrdreg s2  }
0xa9: {  	[dreg:$0x3] =	wrdreg s4  }
0xaa: {  	[dreg:$0x4] =	wrdreg $0xC0  }
0xab: {  	_ =	task [dreg:s6], $0x5FFFF  }
0xac: {  	[dreg:$0x1] =	wrdreg $0xFFFFFFFF  }
0xad: {  	[dreg:$0x0] =	wrdreg $0x60  }
0xae: {  	[dreg:$0x2] =	wrdreg s24  }
0xaf: {  	[dreg:$0x3] =	wrdreg $0x9  }
0xb0: {  	_ =	task.clear_ibuf [dreg:s6], $0x4FFFF;
	_ =	strace $0x90000046  }
0xb1: {  	s29 =	simm.s32 $0x9;
	_ =	strace $0x80000048  }
0xb2: {  	_ =	swait.ge [sflag:s29], $0x1  }
0xb3: {  	[sflag:s29] =	ssyncadd.s32 $0xFFFFFFFF  }
0xb4: {  	_ =	strace $0x90000048  }
0xb5: {  	_ =	sfence  }
0xb6: {  	s30 =	sld [smem:$0x0];
	_ =	sdelay $0x2  }
0xb7: {  	s31 =	sshll.u32 s1, $0xD;
	s1 =	sshrl.u32 s1, $0x2  }
0xb8: {  	s3 =	sand.u32 $0x4000, s31;
	s1 =	sadd.s32 s1, s30  }
0xb9: {  	s0 =	sor.u32 s3, s0;
	s1 =	sshll.u32 s1, $0x11  }
0xba: {  	s0 =	sor.u32 s1, s0  }
0xbb: {  	s0 =	sadd.s32 $0x8F2B, s0  }
0xbc: {  	[sflag:s0] =	ssyncadd.remote.s32 $0x1  }
0xbd: {  	_ =	sfence.sel $0xFFFF  }
0xbe: {  	[dreg:$0x0] =	wrdreg $0xFFFFFFFF;
	(pc) =	sbr.abs _section_cstart, $3  }
0xbf: {  	[dreg:$0x1] =	wrdreg $0xFFFFFFFF  }
0xc0: {  	_ =	task.clear_ibuf [dreg:s6], $0x2FFFF;
	_ =	strace $0x9FFFFFFF  }
0xc1: {  	(tm) =	ssettm $0x7FFFFFFF  }
tec
execute0_lowered:
.L_overlay_start_1:
0x0: {  	(tag) =	ssettag $0x1  }
0x1: {  	s0 =	rddreg [dreg:$0x0];
	s1 =	srdreg.scid  }
0x2: {  	s2 =	simm.s32 $0x0;
	s3 =	stileid.u32;
	s11 =	simm.s32 $0x1  }
0x3: {  	v0 =	vlaneseq.u32;
	s12 =	simm.s32 $0x10000;
	s13 =	simm.s32 $0x3;
	s1 =	sand.u32 $0x1, s1  }
0x4: {  	[smem:$0x7FF] =	sst s2;
	s3 =	sshll.u32 s3, $0xE;
	v1 =	vor.u32 $0xE0, v0;
	s4 =	sshll.u32 s1, $0xD  }
0x5: {  	s14 =	simm.s32 $0x14000;
	v60 =	vor.u32 $0xA0, v0;
	_ =	strace $0x80000047;
	[tilespmem:$0x1FFA0] =	vst v1;
	s3 =	sor.u32 s4, s3  }
0x6: {  	s15 =	simm.s32 $0x2;
	s16 =	simm.s32 $0x0;
	v5 =	vor.u32 $0x10, v0;
	[tilespmem:$0x1FFC0] =	vst v60;
	s5 =	sshll.u32 s3, $0x5  }
0x7: {  	v6 =	vor.u32 $0x20, v0;
	v7 =	vor.u32 $0x30, v0;
	v8 =	vor.u32 $0x40, v0;
	s8 =	sadd.s32 $0x2800, s0;
	s1 =	ssub.s32 $0x2, s1;
	[tilespmem:$0x1FFD0] =	vst v5;
	s7 =	sadd.s32 s5, s0  }
0x8: {  	v9 =	vor.u32 $0x50, v0;
	v10 =	vor.u32 $0x60, v0;
	v11 =	vor.u32 $0x70, v0;
	[tilespmem:$0x1FFE0] =	vst v6;
	s4 =	sadd.s32 $0x800800, s0;
	s6 =	sshrl.u32 s1, $0x1;
	s30 =	sadd.s32 $0x800, s7  }
0x9: {  	v12 =	vor.u32 $0x80, v0;
	v13 =	vor.u32 $0x90, v0;
	v1 =	vor.u32 $0xF0, v0;
	[tilespmem:$0x1FFF0] =	vst v7;
	s1 =	ssub.s32 s1, s6;
	s31 =	sadd.s32 $0x1800, s7;
	[dreg:$0x2] =	wrdreg s30  }
0xa: {  	v62 =	vor.u32 $0xB0, v0;
	v14 =	vor.u32 $0xC0, v0;
	v15 =	vor.u32 $0xD0, v0;
	[tilespmem:$0x1FFB0] =	vst v1;
	s5 =	sadd.s32 $0xC00800, s0;
	s9 =	smax.u32 s1, $0x1;
	[dreg:$0x3] =	wrdreg s31  }
.LBB2_1:
0xb: {  	s0 =	rddreg [dreg:$0x2]  }
0xc: {  	[tilespmem:s2], [sflag:$0x1] =	stream.linear.gather [hbm4b:s0+s2], $0x8000, $0x38;
	[tilespmem:$0x18000] =	vst v63  }
0xd: {  	s31 =	rddreg [dreg:$0x3];
	s1 =	simm.s32 $0x8000;
	s17 =	simm.s32 $0x0  }
0xe: {  	[tilespmem:s1], [sflag:$0x2] =	stream.linear.gather [hbm4b:s31+s2], $0x8000, $0x38;
	[tilespmem:$0x18000] =	vst v63  }
.LBB2_2:
0xf: {  	_ =	swait.ge [sflag:s11], $0x8000;
	s0 =	simm.s32 $0x0;
	s1 =	simm.s32 $0x0  }
0x10: {  	[sflag:s11] =	ssyncset.done $0x0;
	s0 =	sand.u32 $0x7800, s0;
	s1 =	sand.u32 $0x300, s1  }
0x11: {  	[sflag:s11] =	ssyncadd.s32 $0xFFFF8000;
	s1 =	sor.u32 s1, s0  }
0x12: {  	v16 =	vld [tilespmem:s1+$0x0]  }
0x13: {  	v17 =	vld [tilespmem:s1+$0x10]  }
0x14: {  	v18 =	vld [tilespmem:s1+$0x20]  }
0x15: {  	v19 =	vld [tilespmem:s1+$0x30]  }
0x16: {  	v20 =	vld [tilespmem:s1+$0x40]  }
0x17: {  	v21 =	vld [tilespmem:s1+$0x50]  }
0x18: {  	v2 =	vld [tilespmem:$0x1FFA0];
	(xrf1) =	vsort.dscd.msk.f32 $0xffff, v16, v0  }
0x19: {  	v16 =	vld [tilespmem:s1+$0x60];
	(xrf1) =	vsort.ascd.msk.f32 $0xffff, v17, v5  }
0x1a: {  	v17 =	vld [tilespmem:s1+$0x70];
	(xrf1) =	vsort.dscd.msk.f32 $0xffff, v18, v6  }
0x1b: {  	v18 =	vld [tilespmem:s1+$0x400];
	(xrf1) =	vsort.ascd.msk.f32 $0xffff, v19, v7  }
0x1c: {  	v3 =	vld [tilespmem:$0x1FFB0];
	(xrf1) =	vsort.dscd.msk.f32 $0xffff, v20, v8  }
0x1d: {  	v19 =	vld [tilespmem:s1+$0x410];
	(xrf1) =	vsort.ascd.msk.f32 $0xffff, v21, v9  }
0x1e: {  	v20 =	vld [tilespmem:s1+$0x420];
	(xrf1) =	vsort.dscd.msk.f32 $0xffff, v16, v10  }
0x1f: {  	v21 =	vld [tilespmem:s1+$0x430];
	(xrf1) =	vsort.ascd.msk.f32 $0xffff, v17, v11  }
0x20: {  	v16 =	vld [tilespmem:s1+$0x440];
	(xrf1) =	vsort.dscd.msk.f32 $0xffff, v18, v12  }
0x21: {  	s10 =	simm.s32 $0x80;
	v17 =	vld [tilespmem:s1+$0x450]  }
0x22: {  	s10 =	sand.u32 $0x380, s10;
	v18 =	vld [tilespmem:s1+$0x460];
	(xrf1) =	vsort.ascd.msk.f32 $0xffff, v19, v13  }
0x23: {  	s0 =	sor.u32 s10, s0;
	v19 =	vld [tilespmem:s1+$0x470];
	(xrf1) =	vsort.dscd.msk.f32 $0xffff, v20, v60  }
0x24: {  	v20 =	vld [tilespmem:s0+$0x0];
	(xrf1) =	vsort.ascd.msk.f32 $0xffff, v21, v62  }
0x25: {  	(xrf1) =	vsort.dscd.msk.f32 $0xffff, v16, v14;
	v16 =	vld [tilespmem:s0+$0x10]  }
0x26: {  	(xrf1) =	vsort.ascd.msk.f32 $0xffff, v17, v15;
	v17 =	vld [tilespmem:s0+$0x20];
	v21, v22, _ =	vpop (xrf1)  }
0x27: {  	(xrf1) =	vsort.dscd.msk.f32 $0xffff, v18, v2;
	v18 =	vld [tilespmem:s0+$0x30];
	v23, v24, _ =	vpop (xrf1)  }
0x28: {  	(xrf1) =	vsort.ascd.msk.f32 $0xffff, v19, v3;
	v19 =	vld [tilespmem:s0+$0x40];
	v25, v26, _ =	vpop (xrf1)  }
0x29: {  	v27 =	vld [tilespmem:s0+$0x50];
	v28, v29, _ =	vpop (xrf1);
	(xrf1) =	vsort.dscd.msk.f32 $0xffff, v20, v0  }
0x2a: {  	v20 =	vld [tilespmem:s0+$0x60];
	v30, v31, _ =	vpop (xrf1);
	(xrf1) =	vsort.ascd.msk.f32 $0xffff, v16, v5  }
0x2b: {  	v16 =	vld [tilespmem:s0+$0x70];
	v32, v33, _ =	vpop (xrf1);
	(xrf1) =	vsort.dscd.msk.f32 $0xffff, v17, v6  }
0x2c: {  	v17 =	vld [tilespmem:s0+$0x400];
	v34, v35, _ =	vpop (xrf1);
	(xrf1) =	vsort.ascd.msk.f32 $0xffff, v18, v7  }
0x2d: {  	v18 =	vld [tilespmem:s0+$0x410];
	v36, v37, _ =	vpop (xrf1);
	(xrf1) =	vsort.dscd.msk.f32 $0xffff, v19, v8  }
0x2e: {  	vm0 =	vge.f32 v21, v23;
	v19, v38, _ =	vpop (xrf1);
	(xrf1) =	vsort.ascd.msk.f32 $0xffff, v27, v9  }
0x2f: {  	v21 =	vsel vm0, v21, v23;
	(xrf1) =	vsort.dscd.msk.f32 $0xffff, v20, v10  }
0x30: {  	v22 =	vsel vm0, v22, v24;
	vm1 =	vge.f32 v25, v28;
	v27, v39, _ =	vpop (xrf1);
	(xrf1) =	vsort.ascd.msk.f32 $0xffff, v16, v11  }
0x31: {  	vm2 =	vge.f32 v30, v32;
	v20, v40, _ =	vpop (xrf1);
	vm15 =	vge.f32 v19, v27;
	(xrf1) =	vsort.dscd.msk.f32 $0xffff, v17, v12  }
0x32: {  	vm3 =	vge.f32 v34, v36;
	v16, v41, _ =	vpop (xrf1);
	v19 =	vsel vm15, v19, v27;
	(xrf1) =	vsort.ascd.msk.f32 $0xffff, v18, v13  }
0x33: {  	v17, v42, _ =	vpop (xrf1);
	(xrf1) =	vsort.dscd.msk.f32 $0xffff, v21, v22;
	v21 =	vsel vm1, v25, v28;
	v22 =	vsel vm1, v26, v29  }
0x34: {  	vm4 =	vge.f32 v20, v16;
	v18, v43, _ =	vpop (xrf1);
	(xrf1) =	vsort.ascd.msk.f32 $0xffff, v21, v22;
	v22 =	vsel vm3, v35, v37  }
0x35: {  	v25 =	vsel vm2, v30, v32;
	v26 =	vsel vm2, v31, v33;
	v21 =	vsel vm3, v34, v36  }
0x36: {  	v44, v45, _ =	vpop (xrf1);
	vm5 =	vge.f32 v17, v18;
	(xrf1) =	vsort.dscd.msk.f32 $0xffff, v25, v26;
	v25 =	vsel vm15, v38, v39  }
0x37: {  	v16 =	vsel vm4, v20, v16;
	v20 =	vsel vm4, v40, v41;
	v23, v24, _ =	vpop (xrf1);
	v17 =	vsel vm5, v17, v18  }
0x38: {  	v18 =	vsel vm5, v42, v43;
	vm7 =	vge.f32 v44, v23;
	(xrf1) =	vsort.ascd.msk.f32 $0xffff, v21, v22;
	v21, v22, _ =	vpop (xrf1)  }
0x39: {  	(xrf1) =	vsort.dscd.msk.f32 $0xffff, v19, v25;
	v19 =	vld [tilespmem:s0+$0x420];
	v24 =	vsel vm7, v45, v24;
	v25, v26, _ =	vpop (xrf1)  }
0x3a: {  	(xrf1) =	vsort.ascd.msk.f32 $0xffff, v16, v20;
	v16 =	vld [tilespmem:s0+$0x430];
	v20, v27, _ =	vpop (xrf1)  }
0x3b: {  	v23 =	vsel vm7, v44, v23;
	(xrf1) =	vsort.dscd.msk.f32 $0xffff, v17, v18;
	v17 =	vld [tilespmem:s0+$0x440];
	v18, v28, _ =	vpop (xrf1)  }
0x3c: {  	(xrf1) =	vsort.ascd.msk.f32 $0xffff, v23, v24;
	v23 =	vld [tilespmem:s0+$0x450];
	v24, v29, _ =	vpop (xrf1)  }
0x3d: {  	v30 =	vld [tilespmem:s0+$0x460];
	v31, v50, _ =	vpop (xrf1)  }
0x3e: {  	v51 =	vld [tilespmem:s0+$0x470];
	v52, v53, _ =	vpop (xrf1);
	(xrf1) =	vsort.dscd.msk.f32 $0xffff, v19, v60  }
0x3f: {  	vm9 =	vge.f32 v20, v18;
	(xrf1) =	vsort.ascd.msk.f32 $0xffff, v16, v62  }
0x40: {  	vm8 =	vge.f32 v21, v25;
	v18 =	vsel vm9, v20, v18;
	v19, v54, _ =	vpop (xrf1);
	(xrf1) =	vsort.dscd.msk.f32 $0xffff, v17, v14  }
0x41: {  	v16, v55, _ =	vpop (xrf1);
	v17 =	vsel vm8, v21, v25;
	v21 =	vsel vm8, v22, v26;
	(xrf1) =	vsort.ascd.msk.f32 $0xffff, v23, v15  }
0x42: {  	v20 =	vsel vm9, v27, v28;
	vm10 =	vge.f32 v24, v31;
	v22, v25, _ =	vpop (xrf1);
	(xrf1) =	vsort.dscd.msk.f32 $0xffff, v30, v2  }
0x43: {  	v24 =	vsel vm10, v24, v31;
	v23, v26, _ =	vpop (xrf1);
	(xrf1) =	vsort.ascd.msk.f32 $0xffff, v51, v3  }
0x44: {  	v29 =	vsel vm10, v29, v50;
	vm11 =	vge.f32 v52, v19;
	v27, v28, _ =	vpop (xrf1);
	(xrf1) =	vsort.dscd.msk.f32 $0xffff, v17, v21  }
0x45: {  	v19 =	vsel vm11, v52, v19;
	v17, v21, _ =	vpop (xrf1);
	(xrf1) =	vsort.ascd.msk.f32 $0xffff, v18, v20  }
0x46: {  	vm12 =	vge.f32 v16, v22;
	v30 =	vsel vm11, v53, v54;
	v18, v20, _ =	vpop (xrf1);
	(xrf1) =	vsort.dscd.msk.f32 $0xffff, v24, v29  }
0x47: {  	v16 =	vsel vm12, v16, v22;
	v25 =	vsel vm12, v55, v25;
	v22, v24, _ =	vpop (xrf1);
	(xrf1) =	vsort.ascd.msk.f32 $0xffff, v19, v30  }
0x48: {  	vm13 =	vge.f32 v23, v27;
	vm14 =	vge.f32 v17, v18;
	v19, v29, _ =	vpop (xrf1);
	(xrf1) =	vsort.dscd.msk.f32 $0xffff, v16, v25  }
0x49: {  	v30, v31, _ =	vpop (xrf1);
	v16 =	vsel vm13, v23, v27;
	v23 =	vsel vm13, v26, v28;
	vm15 =	vge.f32 v22, v19  }
0x4a: {  	v25, v26, _ =	vpop (xrf1);
	(xrf1) =	vsort.dscd.msk.f32 $0xffff, v16, v23;
	v16 =	vsel vm14, v17, v18;
	v17 =	vsel vm14, v21, v20  }
0x4b: {  	v18 =	vsel vm15, v22, v19;
	v19 =	vsel vm15, v24, v29;
	vm4 =	vge.f32 v30, v25  }
0x4c: {  	(xrf1) =	vsort.ascd.msk.f32 $0xffff, v16, v17;
	v17 =	vsel vm4, v31, v26  }
0x4d: {  	v16 =	vsel vm4, v30, v25  }
0x4e: {  	(xrf1) =	vsort.dscd.msk.f32 $0xffff, v18, v19  }
0x4f: {  	v18, v19, _ =	vpop (xrf1);
	(xrf1) =	vsort.ascd.msk.f32 $0xffff, v16, v17  }
0x50: {  	v16, v17, _ =	vpop (xrf1)  }
0x51: {  	v20, v21, _ =	vpop (xrf1)  }
0x52: {  	v22, v23, _ =	vpop (xrf1)  }
0x53: {  	vm5 =	vge.f32 v18, v16;
	v24, v25, _ =	vpop (xrf1)  }
0x54: {  	v17 =	vsel vm5, v19, v17;
	vm6 =	vge.f32 v20, v22;
	v26, v27, _ =	vpop (xrf1)  }
0x55: {  	v16 =	vsel vm5, v18, v16;
	v18 =	vsel vm6, v20, v22;
	v28, v29, _ =	vpop (xrf1)  }
0x56: {  	(xrf1) =	vsort.ascd.msk.f32 $0xffff, v16, v17;
	vm7 =	vge.f32 v24, v26;
	v30, v31, _ =	vpop (xrf1)  }
0x57: {  	v20 =	vsel vm6, v21, v23;
	v21 =	vsel vm7, v25, v27;
	v19, v56, _ =	vpop (xrf1);
	vm8 =	vge.f32 v28, v30  }
0x58: {  	(xrf1) =	vsort.dscd.msk.f32 $0xffff, v18, v20;
	v20 =	vsel vm7, v24, v26;
	v16, v17, _ =	vpop (xrf1);
	v26 =	vsel vm8, v29, v31  }
0x59: {  	s20 =	simm.s32 $0x100;
	s21 =	simm.s32 $0x200;
	v22 =	vsel vm8, v28, v30;
	v23, v18, _ =	vpop (xrf1);
	vm9 =	vge.f32 v19, v16  }
0x5a: {  	s1 =	sand.u32 $0x7800, s21;
	s0 =	sand.u32 $0x300, s20;
	v24, v25, _ =	vpop (xrf1);
	v17 =	vsel vm9, v56, v17  }
0x5b: {  	s0 =	sor.u32 s0, s1;
	(xrf1) =	vsort.ascd.msk.f32 $0xffff, v20, v21;
	v20, v21, _ =	vpop (xrf1)  }
0x5c: {  	(xrf1) =	vsort.dscd.msk.f32 $0xffff, v22, v26;
	v16 =	vsel vm9, v19, v16;
	v19 =	vld [tilespmem:s0+$0x0];
	v22, v26, _ =	vpop (xrf1)  }
0x5d: {  	(xrf1) =	vsort.ascd.msk.f32 $0xffff, v16, v17;
	v16 =	vld [tilespmem:s0+$0x10];
	vm10 =	vge.f32 v24, v20;
	v17, v27, _ =	vpop (xrf1)  }
0x5e: {  	v28 =	vld [tilespmem:s0+$0x20];
	v20 =	vsel vm10, v24, v20;
	v21 =	vsel vm10, v25, v21;
	vm11 =	vge.f32 v22, v17  }
0x5f: {  	v24 =	vld [tilespmem:s0+$0x30];
	(xrf1) =	vsort.dscd.msk.f32 $0xffff, v20, v21;
	v17 =	vsel vm11, v22, v17;
	v22 =	vsel vm11, v26, v27  }
0x60: {  	v20 =	vld [tilespmem:s0+$0x40];
	(xrf1) =	vsort.ascd.msk.f32 $0xffff, v17, v22  }
0x61: {  	v17 =	vld [tilespmem:s0+$0x50];
	(xrf1) =	vsort.dscd.msk.f32 $0xffff, v19, v0  }
0x62: {  	v19 =	vld [tilespmem:s0+$0x60];
	(xrf1) =	vsort.ascd.msk.f32 $0xffff, v16, v5  }
0x63: {  	v16 =	vld [tilespmem:s0+$0x70];
	(xrf1) =	vsort.dscd.msk.f32 $0xffff, v28, v6  }
0x64: {  	v21 =	vld [tilespmem:s0+$0x400];
	(xrf1) =	vsort.ascd.msk.f32 $0xffff, v24, v7  }
0x65: {  	v28 =	vld [tilespmem:s0+$0x410];
	(xrf1) =	vsort.dscd.msk.f32 $0xffff, v20, v8  }
0x66: {  	v29 =	vld [tilespmem:s0+$0x420];
	(xrf1) =	vsort.ascd.msk.f32 $0xffff, v17, v9  }
0x67: {  	v30 =	vld [tilespmem:s0+$0x430];
	(xrf1) =	vsort.dscd.msk.f32 $0xffff, v19, v10  }
0x68: {  	v31, v27, _ =	vpop (xrf1);
	v19 =	vld [tilespmem:s0+$0x440];
	(xrf1) =	vsort.ascd.msk.f32 $0xffff, v16, v11  }
0x69: {  	v57 =	vld [tilespmem:s0+$0x450];
	v24, v22, _ =	vpop (xrf1);
	(xrf1) =	vsort.dscd.msk.f32 $0xffff, v21, v12  }
0x6a: {  	v58 =	vld [tilespmem:s0+$0x460];
	v26, v25, _ =	vpop (xrf1);
	(xrf1) =	vsort.ascd.msk.f32 $0xffff, v28, v13  }
0x6b: {  	s22 =	simm.s32 $0x180;
	v20, v16, _ =	vpop (xrf1);
	v28 =	vld [tilespmem:s0+$0x470];
	(xrf1) =	vsort.dscd.msk.f32 $0xffff, v29, v60  }
0x6c: {  	s23 =	sand.u32 $0x380, s22;
	v21, v17, _ =	vpop (xrf1);
	(xrf1) =	vsort.ascd.msk.f32 $0xffff, v30, v62  }
0x6d: {  	s0 =	sor.u32 s23, s1;
	(xrf1) =	vsort.dscd.msk.f32 $0xffff, v19, v14;
	v19, v29, _ =	vpop (xrf1)  }
0x6e: {  	v30 =	vld [tilespmem:s0+$0x0];
	(xrf1) =	vsort.ascd.msk.f32 $0xffff, v57, v15;
	v61, v59, _ =	vpop (xrf1)  }
0x6f: {  	v63 =	vld [tilespmem:s0+$0x10];
	v36, v1, _ =	vpop (xrf1);
	(xrf1) =	vsort.dscd.msk.f32 $0xffff, v58, v2;
	vm12 =	vge.f32 v19, v61  }
0x70: {  	v56 =	vld [tilespmem:s0+$0x20];
	v38, v39, _ =	vpop (xrf1);
	(xrf1) =	vsort.ascd.msk.f32 $0xffff, v28, v3;
	v28 =	vsel vm12, v29, v59  }
0x71: {  	v19 =	vsel vm12, v19, v61;
	v29 =	vld [tilespmem:s0+$0x30]  }
0x72: {  	v32, v34, _ =	vpop (xrf1);
	(xrf1) =	vsort.dscd.msk.f32 $0xffff, v19, v28;
	v19 =	vld [tilespmem:s0+$0x40]  }
0x73: {  	v57 =	vld [tilespmem:s0+$0x50];
	v28, v40, _ =	vpop (xrf1);
	(xrf1) =	vsort.dscd.msk.f32 $0xffff, v30, v0  }
0x74: {  	v30, v42, _ =	vpop (xrf1);
	(xrf1) =	vsort.ascd.msk.f32 $0xffff, v63, v5  }
0x75: {  	v58 =	vld [tilespmem:s0+$0x60];
	v35, v44, _ =	vpop (xrf1);
	(xrf1) =	vsort.dscd.msk.f32 $0xffff, v56, v6  }
0x76: {  	v59 =	vld [tilespmem:s0+$0x70];
	v33, v46, _ =	vpop (xrf1);
	(xrf1) =	vsort.ascd.msk.f32 $0xffff, v29, v7  }
0x77: {  	v47 =	vld [tilespmem:s0+$0x400];
	v29, v48, _ =	vpop (xrf1);
	(xrf1) =	vsort.dscd.msk.f32 $0xffff, v19, v8  }
0x78: {  	v49 =	vld [tilespmem:s0+$0x410];
	v50, v51, _ =	vpop (xrf1);
	(xrf1) =	vsort.ascd.msk.f32 $0xffff, v57, v9  }
0x79: {  	vm13 =	vge.f32 v36, v38;
	v41, v52, _ =	vpop (xrf1)  }
0x7a: {  	v1 =	vsel vm13, v1, v39;
	vm14 =	vge.f32 v32, v28;
	(xrf1) =	vsort.dscd.msk.f32 $0xffff, v58, v10;
	v53, v54, _ =	vpop (xrf1)  }
0x7b: {  	v28 =	vsel vm14, v32, v28;
	v40 =	vsel vm14, v34, v40;
	(xrf1) =	vsort.ascd.msk.f32 $0xffff, v59, v11;
	v43, v55, _ =	vpop (xrf1)  }
0x7c: {  	vm15 =	vge.f32 v30, v35;
	v19 =	vsel vm13, v36, v38;
	(xrf1) =	vsort.dscd.msk.f32 $0xffff, v47, v12;
	v61, v56, _ =	vpop (xrf1)  }
0x7d: {  	v30 =	vsel vm15, v30, v35;
	v44 =	vsel vm15, v42, v44;
	v63, v57, _ =	vpop (xrf1);
	(xrf1) =	vsort.ascd.msk.f32 $0xffff, v49, v13  }
0x7e: {  	vm8 =	vge.f32 v33, v29;
	vm9 =	vge.f32 v50, v41;
	v49, v58, _ =	vpop (xrf1);
	(xrf1) =	vsort.dscd.msk.f32 $0xffff, v19, v1  }
0x7f: {  	v37, v38, _ =	vpop (xrf1);
	(xrf1) =	vsort.ascd.msk.f32 $0xffff, v28, v40;
	v28 =	vsel vm8, v33, v29;
	v29 =	vsel vm8, v46, v48  }
0x80: {  	v50 =	vsel vm9, v50, v41;
	v36, v1, _ =	vpop (xrf1);
	(xrf1) =	vsort.dscd.msk.f32 $0xffff, v30, v44  }
0x81: {  	v52 =	vsel vm9, v51, v52;
	vm10 =	vge.f32 v53, v43;
	[tilespmem:$0x1FE90] =	vst v1;
	(xrf0) =	vmax.scan.msk.f32 $0xffff, v36;
	v30, v32, _ =	vpop (xrf1)  }
0x82: {  	v53 =	vsel vm10, v53, v43;
	vm11 =	vge.f32 v61, v63;
	(xrf1) =	vsort.ascd.msk.f32 $0xffff, v28, v29;
	v28 =	vld [tilespmem:s0+$0x420];
	v29, v35, _ =	vpop (xrf1)  }
0x83: {  	v59 =	vsel vm10, v54, v55;
	v61 =	vsel vm11, v61, v63;
	(xrf1) =	vsort.dscd.msk.f32 $0xffff, v50, v52;
	v33 =	vld [tilespmem:s0+$0x430];
	v34, v41, _ =	vpop (xrf1)  }
0x84: {  	v63 =	vsel vm11, v56, v57;
	vm12 =	vge.f32 v49, v37;
	v1 =	vld [tilespmem:s0+$0x440];
	(xrf1) =	vsort.ascd.msk.f32 $0xffff, v53, v59;
	v40, v44, _ =	vpop (xrf1)  }
0x85: {  	v37 =	vsel vm12, v49, v37;
	v38 =	vsel vm12, v58, v38;
	v52 =	vld [tilespmem:s0+$0x450];
	(xrf1) =	vsort.dscd.msk.f32 $0xffff, v61, v63;
	v55, v45, _ =	vpop (xrf1)  }
0x86: {  	v54 =	vld [tilespmem:s0+$0x460];
	(xrf1) =	vsort.ascd.msk.f32 $0xffff, v37, v38;
	v58, v57, _ =	vpop (xrf1)  }
0x87: {  	vm13 =	vge.f32 v23, v31;
	v56 =	vld [tilespmem:s0+$0x470];
	v53, _, _ =	vpop (xrf0);
	(xrf1) =	vsort.dscd.msk.f32 $0xffff, v28, v60  }
0x88: {  	v23 =	vsel vm13, v23, v31;
	vm14 =	vge.f32 v30, v29;
	v28, v59, _ =	vpop (xrf1);
	(xrf1) =	vsort.ascd.msk.f32 $0xffff, v33, v62  }
0x89: {  	v29 =	vsel vm14, v30, v29;
	vm15 =	vge.f32 v34, v40;
	v43 =	vbroadcast v53, $0xF;
	v31, v61, _ =	vpop (xrf1);
	(xrf1) =	vsort.dscd.msk.f32 $0xffff, v1, v14  }
0x8a: {  	v32 =	vsel vm14, v32, v35;
	v34 =	vsel vm15, v34, v40;
	v30, v63, _ =	vpop (xrf1);
	(xrf1) =	vsort.ascd.msk.f32 $0xffff, v52, v15  }
0x8b: {  	vm6 =	vge.f32 v55, v58;
	v36 =	vsub.f32 v36, v43;
	v50, v1, _ =	vpop (xrf1);
	(xrf1) =	vsort.dscd.msk.f32 $0xffff, v54, v2  }
0x8c: {  	v53 =	vsel vm15, v41, v44;
	vm7 =	vge.f32 v28, v31;
	(xrf1) =	vsort.ascd.msk.f32 $0xffff, v56, v3  }
0x8d: {  	v38 =	vsel vm6, v55, v58;
	v28 =	vsel vm7, v28, v31;
	v36 =	vmul.f32 $1.442695020e+00, v36;
	v51, v52, _ =	vpop (xrf1);
	(xrf1) =	vsort.dscd.msk.f32 $0xffff, v29, v32  }
0x8e: {  	vm8 =	vge.f32 v30, v50;
	v55, v54, _ =	vpop (xrf1);
	v29 =	vsel vm6, v45, v57;
	(xrf1) =	vsort.ascd.msk.f32 $0xffff, v34, v53  }
0x8f: {  	(erf) = vpow2.f32 v36;
	v57, v56, _ =	vpop (xrf1);
	(xrf1) =	vsort.dscd.msk.f32 $0xffff, v38, v29;
	v29 =	vsel vm8, v30, v50;
	v30 =	vsel vm8, v63, v1  }
0x90: {  	v31 =	vsel vm7, v59, v61;
	v59, v58, _ =	vpop (xrf1)  }
0x91: {  	v18 =	vsel vm13, v18, v27;
	vm9 =	vge.f32 v51, v55;
	v63, v61, _ =	vpop (xrf1);
	(xrf1) =	vsort.ascd.msk.f32 $0xffff, v28, v31  }
0x92: {  	v1 =	vsel vm9, v52, v54;
	v27, v28, _ =	vpop (xrf1);
	(xrf1) =	vsort.dscd.msk.f32 $0xffff, v29, v30  }
0x93: {  	v31 =	vsel vm9, v51, v55;
	vm10 =	vge.f32 v57, v59;
	(xrf1) =	vsort.dscd.msk.f32 $0xffff, v23, v18;
	v29, v30, _ =	vpop (xrf1)  }
0x94: {  	vm11 =	vge.f32 v63, v27;
	(xrf1) =	vsort.dscd.msk.f32 $0xffff, v31, v1;
	v31 =	vsel vm10, v57, v59;
	v18, v40, _ =	vpop (xrf1)  }
0x95: {  	v41 =	vsel vm10, v56, v58;
	v28 =	vsel vm11, v61, v28;
	vm12 =	vge.f32 v29, v18  }
0x96: {  	v27 =	vsel vm11, v63, v27;
	v18 =	vsel vm12, v29, v18;
	v29 =	vsel vm12, v30, v40  }
0x97: {  	(xrf1) =	vsort.ascd.msk.f32 $0xffff, v31, v41;
	v31, v32, _ =	vpop (xrf1)  }
0x98: {  	(xrf1) =	vsort.dscd.msk.f32 $0xffff, v27, v28;
	v23 =	vpop (erf)  }
0x99: {  	v27, v28, _ =	vpop (xrf1);
	(xrf1) =	vsort.ascd.msk.f32 $0xffff, v18, v29  }
0x9a: {  	v18, v29, _ =	vpop (xrf1)  }
0x9b: {  	v30, v42, _ =	vpop (xrf1)  }
0x9c: {  	vm13 =	vge.f32 v24, v26;
	vm15 =	vge.f32 v31, v27;
	v43, v44, _ =	vpop (xrf1)  }
0x9d: {  	v24 =	vsel vm13, v24, v26;
	v27 =	vsel vm15, v31, v27;
	v28 =	vsel vm15, v32, v28;
	v46, v45, _ =	vpop (xrf1)  }
0x9e: {  	v22 =	vsel vm13, v22, v25;
	(xrf1) =	vsort.ascd.msk.f32 $0xffff, v27, v28;
	vm4 =	vge.f32 v18, v30;
	v25, v26, _ =	vpop (xrf1)  }
0x9f: {  	v18 =	vsel vm4, v18, v30;
	v29 =	vsel vm4, v29, v42;
	vm5 =	vge.f32 v43, v46;
	v48, v47, _ =	vpop (xrf1)  }
0xa0: {  	(xrf1) =	vsort.dscd.msk.f32 $0xffff, v18, v29;
	v29 =	vsel vm5, v43, v46;
	v30, v31, _ =	vpop (xrf1);
	vm6 =	vge.f32 v25, v48  }
0xa1: {  	vm14 =	vge.f32 v20, v21;
	(xrf1) =	vsort.ascd.msk.f32 $0xffff, v24, v22;
	v27, v28, _ =	vpop (xrf1);
	v24 =	vsel vm6, v25, v48  }
0xa2: {  	v21 =	vsel vm14, v20, v21;
	v16 =	vsel vm14, v16, v17;
	v50 =	vsel vm5, v44, v45;
	v34, v49, _ =	vpop (xrf1)  }
0xa3: {  	s24 =	simm.s32 $0x200;
	s25 =	simm.s32 $0x400;
	(xrf1) =	vsort.ascd.msk.f32 $0xffff, v29, v50;
	v25 =	vsel vm6, v26, v47;
	vm7 =	vge.f32 v30, v27;
	v22, v51, _ =	vpop (xrf1)  }
0xa4: {  	s1 =	sand.u32 $0x300, s24;
	s0 =	sand.u32 $0x7800, s25;
	(xrf1) =	vsort.dscd.msk.f32 $0xffff, v24, v25;
	[tilespmem:$0x1FE70] =	vst v49;
	v25 =	vsel vm7, v30, v27;
	v27 =	vsel vm7, v31, v28;
	v26, v29, _ =	vpop (xrf1)  }
0xa5: {  	s1 =	sor.u32 s1, s0;
	(xrf1) =	vsort.dscd.msk.f32 $0xffff, v21, v16;
	[tilespmem:$0x1FE80] =	vst v51;
	v17, v24, _ =	vpop (xrf1)  }
0xa6: {  	v16 =	vld [tilespmem:s1+$0x0];
	v21, v28, _ =	vpop (xrf1)  }
0xa7: {  	(xrf1) =	vsort.ascd.msk.f32 $0xffff, v25, v27;
	v25 =	vld [tilespmem:s1+$0x10];
	vm8 =	vge.f32 v26, v17;
	v27, v30, _ =	vpop (xrf1)  }
0xa8: {  	(xrf2) =	vadd.scan.msk.f32 $0xffff, v23;
	v31 =	vld [tilespmem:s1+$0x20];
	v17 =	vsel vm8, v26, v17;
	v24 =	vsel vm8, v29, v24;
	vm9 =	vge.f32 v21, v27  }
0xa9: {  	v26 =	vld [tilespmem:s1+$0x30];
	(xrf1) =	vsort.dscd.msk.f32 $0xffff, v17, v24;
	v21 =	vsel vm9, v21, v27;
	v27 =	vsel vm9, v28, v30  }
0xaa: {  	v17 =	vld [tilespmem:s1+$0x40];
	(xrf1) =	vsort.ascd.msk.f32 $0xffff, v21, v27  }
0xab: {  	v21 =	vld [tilespmem:s1+$0x50];
	(xrf1) =	vsort.dscd.msk.f32 $0xffff, v16, v0  }
0xac: {  	v16 =	vld [tilespmem:s1+$0x60];
	(xrf1) =	vsort.ascd.msk.f32 $0xffff, v25, v5  }
0xad: {  	v24 =	vld [tilespmem:s1+$0x70];
	(xrf1) =	vsort.dscd.msk.f32 $0xffff, v31, v6  }
0xae: {  	v52 =	vld [tilespmem:s1+$0x430];
	v37, v35, _ =	vpop (xrf1);
	(xrf1) =	vsort.ascd.msk.f32 $0xffff, v26, v7  }
0xaf: {  	v27 =	vld [tilespmem:s1+$0x400];
	v30, v29, _ =	vpop (xrf1);
	(xrf1) =	vsort.dscd.msk.f32 $0xffff, v17, v8  }
0xb0: {  	v31 =	vld [tilespmem:s1+$0x410];
	v26, v25, _ =	vpop (xrf1);
	(xrf1) =	vsort.ascd.msk.f32 $0xffff, v21, v9  }
0xb1: {  	v17 =	vld [tilespmem:s1+$0x420];
	v33, v32, _ =	vpop (xrf1);
	(xrf1) =	vsort.dscd.msk.f32 $0xffff, v16, v10  }
0xb2: {  	v53 =	vld [tilespmem:s1+$0x440];
	(xrf1) =	vsort.ascd.msk.f32 $0xffff, v24, v11;
	v28, v24, _ =	vpop (xrf1)  }
0xb3: {  	v54 =	vld [tilespmem:s1+$0x450];
	v4, v56, _ =	vpop (xrf1)  }
0xb4: {  	v55 =	vld [tilespmem:s1+$0x460];
	(xrf1) =	vsort.dscd.msk.f32 $0xffff, v27, v12;
	[tilespmem:$0x1FEB0] =	vst v4  }
0xb5: {  	(xrf1) =	vsort.ascd.msk.f32 $0xffff, v31, v13;
	[tilespmem:$0x1FEC0] =	vst v56  }
0xb6: {  	v31, v27, _ =	vpop (xrf1);
	v57 =	vld [tilespmem:s1+$0x470];
	(xrf1) =	vsort.dscd.msk.f32 $0xffff, v17, v60  }
0xb7: {  	s26 =	simm.s32 $0x280;
	(xrf1) =	vsort.ascd.msk.f32 $0xffff, v52, v62;
	v17, v58, _ =	vpop (xrf1)  }
0xb8: {  	s1 =	sand.u32 $0x380, s26;
	(xrf1) =	vsort.dscd.msk.f32 $0xffff, v53, v14;
	v59, v60, _ =	vpop (xrf1)  }
0xb9: {  	v36, _, _ =	vpop (xrf2);
	s0 =	sor.u32 s1, s0;
	(xrf1) =	vsort.ascd.msk.f32 $0xffff, v54, v15;
	vm10 =	vge.f32 v17, v59  }
0xba: {  	v61 =	vld [tilespmem:s0+$0x0];
	v43, v44, _ =	vpop (xrf1);
	(xrf1) =	vsort.dscd.msk.f32 $0xffff, v55, v2;
	v38 =	vsel vm10, v58, v60  }
0xbb: {  	v63 =	vld [tilespmem:s0+$0x10];
	v45, v46, _ =	vpop (xrf1);
	(xrf1) =	vsort.ascd.msk.f32 $0xffff, v57, v3;
	v17 =	vsel vm10, v17, v59  }
0xbc: {  	v40, v42, _ =	vpop (xrf1);
	(xrf1) =	vsort.dscd.msk.f32 $0xffff, v17, v38;
	v17 =	vld [tilespmem:s0+$0x20]  }
0xbd: {  	v38, v47, _ =	vpop (xrf1)  }
0xbe: {  	v49, v50, _ =	vpop (xrf1)  }
0xbf: {  	v1 =	vld [tilespmem:s0+$0x30];
	v52, v53, _ =	vpop (xrf1);
	(xrf1) =	vsort.dscd.msk.f32 $0xffff, v61, v0  }
0xc0: {  	v51 =	vld [tilespmem:s0+$0x40];
	v41, v55, _ =	vpop (xrf1);
	(xrf1) =	vsort.ascd.msk.f32 $0xffff, v63, v5  }
0xc1: {  	v54 =	vld [tilespmem:s0+$0x50];
	v39, v57, _ =	vpop (xrf1);
	(xrf1) =	vsort.dscd.msk.f32 $0xffff, v17, v6;
	v17 =	vbroadcast v36, $0xF  }
0xc2: {  	v56 =	vld [tilespmem:s0+$0x60]  }
0xc3: {  	v58 =	vld [tilespmem:s0+$0x70];
	v59, v60, _ =	vpop (xrf1)  }
0xc4: {  	v36 =	vld [tilespmem:s0+$0x400];
	(xrf1) =	vsort.ascd.msk.f32 $0xffff, v1, v7;
	v48, v61, _ =	vpop (xrf1)  }
0xc5: {  	(xrf1) =	vsort.dscd.msk.f32 $0xffff, v51, v8;
	v51, v63, _ =	vpop (xrf1)  }
0xc6: {  	v1 =	vld [tilespmem:s0+$0x410];
	(erf) = vrcp.f32 v17;
	(xrf1) =	vsort.ascd.msk.f32 $0xffff, v54, v9;
	v54, v17, _ =	vpop (xrf1)  }
0xc7: {  	(xrf1) =	vsort.dscd.msk.f32 $0xffff, v56, v10;
	v56, v19, _ =	vpop (xrf1)  }
0xc8: {  	(xrf1) =	vsort.ascd.msk.f32 $0xffff, v58, v11;
	v58, v18, _ =	vpop (xrf1)  }
0xc9: {  	vm11 =	vge.f32 v43, v45;
	vm12 =	vge.f32 v40, v38;
	(xrf1) =	vsort.dscd.msk.f32 $0xffff, v36, v12;
	v36, v21, _ =	vpop (xrf1)  }
0xca: {  	v43 =	vsel vm11, v43, v45;
	v44 =	vsel vm11, v44, v46;
	v38 =	vsel vm12, v40, v38;
	v16, v20, _ =	vpop (xrf1)  }
0xcb: {  	v4 =	vmov v62;
	v47 =	vsel vm12, v42, v47;
	vm13 =	vge.f32 v49, v52;
	(xrf1) =	vsort.ascd.msk.f32 $0xffff, v1, v13;
	v45, v62, _ =	vpop (xrf1)  }
0xcc: {  	v52 =	vsel vm13, v49, v52;
	vm14 =	vge.f32 v41, v39;
	vm15 =	vge.f32 v59, v48;
	(xrf0) =	vmax.scan.msk.f32 $0xffff, v45  }
0xcd: {  	v39 =	vsel vm14, v41, v39;
	v49 =	vsel vm15, v59, v48;
	(xrf1) =	vsort.dscd.msk.f32 $0xffff, v43, v44  }
0xce: {  	vm8 =	vge.f32 v51, v54;
	(xrf1) =	vsort.ascd.msk.f32 $0xffff, v38, v47;
	[tilespmem:$0x1FF40] =	vst v62;
	v62 =	vsel vm13, v50, v53  }
0xcf: {  	v17 =	vsel vm8, v63, v17;
	v1 =	vsel vm14, v55, v57;
	v38 =	vpop (erf);
	(xrf1) =	vsort.dscd.msk.f32 $0xffff, v52, v62;
	v52 =	vld [tilespmem:s0+$0x420]  }
0xd0: {  	vm9 =	vge.f32 v56, v58;
	v50 =	vsel vm15, v60, v61;
	v41, v42, _ =	vpop (xrf1);
	v62 =	vld [tilespmem:$0x1FFC0];
	(xrf1) =	vsort.ascd.msk.f32 $0xffff, v39, v1  }
0xd1: {  	v55 =	vsel vm9, v56, v58;
	v53 =	vsel vm8, v51, v54;
	v54 =	vld [tilespmem:s0+$0x430];
	v40, v46, _ =	vpop (xrf1);
	(xrf1) =	vsort.dscd.msk.f32 $0xffff, v49, v50  }
0xd2: {  	v18 =	vsel vm9, v19, v18;
	vm10 =	vge.f32 v36, v16;
	v19 =	vld [tilespmem:s0+$0x440];
	(xrf1) =	vsort.ascd.msk.f32 $0xffff, v53, v17;
	v17, _, _ =	vpop (xrf0)  }
0xd3: {  	v16 =	vsel vm10, v36, v16;
	v20 =	vsel vm10, v21, v20;
	v56, v48, _ =	vpop (xrf1);
	(xrf1) =	vsort.dscd.msk.f32 $0xffff, v55, v18;
	v18 =	vld [tilespmem:s0+$0x450];
	v17 =	vbroadcast v17, $0xF  }
0xd4: {  	v21 =	vld [tilespmem:s0+$0x460];
	v58, v57, _ =	vpop (xrf1);
	(xrf1) =	vsort.ascd.msk.f32 $0xffff, v16, v20  }
0xd5: {  	v60, v59, _ =	vpop (xrf1);
	(xrf1) =	vsort.dscd.msk.f32 $0xffff, v52, v62;
	v16 =	vsub.f32 v45, v17;
	v17 =	vld [tilespmem:s0+$0x470]  }
0xd6: {  	v20, v61, _ =	vpop (xrf1);
	(xrf1) =	vsort.ascd.msk.f32 $0xffff, v54, v4  }
0xd7: {  	vm11 =	vge.f32 v34, v37;
	v1, v63, _ =	vpop (xrf1);
	(xrf1) =	vsort.dscd.msk.f32 $0xffff, v19, v14  }
0xd8: {  	v34 =	vsel vm11, v34, v37;
	vm12 =	vge.f32 v41, v40;
	v53, v52, _ =	vpop (xrf1);
	(xrf1) =	vsort.ascd.msk.f32 $0xffff, v18, v15;
	v16 =	vmul.f32 $1.442695020e+00, v16  }
0xd9: {  	vm13 =	vge.f32 v56, v58;
	v19 =	vsel vm12, v41, v40;
	v40, v41, _ =	vpop (xrf1);
	(xrf1) =	vsort.dscd.msk.f32 $0xffff, v21, v2  }
0xda: {  	vm14 =	vge.f32 v60, v20;
	v18, v54, _ =	vpop (xrf1);
	(erf) = vpow2.f32 v16;
	v16 =	vsel vm12, v42, v46;
	(xrf1) =	vsort.ascd.msk.f32 $0xffff, v17, v3  }
0xdb: {  	v21 =	vsel vm13, v56, v58;
	v56, v55, _ =	vpop (xrf1);
	(xrf1) =	vsort.dscd.msk.f32 $0xffff, v19, v16;
	v16 =	vsel vm14, v59, v61;
	v61 =	vld [tilespmem:$0x1FE70]  }
0xdc: {  	v20 =	vsel vm14, v60, v20;
	vm15 =	vge.f32 v1, v53;
	v17 =	vsel vm13, v48, v57;
	v58, v57, _ =	vpop (xrf1)  }
0xdd: {  	vm6 =	vge.f32 v40, v18;
	vm7 =	vge.f32 v56, v58;
	(xrf1) =	vsort.ascd.msk.f32 $0xffff, v21, v17  }
0xde: {  	v19, v59, _ =	vpop (xrf1);
	v17 =	vsel vm15, v1, v53;
	v21 =	vsel vm15, v63, v52;
	(xrf1) =	vsort.dscd.msk.f32 $0xffff, v20, v16  }
0xdf: {  	v37, v39, _ =	vpop (xrf1);
	v16 =	vsel vm6, v40, v18;
	v18 =	vsel vm6, v41, v54;
	(xrf1) =	vsort.ascd.msk.f32 $0xffff, v17, v21  }
0xe0: {  	v1 =	vsel vm7, v55, v57;
	v20, v60, _ =	vpop (xrf1);
	(xrf1) =	vsort.dscd.msk.f32 $0xffff, v16, v18;
	v17 =	vsel vm11, v61, v35  }
0xe1: {  	vm8 =	vge.f32 v19, v37;
	v21, v62, _ =	vpop (xrf1);
	v18 =	vsel vm7, v56, v58;
	(xrf1) =	vsort.dscd.msk.f32 $0xffff, v34, v17  }
0xe2: {  	v19 =	vsel vm8, v19, v37;
	v43 =	vsel vm8, v59, v39;
	v16, v63, _ =	vpop (xrf1);
	(xrf1) =	vsort.dscd.msk.f32 $0xffff, v18, v1  }
0xe3: {  	vm9 =	vge.f32 v20, v21;
	v17, v34, _ =	vpop (xrf1);
	(xrf1) =	vsort.ascd.msk.f32 $0xffff, v19, v43  }
0xe4: {  	v19 =	vsel vm9, v20, v21;
	v20 =	vsel vm9, v60, v62;
	vm10 =	vge.f32 v16, v17  }
0xe5: {  	v42 =	vpop (erf);
	v16 =	vsel vm10, v16, v17;
	v17 =	vsel vm10, v63, v34  }
0xe6: {  	v44, v45, _ =	vpop (xrf1)  }
0xe7: {  	(xrf2) =	vadd.scan.msk.f32 $0xffff, v42;
	v21, v46, _ =	vpop (xrf1)  }
0xe8: {  	(xrf1) =	vsort.dscd.msk.f32 $0xffff, v19, v20;
	vm14 =	vge.f32 v44, v21;
	v19, v20, _ =	vpop (xrf1)  }
0xe9: {  	vm12 =	vge.f32 v30, v33;
	(xrf1) =	vsort.ascd.msk.f32 $0xffff, v16, v17;
	v21 =	vsel vm14, v44, v21;
	v16, v17, _ =	vpop (xrf1)  }
0xea: {  	v47 =	vmul.f32 v38, v23;
	v23 =	vsel vm12, v30, v33;
	v30, v48, _ =	vpop (xrf1);
	vm15 =	vge.f32 v19, v16  }
0xeb: {  	v29 =	vsel vm12, v29, v32;
	v50, v49, _ =	vpop (xrf1);
	v17 =	vsel vm15, v20, v17  }
0xec: {  	vm13 =	vge.f32 v28, v31;
	v35 =	vsel vm14, v45, v46;
	v16 =	vsel vm15, v19, v16;
	v19, v51, _ =	vpop (xrf1)  }
0xed: {  	v31 =	vsel vm13, v28, v31;
	(xrf1) =	vsort.ascd.msk.f32 $0xffff, v21, v35;
	vm5 =	vge.f32 v30, v50;
	v20, v21, _ =	vpop (xrf1)  }
0xee: {  	(xrf1) =	vsort.dscd.msk.f32 $0xffff, v16, v17;
	v16 =	vsel vm5, v30, v50;
	v17, v30, _ =	vpop (xrf1);
	vm6 =	vge.f32 v19, v20  }
0xef: {  	v28 =	vsel vm5, v48, v49;
	(xrf1) =	vsort.ascd.msk.f32 $0xffff, v23, v29;
	v23, v29, _ =	vpop (xrf1);
	v19 =	vsel vm6, v19, v20  }
0xf0: {  	v53 =	vld [tilespmem:$0x1FE80];
	v20 =	vsel vm6, v51, v21;
	(xrf1) =	vsort.ascd.msk.f32 $0xffff, v16, v28;
	vm7 =	vge.f32 v17, v23  }
0xf1: {  	vm11 =	vge.f32 v22, v26;
	v16, _, _ =	vpop (xrf2);
	(xrf1) =	vsort.dscd.msk.f32 $0xffff, v19, v20;
	v19 =	vsel vm7, v30, v29  }
0xf2: {  	v20 =	vsel vm11, v22, v26;
	v17 =	vsel vm7, v17, v23;
	v16 =	vbroadcast v16, $0xF  }
0xf3: {  	s31 =	simm.s32 $0x300;
	s6 =	simm.s32 $0x600;
	v21 =	vsel vm13, v24, v27;
	v28, v62, _ =	vpop (xrf1)  }
0xf4: {  	s1 =	sand.u32 $0x7800, s6;
	s0 =	sand.u32 $0x300, s31;
	[tilespmem:$0x1FEF0] =	vst v42;
	(xrf1) =	vsort.dscd.msk.f32 $0xffff, v31, v21;
	v27, v52, _ =	vpop (xrf1)  }
0xf5: {  	s0 =	sor.u32 s0, s1;
	v21 =	vsel vm11, v53, v25;
	[tilespmem:$0x1FEA0] =	vst v52;
	(xrf1) =	vsort.ascd.msk.f32 $0xffff, v17, v19;
	v17, v19, _ =	vpop (xrf1)  }
0xf6: {  	(erf) = vrcp.f32 v16;
	(xrf1) =	vsort.ascd.msk.f32 $0xffff, v20, v21;
	v21 =	vld [tilespmem:s0+$0x0];
	v16, v20, _ =	vpop (xrf1)  }
0xf7: {  	s18 =	simm.s32 $0x10080;
	v26 =	vld [tilespmem:s0+$0x10];
	v22, v25, _ =	vpop (xrf1)  }
0xf8: {  	[tilespmem:s18+$0xFFFFFF80] =	vst v47;
	v31 =	vld [tilespmem:s0+$0x20];
	vm8 =	vge.f32 v17, v16;
	v29, v30, _ =	vpop (xrf1)  }
0xf9: {  	v54 =	vld [tilespmem:$0x1FE90];
	v16 =	vsel vm8, v17, v16;
	v17 =	vsel vm8, v19, v20;
	vm9 =	vge.f32 v22, v29  }
0xfa: {  	v19 =	vld [tilespmem:s0+$0x30];
	(xrf1) =	vsort.dscd.msk.f32 $0xffff, v16, v17;
	v20 =	vsel vm9, v22, v29;
	v22 =	vsel vm9, v25, v30  }
0xfb: {  	v16 =	vld [tilespmem:s0+$0x40];
	(xrf1) =	vsort.ascd.msk.f32 $0xffff, v20, v22  }
0xfc: {  	v17 =	vld [tilespmem:s0+$0x50];
	(xrf1) =	vsort.dscd.msk.f32 $0xffff, v21, v0  }
0xfd: {  	v20 =	vld [tilespmem:s0+$0x60];
	(xrf1) =	vsort.ascd.msk.f32 $0xffff, v26, v5  }
0xfe: {  	v40, v39, _ =	vpop (xrf1);
	v21 =	vld [tilespmem:s0+$0x70];
	(xrf1) =	vsort.dscd.msk.f32 $0xffff, v31, v6  }
0xff: {  	v22 =	vld [tilespmem:s0+$0x400];
	v34, v33, _ =	vpop (xrf1);
	(xrf1) =	vsort.ascd.msk.f32 $0xffff, v19, v7  }
0x100: {  	v55 =	vld [tilespmem:s0+$0x440];
	v36, v25, _ =	vpop (xrf1);
	(xrf1) =	vsort.dscd.msk.f32 $0xffff, v16, v8  }
0x101: {  	v26 =	vld [tilespmem:s0+$0x410];
	v38, v37, _ =	vpop (xrf1);
	(xrf1) =	vsort.ascd.msk.f32 $0xffff, v17, v9  }
0x102: {  	s19 =	simm.s32 $0x14080;
	v30, v31, _ =	vpop (xrf1);
	v16 =	vld [tilespmem:s0+$0x420];
	(xrf1) =	vsort.dscd.msk.f32 $0xffff, v20, v10  }
0x103: {  	[tilespmem:s19+$0xFFFFFF80] =	vst v54;
	v18, v56, _ =	vpop (xrf1);
	v17 =	vld [tilespmem:s0+$0x430];
	(xrf1) =	vsort.ascd.msk.f32 $0xffff, v21, v11  }
0x104: {  	v21 =	vld [tilespmem:s0+$0x450];
	(xrf1) =	vsort.dscd.msk.f32 $0xffff, v22, v12;
	[tilespmem:$0x1FED0] =	vst v18  }
0x105: {  	v58 =	vld [tilespmem:$0x1FFC0];
	_ =	sdelay $0x2  }
0x106: {  	[tilespmem:$0x1FEE0] =	vst v56  }
0x107: {  	v22 =	vld [tilespmem:s0+$0x460];
	(xrf1) =	vsort.ascd.msk.f32 $0xffff, v26, v13  }
0x108: {  	s7 =	simm.s32 $0x380;
	v35, v32, _ =	vpop (xrf1);
	v57 =	vld [tilespmem:s0+$0x470];
	(xrf1) =	vsort.dscd.msk.f32 $0xffff, v16, v58  }
0x109: {  	s10 =	sand.u32 $0x380, s7;
	v29, v26, _ =	vpop (xrf1);
	(xrf1) =	vsort.ascd.msk.f32 $0xffff, v17, v4  }
0x10a: {  	s0 =	sor.u32 s10, s1;
	v16, v17, _ =	vpop (xrf1);
	(xrf1) =	vsort.dscd.msk.f32 $0xffff, v55, v14  }
0x10b: {  	v59 =	vld [tilespmem:s0+$0x0];
	(xrf1) =	vsort.ascd.msk.f32 $0xffff, v21, v15;
	v21, v60, _ =	vpop (xrf1)  }
0x10c: {  	v61 =	vld [tilespmem:s0+$0x10];
	v45, v46, _ =	vpop (xrf1);
	(xrf1) =	vsort.dscd.msk.f32 $0xffff, v22, v2;
	vm10 =	vge.f32 v16, v21  }
0x10d: {  	v22 =	vld [tilespmem:s0+$0x20];
	v47, v48, _ =	vpop (xrf1);
	(xrf1) =	vsort.ascd.msk.f32 $0xffff, v57, v3;
	v16 =	vsel vm10, v16, v21;
	v17 =	vsel vm10, v17, v60  }
0x10e: {  	v21 =	vld [tilespmem:s0+$0x30];
	v42, v43, _ =	vpop (xrf1);
	(xrf1) =	vsort.dscd.msk.f32 $0xffff, v16, v17  }
0x10f: {  	v16 =	vld [tilespmem:s0+$0x40];
	v18, v49, _ =	vpop (xrf1)  }
0x110: {  	(xrf1) =	vsort.dscd.msk.f32 $0xffff, v59, v0;
	v41, v51, _ =	vpop (xrf1)  }
0x111: {  	v63 =	vld [tilespmem:s0+$0x50];
	(xrf1) =	vsort.ascd.msk.f32 $0xffff, v61, v5;
	v44, v53, _ =	vpop (xrf1)  }
0x112: {  	v52 =	vld [tilespmem:s0+$0x60];
	(xrf1) =	vsort.dscd.msk.f32 $0xffff, v22, v6;
	v55, v56, _ =	vpop (xrf1)  }
0x113: {  	v54 =	vld [tilespmem:s0+$0x70];
	(xrf1) =	vsort.ascd.msk.f32 $0xffff, v21, v7;
	v21, v57, _ =	vpop (xrf1)  }
0x114: {  	v22 =	vld [tilespmem:s0+$0x400];
	(xrf1) =	vsort.dscd.msk.f32 $0xffff, v16, v8;
	v16, v59, _ =	vpop (xrf1)  }
0x115: {  	v1 =	vld [tilespmem:s0+$0x410];
	v50, v60, _ =	vpop (xrf1)  }
0x116: {  	(xrf1) =	vsort.ascd.msk.f32 $0xffff, v63, v9;
	v61, v63, _ =	vpop (xrf1)  }
0x117: {  	vm11 =	vge.f32 v45, v47;
	(xrf1) =	vsort.dscd.msk.f32 $0xffff, v52, v10;
	v52, v20, _ =	vpop (xrf1)  }
0x118: {  	v45 =	vsel vm11, v45, v47;
	(xrf1) =	vsort.ascd.msk.f32 $0xffff, v54, v11;
	v54, v24, _ =	vpop (xrf1)  }
0x119: {  	v46 =	vsel vm11, v46, v48;
	vm12 =	vge.f32 v42, v18;
	(xrf1) =	vsort.dscd.msk.f32 $0xffff, v22, v12;
	v22, v19, _ =	vpop (xrf1)  }
0x11a: {  	v18 =	vsel vm12, v42, v18;
	vm13 =	vge.f32 v41, v44;
	(xrf1) =	vsort.ascd.msk.f32 $0xffff, v1, v13;
	v17, v23, _ =	vpop (xrf1)  }
0x11b: {  	v49 =	vsel vm12, v43, v49;
	v41 =	vsel vm13, v41, v44;
	(xrf1) =	vsort.dscd.msk.f32 $0xffff, v45, v46;
	v47, v48, _ =	vpop (xrf1)  }
0x11c: {  	v53 =	vsel vm13, v51, v53;
	vm14 =	vge.f32 v55, v21;
	(xrf1) =	vsort.ascd.msk.f32 $0xffff, v18, v49;
	v45, v58, _ =	vpop (xrf1)  }
0x11d: {  	vm15 =	vge.f32 v16, v50;
	v18 =	vsel vm14, v55, v21;
	v21 =	vsel vm14, v56, v57;
	(xrf0) =	vmax.scan.msk.f32 $0xffff, v45  }
0x11e: {  	v16 =	vsel vm15, v16, v50;
	vm8 =	vge.f32 v61, v52;
	(xrf1) =	vsort.dscd.msk.f32 $0xffff, v41, v53;
	[tilespmem:$0x1FF50] =	vst v58  }
0x11f: {  	vm9 =	vge.f32 v54, v22;
	v56 =	vsel vm15, v59, v60;
	v41, v42, _ =	vpop (xrf1);
	(xrf1) =	vsort.ascd.msk.f32 $0xffff, v18, v21;
	v18 =	vld [tilespmem:s0+$0x420]  }
0x120: {  	v22 =	vsel vm9, v54, v22;
	vm10 =	vge.f32 v17, v47;
	v21, v44, _ =	vpop (xrf1);
	(xrf1) =	vsort.dscd.msk.f32 $0xffff, v16, v56;
	v56 =	vld [tilespmem:$0x1FFC0]  }
0x121: {  	v20 =	vsel vm8, v63, v20;
	v57 =	vsel vm8, v61, v52;
	v23 =	vsel vm10, v23, v48;
	v16 =	vld [tilespmem:s0+$0x430];
	v58, v49, _ =	vpop (xrf1)  }
0x122: {  	v19 =	vsel vm9, v24, v19;
	(xrf1) =	vsort.ascd.msk.f32 $0xffff, v57, v20;
	v20 =	vld [tilespmem:s0+$0x440];
	v24, v59, _ =	vpop (xrf1)  }
0x123: {  	v17 =	vsel vm10, v17, v47;
	(xrf1) =	vsort.dscd.msk.f32 $0xffff, v22, v19;
	v19 =	vld [tilespmem:s0+$0x450];
	v22, _, _ =	vpop (xrf0)  }
0x124: {  	(xrf1) =	vsort.ascd.msk.f32 $0xffff, v17, v23;
	v17 =	vld [tilespmem:s0+$0x460];
	v23, v47, _ =	vpop (xrf1);
	v22 =	vbroadcast v22, $0xF  }
0x125: {  	vm11 =	vge.f32 v28, v40;
	v60 =	vld [tilespmem:s0+$0x470];
	vm12 =	vge.f32 v41, v21;
	v63, v61, _ =	vpop (xrf1);
	(xrf1) =	vsort.dscd.msk.f32 $0xffff, v18, v56  }
0x126: {  	vm13 =	vge.f32 v58, v24;
	v18, v57, _ =	vpop (xrf1);
	(xrf1) =	vsort.ascd.msk.f32 $0xffff, v16, v4;
	v22 =	vsub.f32 v45, v22  }
0x127: {  	vm14 =	vge.f32 v23, v63;
	v16 =	vsel vm11, v28, v40;
	v28, v40, _ =	vpop (xrf1);
	(xrf1) =	vsort.dscd.msk.f32 $0xffff, v20, v14  }
0x128: {  	v23 =	vsel vm14, v23, v63;
	v20 =	vsel vm12, v41, v21;
	v21, v41, _ =	vpop (xrf1);
	(xrf1) =	vsort.ascd.msk.f32 $0xffff, v19, v15;
	v22 =	vmul.f32 $1.442695020e+00, v22  }
0x129: {  	vm15 =	vge.f32 v18, v28;
	v19 =	vsel vm12, v42, v44;
	v42, v44, _ =	vpop (xrf1);
	(xrf1) =	vsort.dscd.msk.f32 $0xffff, v17, v2  }
0x12a: {  	v17 =	vsel vm13, v58, v24;
	v24, v43, _ =	vpop (xrf1);
	(xrf1) =	vsort.ascd.msk.f32 $0xffff, v60, v3;
	(erf) = vpow2.f32 v22;
	v22 =	vsel vm13, v49, v59  }
0x12b: {  	vm6 =	vge.f32 v21, v42;
	v58, v59, _ =	vpop (xrf1);
	(xrf1) =	vsort.dscd.msk.f32 $0xffff, v20, v19;
	v19 =	vsel vm14, v47, v61  }
0x12c: {  	v20, v60, _ =	vpop (xrf1);
	(xrf1) =	vsort.ascd.msk.f32 $0xffff, v17, v22;
	v17 =	vsel vm15, v18, v28;
	v18 =	vsel vm15, v57, v40  }
0x12d: {  	v22, v61, _ =	vpop (xrf1);
	(xrf1) =	vsort.dscd.msk.f32 $0xffff, v23, v19;
	v19 =	vsel vm6, v21, v42;
	v21 =	vsel vm6, v41, v44;
	_ =	sdelay $0x1  }
0x12e: {  	vm7 =	vge.f32 v24, v58;
	v23, v63, _ =	vpop (xrf1)  }
0x12f: {  	v24 =	vsel vm7, v24, v58;
	(xrf1) =	vsort.ascd.msk.f32 $0xffff, v17, v18;
	v18, v48, _ =	vpop (xrf1)  }
0x130: {  	v17 =	vsel vm11, v62, v39;
	vm8 =	vge.f32 v20, v22;
	(xrf1) =	vsort.dscd.msk.f32 $0xffff, v19, v21;
	v19, v21, _ =	vpop (xrf1)  }
0x131: {  	v20 =	vsel vm8, v20, v22;
	v22 =	vsel vm8, v60, v61;
	(xrf1) =	vsort.dscd.msk.f32 $0xffff, v16, v17;
	v16, v49, _ =	vpop (xrf1)  }
0x132: {  	v28 =	vsel vm7, v43, v59;
	vm9 =	vge.f32 v23, v18;
	vm10 =	vge.f32 v19, v16  }
0x133: {  	v18 =	vsel vm9, v23, v18;
	v16 =	vsel vm10, v19, v16;
	v19 =	vsel vm10, v21, v49  }
0x134: {  	(xrf1) =	vsort.dscd.msk.f32 $0xffff, v24, v28  }
0x135: {  	v23 =	vsel vm9, v63, v48;
	(xrf1) =	vsort.ascd.msk.f32 $0xffff, v20, v22;
	v20, v22, _ =	vpop (xrf1)  }
0x136: {  	(xrf1) =	vsort.dscd.msk.f32 $0xffff, v18, v23;
	v18, v21, _ =	vpop (xrf1)  }
0x137: {  	(xrf1) =	vsort.ascd.msk.f32 $0xffff, v16, v19;
	vm14 =	vge.f32 v20, v18;
	v16, v19, _ =	vpop (xrf1)  }
0x138: {  	v18 =	vsel vm14, v20, v18;
	v20 =	vsel vm14, v22, v21;
	v23, v24, _ =	vpop (xrf1)  }
0x139: {  	v17 =	vld [tilespmem:$0x1FEA0];
	v52, v53, _ =	vpop (xrf1)  }
0x13a: {  	v55, v54, _ =	vpop (xrf1)  }
0x13b: {  	v21, v22, _ =	vpop (xrf1)  }
0x13c: {  	(xrf1) =	vsort.ascd.msk.f32 $0xffff, v18, v20;
	v18, v20, _ =	vpop (xrf1)  }
0x13d: {  	vm11 =	vge.f32 v27, v36;
	vm5 =	vge.f32 v21, v18  }
0x13e: {  	v18 =	vsel vm5, v21, v18;
	v21 =	vsel vm11, v17, v25;
	v17 =	vld [tilespmem:$0x1FEB0]  }
0x13f: {  	vm12 =	vge.f32 v34, v38;
	vm15 =	vge.f32 v16, v23  }
0x140: {  	v34 =	vsel vm12, v34, v38;
	v19 =	vsel vm15, v19, v24  }
0x141: {  	v33 =	vsel vm12, v33, v37;
	vm13 =	vge.f32 v30, v35;
	v16 =	vsel vm15, v16, v23  }
0x142: {  	v23 =	vsel vm13, v30, v35;
	vm4 =	vge.f32 v52, v55;
	(xrf1) =	vsort.dscd.msk.f32 $0xffff, v16, v19  }
0x143: {  	v16 =	vsel vm4, v52, v55;
	v24 =	vsel vm4, v53, v54;
	v19, v56, _ =	vpop (xrf1);
	vm7 =	vge.f32 v17, v29  }
0x144: {  	(xrf1) =	vsort.ascd.msk.f32 $0xffff, v34, v33;
	v58, v57, _ =	vpop (xrf1);
	v20 =	vsel vm5, v22, v20;
	v22 =	vsel vm7, v17, v29;
	v17 =	vld [tilespmem:$0x1FEC0]  }
0x145: {  	v50 =	vpop (erf);
	(xrf1) =	vsort.ascd.msk.f32 $0xffff, v16, v24;
	v16 =	vsel vm13, v31, v32;
	vm6 =	vge.f32 v19, v58  }
0x146: {  	v34, v30, _ =	vpop (xrf1);
	(xrf1) =	vsort.dscd.msk.f32 $0xffff, v18, v20;
	v18 =	vsel vm6, v19, v58;
	v19 =	vsel vm6, v56, v57  }
0x147: {  	s21 =	simm.s32 $0x800;
	s20 =	simm.s32 $0x400;
	v31, v32, _ =	vpop (xrf1);
	(xrf1) =	vsort.dscd.msk.f32 $0xffff, v23, v16  }
0x148: {  	s1 =	sand.u32 $0x7800, s21;
	[tilespmem:$0x1FF00] =	vst v50;
	s0 =	sand.u32 $0x300, s20;
	v27 =	vsel vm11, v27, v36;
	v51 =	vpop (erf)  }
0x149: {  	s0 =	sor.u32 s0, s1;
	v60 =	vld [tilespmem:$0x1FFC0];
	[tilespmem:$0x1FF10] =	vst v51;
	v16, v20, _ =	vpop (xrf1);
	(xrf1) =	vsort.ascd.msk.f32 $0xffff, v18, v19;
	v23 =	vsel vm7, v17, v26  }
0x14a: {  	(xrf1) =	vsort.ascd.msk.f32 $0xffff, v27, v21;
	v21 =	vld [tilespmem:s0+$0x0];
	v18, v19, _ =	vpop (xrf1)  }
0x14b: {  	v29 =	vld [tilespmem:s0+$0x20];
	v25, v26, _ =	vpop (xrf1)  }
0x14c: {  	vm8 =	vge.f32 v16, v18;
	(xrf1) =	vsort.dscd.msk.f32 $0xffff, v22, v23;
	v22 =	vld [tilespmem:s0+$0x10];
	v23, v27, _ =	vpop (xrf1)  }
0x14d: {  	v16 =	vsel vm8, v16, v18;
	v18 =	vsel vm8, v20, v19;
	v19 =	vld [tilespmem:s0+$0x30];
	vm9 =	vge.f32 v25, v23  }
0x14e: {  	(xrf1) =	vsort.dscd.msk.f32 $0xffff, v16, v18;
	v16 =	vld [tilespmem:s0+$0x40];
	v20 =	vsel vm9, v25, v23;
	v23 =	vsel vm9, v26, v27  }
0x14f: {  	v18 =	vld [tilespmem:s0+$0x50];
	(xrf1) =	vsort.ascd.msk.f32 $0xffff, v20, v23  }
0x150: {  	v45, v44, _ =	vpop (xrf1);
	v20 =	vld [tilespmem:s0+$0x60];
	(xrf1) =	vsort.dscd.msk.f32 $0xffff, v21, v0  }
0x151: {  	v40, v38, _ =	vpop (xrf1);
	v23 =	vld [tilespmem:s0+$0x400];
	(xrf1) =	vsort.ascd.msk.f32 $0xffff, v22, v5  }
0x152: {  	v41, v58, _ =	vpop (xrf1);
	v22 =	vld [tilespmem:s0+$0x70];
	(xrf1) =	vsort.dscd.msk.f32 $0xffff, v29, v6  }
0x153: {  	v43, v42, _ =	vpop (xrf1);
	(xrf1) =	vsort.ascd.msk.f32 $0xffff, v19, v7;
	v19 =	vld [tilespmem:s0+$0x410]  }
0x154: {  	v37, v35, _ =	vpop (xrf1);
	(xrf1) =	vsort.dscd.msk.f32 $0xffff, v16, v8;
	v16 =	vld [tilespmem:s0+$0x420]  }
0x155: {  	v17, v59, _ =	vpop (xrf1);
	(xrf1) =	vsort.ascd.msk.f32 $0xffff, v18, v9;
	v18 =	vld [tilespmem:s0+$0x430]  }
0x156: {  	(xrf1) =	vsort.dscd.msk.f32 $0xffff, v20, v10;
	v20 =	vld [tilespmem:s0+$0x440];
	[tilespmem:$0x1FF60] =	vst v17  }
0x157: {  	[tilespmem:$0x1FF80] =	vst v59;
	(xrf1) =	vsort.ascd.msk.f32 $0xffff, v22, v11  }
0x158: {  	v22 =	vld [tilespmem:s0+$0x450];
	(xrf1) =	vsort.dscd.msk.f32 $0xffff, v23, v12  }
0x159: {  	v39, v36, _ =	vpop (xrf1);
	v27 =	vld [tilespmem:s0+$0x460];
	(xrf1) =	vsort.ascd.msk.f32 $0xffff, v19, v13  }
0x15a: {  	v33, v28, _ =	vpop (xrf1);
	v19 =	vld [tilespmem:s0+$0x470];
	(xrf1) =	vsort.dscd.msk.f32 $0xffff, v16, v60  }
0x15b: {  	s22 =	simm.s32 $0x480;
	v26, v16, _ =	vpop (xrf1);
	(xrf1) =	vsort.ascd.msk.f32 $0xffff, v18, v4  }
0x15c: {  	s10 =	sand.u32 $0x380, s22;
	(xrf1) =	vsort.dscd.msk.f32 $0xffff, v20, v14;
	v20, v29, _ =	vpop (xrf1)  }
0x15d: {  	s23 =	sor.u32 s10, s1;
	(xrf1) =	vsort.ascd.msk.f32 $0xffff, v22, v15;
	v22, v62, _ =	vpop (xrf1)  }
0x15e: {  	v18 =	vld [tilespmem:s23+$0x0];
	(xrf1) =	vsort.dscd.msk.f32 $0xffff, v27, v2;
	vm10 =	vge.f32 v20, v22  }
0x15f: {  	v61 =	vld [tilespmem:s23+$0x10];
	v49, v50, _ =	vpop (xrf1);
	(xrf1) =	vsort.ascd.msk.f32 $0xffff, v19, v3;
	v19 =	vsel vm10, v20, v22;
	v20 =	vsel vm10, v29, v62  }
0x160: {  	(xrf2) =	vadd.scan.msk.f32 $0xffff, v51;
	v63 =	vld [tilespmem:s23+$0x20];
	v51, v52, _ =	vpop (xrf1)  }
0x161: {  	v27 =	vld [tilespmem:s23+$0x30];
	v29, v47, _ =	vpop (xrf1);
	(xrf1) =	vsort.dscd.msk.f32 $0xffff, v19, v20  }
0x162: {  	v22 =	vld [tilespmem:s23+$0x40];
	v20, v53, _ =	vpop (xrf1)  }
0x163: {  	v19 =	vld [tilespmem:s23+$0x50];
	(xrf1) =	vsort.dscd.msk.f32 $0xffff, v18, v0;
	v54, v55, _ =	vpop (xrf1)  }
0x164: {  	v18 =	vld [tilespmem:s23+$0x60];
	(xrf1) =	vsort.ascd.msk.f32 $0xffff, v61, v5;
	v56, v57, _ =	vpop (xrf1)  }
0x165: {  	v46 =	vld [tilespmem:s23+$0x70];
	(xrf1) =	vsort.dscd.msk.f32 $0xffff, v63, v6;
	v59, v60, _ =	vpop (xrf1)  }
0x166: {  	v1 =	vld [tilespmem:s23+$0x400];
	(xrf1) =	vsort.ascd.msk.f32 $0xffff, v27, v7;
	v61, v62, _ =	vpop (xrf1)  }
0x167: {  	v27 =	vld [tilespmem:s23+$0x410];
	(xrf1) =	vsort.dscd.msk.f32 $0xffff, v22, v8;
	v22, v63, _ =	vpop (xrf1)  }
0x168: {  	vm11 =	vge.f32 v49, v51;
	(xrf1) =	vsort.ascd.msk.f32 $0xffff, v19, v9;
	v19, v17, _ =	vpop (xrf1)  }
0x169: {  	v50 =	vsel vm11, v50, v52;
	(xrf1) =	vsort.dscd.msk.f32 $0xffff, v18, v10;
	v18, v24, _ =	vpop (xrf1)  }
0x16a: {  	v49 =	vsel vm11, v49, v51;
	(xrf1) =	vsort.ascd.msk.f32 $0xffff, v46, v11;
	v46, v21, _ =	vpop (xrf1)  }
0x16b: {  	vm12 =	vge.f32 v29, v20;
	(xrf1) =	vsort.dscd.msk.f32 $0xffff, v1, v12;
	v48, v25, _ =	vpop (xrf1)  }
0x16c: {  	v20 =	vsel vm12, v29, v20;
	(xrf1) =	vsort.ascd.msk.f32 $0xffff, v27, v13;
	v27, v23, _ =	vpop (xrf1)  }
0x16d: {  	(xrf1) =	vsort.dscd.msk.f32 $0xffff, v49, v50;
	v49, v50, _ =	vpop (xrf1)  }
0x16e: {  	v29 =	vsel vm12, v47, v53;
	v47, v51, _ =	vpop (xrf1)  }
0x16f: {  	vm13 =	vge.f32 v54, v56;
	(xrf1) =	vsort.ascd.msk.f32 $0xffff, v20, v29;
	v20, v53, _ =	vpop (xrf1)  }
0x170: {  	[tilespmem:$0x1FF70] =	vst v53;
	v53 =	vsel vm13, v55, v57  }
0x171: {  	v52 =	vsel vm13, v54, v56;
	vm14 =	vge.f32 v59, v61;
	vm15 =	vge.f32 v22, v19;
	(xrf0) =	vmax.scan.msk.f32 $0xffff, v20  }
0x172: {  	v61 =	vsel vm14, v59, v61;
	v1 =	vsel vm14, v60, v62;
	v19 =	vsel vm15, v22, v19  }
0x173: {  	v54, _, _ =	vpop (xrf2);
	v17 =	vsel vm15, v63, v17;
	vm9 =	vge.f32 v48, v27;
	(xrf1) =	vsort.dscd.msk.f32 $0xffff, v52, v53  }
0x174: {  	vm8 =	vge.f32 v18, v46;
	v27 =	vsel vm9, v48, v27;
	v22 =	vld [tilespmem:s23+$0x420];
	(xrf1) =	vsort.ascd.msk.f32 $0xffff, v61, v1;
	v52, v53, _ =	vpop (xrf1)  }
0x175: {  	v18 =	vsel vm8, v18, v46;
	v21 =	vsel vm8, v24, v21;
	v61 =	vld [tilespmem:$0x1FFC0];
	(xrf1) =	vsort.dscd.msk.f32 $0xffff, v19, v17;
	v55, v56, _ =	vpop (xrf1)  }
0x176: {  	v23 =	vsel vm9, v25, v23;
	v17 =	vld [tilespmem:s23+$0x430];
	(xrf1) =	vsort.ascd.msk.f32 $0xffff, v18, v21;
	v19, v24, _ =	vpop (xrf1)  }
0x177: {  	vm10 =	vge.f32 v49, v47;
	v18 =	vld [tilespmem:s23+$0x440];
	(xrf1) =	vsort.dscd.msk.f32 $0xffff, v27, v23;
	v27, _, _ =	vpop (xrf0)  }
0x178: {  	v57 =	vsel vm10, v49, v47;
	v59 =	vsel vm10, v50, v51;
	v23 =	vld [tilespmem:s23+$0x450];
	v21, v25, _ =	vpop (xrf1)  }
0x179: {  	v46 =	vld [tilespmem:s23+$0x460];
	(xrf1) =	vsort.ascd.msk.f32 $0xffff, v57, v59;
	v27 =	vbroadcast v27, $0xF;
	v47, v48, _ =	vpop (xrf1)  }
0x17a: {  	vm11 =	vge.f32 v34, v45;
	v60 =	vld [tilespmem:s23+$0x470];
	(xrf1) =	vsort.dscd.msk.f32 $0xffff, v22, v61;
	v50, v51, _ =	vpop (xrf1)  }
0x17b: {  	vm12 =	vge.f32 v52, v55;
	v20 =	vsub.f32 v20, v27;
	v22, v62, _ =	vpop (xrf1);
	(xrf1) =	vsort.ascd.msk.f32 $0xffff, v17, v4  }
0x17c: {  	vm13 =	vge.f32 v19, v21;
	v27 =	vsel vm11, v34, v45;
	v17 =	vbroadcast v54, $0xF;
	(xrf1) =	vsort.dscd.msk.f32 $0xffff, v18, v14  }
0x17d: {  	v19 =	vsel vm13, v19, v21;
	vm14 =	vge.f32 v47, v50;
	v34, v45, _ =	vpop (xrf1);
	v20 =	vmul.f32 $1.442695020e+00, v20;
	(xrf1) =	vsort.ascd.msk.f32 $0xffff, v23, v15  }
0x17e: {  	v18 =	vsel vm12, v52, v55;
	v1, v63, _ =	vpop (xrf1);
	(erf) = vrcp.f32 v17;
	v17 =	vsel vm12, v53, v56;
	(xrf1) =	vsort.dscd.msk.f32 $0xffff, v46, v2  }
0x17f: {  	vm15 =	vge.f32 v22, v34;
	v23, v56, _ =	vpop (xrf1);
	(erf) = vpow2.f32 v20;
	v20 =	vsel vm13, v24, v25;
	(xrf1) =	vsort.ascd.msk.f32 $0xffff, v60, v3  }
0x180: {  	v24 =	vsel vm14, v47, v50;
	v21, v59, _ =	vpop (xrf1);
	vm6 =	vge.f32 v1, v23;
	(xrf1) =	vsort.dscd.msk.f32 $0xffff, v18, v17  }
0x181: {  	v25, v60, _ =	vpop (xrf1);
	v17 =	vsel vm14, v48, v51;
	(xrf1) =	vsort.ascd.msk.f32 $0xffff, v19, v20;
	v20 =	vsel vm15, v62, v45  }
0x182: {  	v18, v61, _ =	vpop (xrf1);
	(xrf1) =	vsort.dscd.msk.f32 $0xffff, v24, v17;
	v17 =	vsel vm6, v1, v23;
	v23 =	vsel vm6, v63, v56  }
0x183: {  	v19 =	vsel vm15, v22, v34;
	v22, v62, _ =	vpop (xrf1)  }
0x184: {  	vm7 =	vge.f32 v21, v25;
	v24, v63, _ =	vpop (xrf1);
	(xrf1) =	vsort.ascd.msk.f32 $0xffff, v19, v20;
	v19 =	vsel vm11, v30, v44  }
0x185: {  	v21 =	vsel vm7, v21, v25;
	v20, v50, _ =	vpop (xrf1);
	(xrf1) =	vsort.dscd.msk.f32 $0xffff, v17, v23  }
0x186: {  	v25 =	vsel vm7, v59, v60;
	vm8 =	vge.f32 v18, v22;
	(xrf1) =	vsort.dscd.msk.f32 $0xffff, v27, v19;
	v17, v23, _ =	vpop (xrf1)  }
0x187: {  	vm9 =	vge.f32 v24, v20;
	(xrf1) =	vsort.dscd.msk.f32 $0xffff, v21, v25;
	v21 =	vsel vm8, v61, v62;
	v19, v27, _ =	vpop (xrf1)  }
0x188: {  	v18 =	vsel vm8, v18, v22;
	v22 =	vsel vm9, v63, v50;
	vm10 =	vge.f32 v17, v19  }
0x189: {  	v20 =	vsel vm9, v24, v20;
	v17 =	vsel vm10, v17, v19;
	v19 =	vsel vm10, v23, v27;
	_ =	sdelay $0x1  }
0x18a: {  	(xrf1) =	vsort.ascd.msk.f32 $0xffff, v18, v21;
	v18, v21, _ =	vpop (xrf1)  }
0x18b: {  	(xrf1) =	vsort.dscd.msk.f32 $0xffff, v20, v22;
	v20, v22, _ =	vpop (xrf1)  }
0x18c: {  	(xrf1) =	vsort.ascd.msk.f32 $0xffff, v17, v19;
	vm14 =	vge.f32 v18, v20;
	v17, v19, _ =	vpop (xrf1)  }
0x18d: {  	v18 =	vsel vm14, v18, v20;
	v20 =	vsel vm14, v21, v22;
	v23, v24, _ =	vpop (xrf1)  }
0x18e: {  	vm12 =	vge.f32 v40, v43;
	vm11 =	vge.f32 v31, v41;
	v53, v52, _ =	vpop (xrf1);
	vm15 =	vge.f32 v17, v23  }
0x18f: {  	vm13 =	vge.f32 v37, v39;
	v25 =	vsel vm11, v31, v41;
	v54, v55, _ =	vpop (xrf1);
	v19 =	vsel vm15, v19, v24  }
0x190: {  	v27 =	vsel vm12, v40, v43;
	v17 =	vsel vm15, v17, v23;
	(xrf1) =	vsort.ascd.msk.f32 $0xffff, v18, v20;
	v21, v22, _ =	vpop (xrf1)  }
0x191: {  	v31 =	vsel vm12, v38, v42;
	vm6 =	vge.f32 v53, v54;
	(xrf1) =	vsort.dscd.msk.f32 $0xffff, v17, v19;
	v18, v20, _ =	vpop (xrf1)  }
0x192: {  	v60 =	vld [tilespmem:$0x1FED0];
	v17 =	vsel vm6, v53, v54;
	v56 =	vsel vm6, v52, v55;
	(xrf1) =	vsort.ascd.msk.f32 $0xffff, v27, v31;
	v19, v24, _ =	vpop (xrf1)  }
0x193: {  	v61 =	vld [tilespmem:$0x1FEE0];
	vm7 =	vge.f32 v21, v18;
	(xrf1) =	vsort.ascd.msk.f32 $0xffff, v17, v56;
	v17 =	vsel vm13, v35, v36;
	v27, v57, _ =	vpop (xrf1)  }
0x194: {  	v51 =	vpop (erf);
	v18 =	vsel vm7, v21, v18;
	v20 =	vsel vm7, v22, v20;
	vm8 =	vge.f32 v19, v27  }
0x195: {  	v34 =	vpop (erf);
	(xrf1) =	vsort.dscd.msk.f32 $0xffff, v18, v20;
	v18 =	vsel vm8, v19, v27;
	v19 =	vsel vm8, v24, v57  }
0x196: {  	v47, v38, _ =	vpop (xrf1)  }
0x197: {  	s24 =	simm.s32 $0x500;
	s20 =	simm.s32 $0xA00;
	(xrf0) =	vmax.scan.msk.f32 $0xffff, v26;
	vm9 =	vge.f32 v60, v33;
	v23 =	vsel vm13, v37, v39;
	v35, v59, _ =	vpop (xrf1)  }
0x198: {  	s25 =	sand.u32 $0x7800, s20;
	s0 =	sand.u32 $0x300, s24;
	[tilespmem:$0x1FF20] =	vst v51;
	(xrf1) =	vsort.dscd.msk.f32 $0xffff, v23, v17;
	v23 =	vsel vm9, v61, v28;
	v17, v20, _ =	vpop (xrf1)  }
0x199: {  	s0 =	sor.u32 s0, s25;
	v63 =	vld [tilespmem:$0x1FFC0];
	v21 =	vsel vm11, v32, v58;
	[tilespmem:$0x1FF30] =	vst v59;
	(xrf1) =	vsort.ascd.msk.f32 $0xffff, v18, v19;
	v18, v19, _ =	vpop (xrf1)  }
0x19a: {  	v22 =	vsel vm9, v60, v33;
	(xrf1) =	vsort.ascd.msk.f32 $0xffff, v25, v21;
	v21 =	vld [tilespmem:s0+$0x0];
	v24, v25, _ =	vpop (xrf1)  }
0x19b: {  	(xrf1) =	vsort.dscd.msk.f32 $0xffff, v22, v23;
	v22 =	vld [tilespmem:s0+$0x10];
	vm10 =	vge.f32 v17, v18;
	v23, v27, _ =	vpop (xrf1)  }
0x19c: {  	(xrf2) =	vadd.scan.msk.f32 $0xffff, v34;
	v28 =	vld [tilespmem:s0+$0x20];
	v17 =	vsel vm10, v17, v18;
	v18 =	vsel vm10, v20, v19;
	vm11 =	vge.f32 v24, v23  }
0x19d: {  	v19 =	vld [tilespmem:s0+$0x30];
	(xrf1) =	vsort.dscd.msk.f32 $0xffff, v17, v18;
	v20 =	vsel vm11, v24, v23;
	v23 =	vsel vm11, v25, v27  }
0x19e: {  	v17 =	vld [tilespmem:s0+$0x40];
	(xrf1) =	vsort.ascd.msk.f32 $0xffff, v20, v23  }
0x19f: {  	v18 =	vld [tilespmem:s0+$0x50];
	(xrf1) =	vsort.dscd.msk.f32 $0xffff, v21, v0  }
0x1a0: {  	v20 =	vld [tilespmem:s0+$0x60];
	(xrf1) =	vsort.ascd.msk.f32 $0xffff, v22, v5  }
0x1a1: {  	v50, v49, _ =	vpop (xrf1);
	v21 =	vld [tilespmem:s0+$0x70];
	(xrf1) =	vsort.dscd.msk.f32 $0xffff, v28, v6  }
0x1a2: {  	v24 =	vld [tilespmem:s0+$0x400];
	v42, v39, _ =	vpop (xrf1);
	(xrf1) =	vsort.ascd.msk.f32 $0xffff, v19, v7  }
0x1a3: {  	v48, v46, _ =	vpop (xrf1);
	v19 =	vld [tilespmem:s0+$0x410];
	(xrf1) =	vsort.dscd.msk.f32 $0xffff, v17, v8  }
0x1a4: {  	v45, v40, _ =	vpop (xrf1);
	v17 =	vld [tilespmem:s0+$0x420];
	(xrf1) =	vsort.ascd.msk.f32 $0xffff, v18, v9  }
0x1a5: {  	v41, v33, _ =	vpop (xrf1);
	v18 =	vld [tilespmem:s0+$0x430];
	(xrf1) =	vsort.dscd.msk.f32 $0xffff, v20, v10  }
0x1a6: {  	v25 =	vld [tilespmem:s0+$0x440];
	(xrf1) =	vsort.ascd.msk.f32 $0xffff, v21, v11;
	v20, v21, _ =	vpop (xrf1)  }
0x1a7: {  	v27 =	vld [tilespmem:s0+$0x450];
	(xrf1) =	vsort.dscd.msk.f32 $0xffff, v24, v12;
	v43, v37, _ =	vpop (xrf1)  }
0x1a8: {  	(xrf1) =	vsort.ascd.msk.f32 $0xffff, v19, v13;
	v36, v62, _ =	vpop (xrf1)  }
0x1a9: {  	s26 =	simm.s32 $0x580;
	v30, _, _ =	vpop (xrf2);
	v24 =	vld [tilespmem:s0+$0x460];
	[tilespmem:$0x1FF90] =	vst v62;
	(xrf1) =	vsort.dscd.msk.f32 $0xffff, v17, v63  }
0x1aa: {  	s10 =	sand.u32 $0x380, s26;
	v44, v19, _ =	vpop (xrf1);
	v28 =	vld [tilespmem:s0+$0x470];
	(xrf1) =	vsort.ascd.msk.f32 $0xffff, v18, v4  }
0x1ab: {  	s31 =	sor.u32 s10, s25;
	(xrf1) =	vsort.dscd.msk.f32 $0xffff, v25, v14;
	v18, v25, _ =	vpop (xrf1)  }
0x1ac: {  	v17 =	vld [tilespmem:s31+$0x0];
	(xrf1) =	vsort.ascd.msk.f32 $0xffff, v27, v15;
	v27, v1, _ =	vpop (xrf1)  }
0x1ad: {  	v23, _, _ =	vpop (xrf0);
	v51 =	vld [tilespmem:s31+$0x10];
	vm12 =	vge.f32 v18, v27  }
0x1ae: {  	v32 =	vld [tilespmem:s31+$0x20];
	v54, v55, _ =	vpop (xrf1);
	(xrf1) =	vsort.dscd.msk.f32 $0xffff, v24, v2;
	v25 =	vsel vm12, v25, v1  }
0x1af: {  	v24 =	vld [tilespmem:s31+$0x30];
	v56, v57, _ =	vpop (xrf1);
	v18 =	vsel vm12, v18, v27;
	(xrf1) =	vsort.ascd.msk.f32 $0xffff, v28, v3  }
0x1b0: {  	v27 =	vld [tilespmem:s31+$0x40];
	v28, v52, _ =	vpop (xrf1);
	(xrf1) =	vsort.dscd.msk.f32 $0xffff, v18, v25  }
0x1b1: {  	v18 =	vbroadcast v23, $0xF;
	v25, v58, _ =	vpop (xrf1);
	(xrf1) =	vsort.dscd.msk.f32 $0xffff, v17, v0  }
0x1b2: {  	v23 =	vld [tilespmem:s31+$0x50];
	v59, v60, _ =	vpop (xrf1);
	(xrf1) =	vsort.ascd.msk.f32 $0xffff, v51, v5  }
0x1b3: {  	v22 =	vld [tilespmem:s31+$0x60];
	v18 =	vsub.f32 v26, v18;
	v0, v61, _ =	vpop (xrf1);
	(xrf1) =	vsort.dscd.msk.f32 $0xffff, v32, v6  }
0x1b4: {  	v26 =	vld [tilespmem:s31+$0x70];
	v62, v63, _ =	vpop (xrf1);
	(xrf1) =	vsort.ascd.msk.f32 $0xffff, v24, v7  }
0x1b5: {  	v1 =	vld [tilespmem:s31+$0x400];
	v18 =	vmul.f32 $1.442695020e+00, v18;
	v17, v29, _ =	vpop (xrf1);
	(xrf1) =	vsort.dscd.msk.f32 $0xffff, v27, v8;
	v27 =	vbroadcast v30, $0xF  }
0x1b6: {  	v24 =	vld [tilespmem:s31+$0x410]  }
0x1b7: {  	v30, v32, _ =	vpop (xrf1);
	(xrf1) =	vsort.ascd.msk.f32 $0xffff, v23, v9  }
0x1b8: {  	(xrf1) =	vsort.dscd.msk.f32 $0xffff, v22, v10  }
0x1b9: {  	(erf) = vpow2.f32 v18;
	v18, v31, _ =	vpop (xrf1);
	(xrf1) =	vsort.ascd.msk.f32 $0xffff, v26, v11  }
0x1ba: {  	vm13 =	vge.f32 v54, v56;
	vm14 =	vge.f32 v28, v25;
	(erf) = vrcp.f32 v27;
	(xrf1) =	vsort.dscd.msk.f32 $0xffff, v1, v12;
	v22, v27, _ =	vpop (xrf1)  }
0x1bb: {  	v23 =	vsel vm13, v54, v56;
	(xrf1) =	vsort.ascd.msk.f32 $0xffff, v24, v13;
	v24 =	vsel vm13, v55, v57;
	v26, v53, _ =	vpop (xrf1)  }
0x1bc: {  	vm15 =	vge.f32 v59, v0;
	(xrf1) =	vsort.dscd.msk.f32 $0xffff, v23, v24;
	v24 =	vsel vm14, v52, v58;
	v54, v55, _ =	vpop (xrf1)  }
0x1bd: {  	v51 =	vsel vm15, v59, v0;
	v56, v57, _ =	vpop (xrf1)  }
0x1be: {  	vm4 =	vge.f32 v62, v17;
	v23 =	vsel vm14, v28, v25;
	v25, v28, _ =	vpop (xrf1)  }
0x1bf: {  	v0 =	vsel vm15, v60, v61;
	v17 =	vsel vm4, v62, v17;
	(xrf1) =	vsort.ascd.msk.f32 $0xffff, v23, v24;
	v58, v1, _ =	vpop (xrf1)  }
0x1c0: {  	v29 =	vsel vm4, v63, v29;
	vm5 =	vge.f32 v30, v18;
	(xrf1) =	vsort.dscd.msk.f32 $0xffff, v51, v0;
	v51, v24, _ =	vpop (xrf1)  }
0x1c1: {  	v62 =	vld [tilespmem:$0x1FFC0];
	v18 =	vsel vm5, v30, v18;
	v30 =	vsel vm5, v32, v31;
	vm6 =	vge.f32 v22, v26;
	(xrf0) =	vmax.scan.msk.f32 $0xffff, v51  }
0x1c2: {  	v27 =	vsel vm6, v27, v53;
	(xrf1) =	vsort.ascd.msk.f32 $0xffff, v17, v29;
	v29 =	vld [tilespmem:s31+$0x420];
	vm7 =	vge.f32 v54, v56  }
0x1c3: {  	v61 =	vld [tilespmem:s31+$0x430];
	v22 =	vsel vm6, v22, v26;
	(xrf1) =	vsort.dscd.msk.f32 $0xffff, v18, v30;
	v63 =	vsel vm7, v54, v56  }
0x1c4: {  	v59 =	vld [tilespmem:$0x1FF00];
	v0 =	vsel vm7, v55, v57;
	vm8 =	vge.f32 v25, v58;
	(xrf1) =	vsort.ascd.msk.f32 $0xffff, v22, v27;
	v26, v31, _ =	vpop (xrf1)  }
0x1c5: {  	v60 =	vld [tilespmem:$0x1FF10];
	v25 =	vsel vm8, v25, v58;
	v28 =	vsel vm8, v28, v1;
	(xrf1) =	vsort.dscd.msk.f32 $0xffff, v63, v0;
	v18, v30, _ =	vpop (xrf1)  }
0x1c6: {  	v58 =	vld [tilespmem:$0x1FEF0];
	(xrf1) =	vsort.ascd.msk.f32 $0xffff, v25, v28;
	v22, v27, _ =	vpop (xrf1)  }
0x1c7: {  	v53 =	vld [tilespmem:s31+$0x440];
	(xrf1) =	vsort.dscd.msk.f32 $0xffff, v29, v62;
	v1, _, _ =	vpop (xrf0)  }
0x1c8: {  	v55, v56, _ =	vpop (xrf1);
	(xrf1) =	vsort.ascd.msk.f32 $0xffff, v61, v4;
	v61 =	vld [tilespmem:$0x1FF20];
	v25 =	vbroadcast v1, $0xF  }
0x1c9: {  	v54 =	vld [tilespmem:s31+$0x450]  }
0x1ca: {  	v23 =	vpop (erf);
	v28 =	vld [tilespmem:s31+$0x460];
	v25 =	vsub.f32 v51, v25  }
0x1cb: {  	vm9 =	vge.f32 v47, v50;
	vm10 =	vge.f32 v26, v18;
	v52, v57, _ =	vpop (xrf1);
	v29 =	vmul.f32 v59, v58;
	v58 =	vld [tilespmem:s31+$0x470]  }
0x1cc: {  	v47 =	vsel vm9, v47, v50;
	v18 =	vsel vm10, v26, v18;
	v51, v59, _ =	vpop (xrf1);
	v25 =	vmul.f32 $1.442695020e+00, v25  }
0x1cd: {  	(xrf1) =	vsort.dscd.msk.f32 $0xffff, v53, v14;
	vm11 =	vge.f32 v22, v55;
	v32 =	vmul.f32 v61, v60;
	v60, v61, _ =	vpop (xrf1)  }
0x1ce: {  	v30 =	vsel vm10, v31, v30;
	v22 =	vsel vm11, v22, v55;
	(xrf1) =	vsort.ascd.msk.f32 $0xffff, v54, v15;
	v63, v53, _ =	vpop (xrf1)  }
0x1cf: {  	v27 =	vsel vm11, v27, v56;
	vm12 =	vge.f32 v52, v51;
	(xrf1) =	vsort.dscd.msk.f32 $0xffff, v28, v2;
	v26, v0, _ =	vpop (xrf1)  }
0x1d0: {  	v51 =	vsel vm12, v52, v51;
	(xrf1) =	vsort.ascd.msk.f32 $0xffff, v58, v3;
	vm13 =	vge.f32 v60, v63;
	(erf) = vpow2.f32 v25;
	v25, v28, _ =	vpop (xrf1)  }
0x1d1: {  	(xrf1) =	vsort.dscd.msk.f32 $0xffff, v18, v30;
	v53 =	vsel vm13, v61, v53;
	v31, v1, _ =	vpop (xrf1);
	vm14 =	vge.f32 v26, v25  }
0x1d2: {  	v50 =	vsel vm13, v60, v63;
	v18, v30, _ =	vpop (xrf1);
	v25 =	vsel vm14, v26, v25;
	v26 =	vsel vm14, v0, v28  }
0x1d3: {  	v57 =	vsel vm12, v57, v59;
	(xrf1) =	vsort.ascd.msk.f32 $0xffff, v22, v27;
	v22, v27, _ =	vpop (xrf1)  }
0x1d4: {  	(xrf1) =	vsort.dscd.msk.f32 $0xffff, v51, v57;
	vm15 =	vge.f32 v31, v18;
	v51, v52, _ =	vpop (xrf1)  }
0x1d5: {  	(xrf1) =	vsort.ascd.msk.f32 $0xffff, v50, v53;
	v30 =	vsel vm15, v1, v30;
	v50, v53, _ =	vpop (xrf1)  }
0x1d6: {  	v28 =	vsel vm9, v38, v49;
	(xrf1) =	vsort.dscd.msk.f32 $0xffff, v25, v26;
	v25, v26, _ =	vpop (xrf1)  }
0x1d7: {  	v18 =	vsel vm15, v31, v18;
	(xrf1) =	vsort.dscd.msk.f32 $0xffff, v47, v28;
	v31, v58, _ =	vpop (xrf1)  }
0x1d8: {  	s24 =	simm.s32 $0x10180;
	vm5 =	vge.f32 v22, v51;
	(xrf1) =	vsort.dscd.msk.f32 $0xffff, v18, v30;
	v30, v59, _ =	vpop (xrf1)  }
0x1d9: {  	v27 =	vsel vm5, v27, v52;
	v52 =	vld [tilespmem:$0x1FF30];
	[tilespmem:s24+$0xFFFFFF80] =	vst v29;
	vm7 =	vge.f32 v31, v30  }
0x1da: {  	vm6 =	vge.f32 v50, v25;
	v30 =	vsel vm7, v31, v30;
	v31 =	vsel vm7, v58, v59;
	v58 =	vld [tilespmem:$0x1FF40]  }
0x1db: {  	v22 =	vsel vm5, v22, v51;
	v26 =	vsel vm6, v53, v26  }
0x1dc: {  	v25 =	vsel vm6, v50, v25  }
0x1dd: {  	s21 =	simm.s32 $0x10280;
	v61, v60, _ =	vpop (xrf1)  }
0x1de: {  	s26 =	simm.s32 $0x14180;
	(xrf1) =	vsort.ascd.msk.f32 $0xffff, v22, v27;
	v22, v63, _ =	vpop (xrf1);
	[tilespmem:s21+$0xFFFFFF80] =	vst v32  }
0x1df: {  	(xrf1) =	vsort.dscd.msk.f32 $0xffff, v25, v26;
	v25, v26, _ =	vpop (xrf1);
	[tilespmem:s26+$0xFFFFFF80] =	vst v58  }
0x1e0: {  	(xrf1) =	vsort.ascd.msk.f32 $0xffff, v30, v31;
	v30, v31, _ =	vpop (xrf1);
	v0 =	vld [tilespmem:$0x1FF50]  }
0x1e1: {  	v17 =	vpop (erf);
	vm9 =	vge.f32 v61, v22;
	vm10 =	vge.f32 v25, v30  }
0x1e2: {  	v17 =	vmul.f32 v17, v34;
	v22 =	vsel vm9, v61, v22;
	v26 =	vsel vm10, v26, v31  }
0x1e3: {  	s28 =	simm.s32 $0x10380;
	vm4 =	vge.f32 v35, v48;
	vm8 =	vge.f32 v42, v45;
	(xrf0) =	vmax.scan.msk.f32 $0xffff, v44;
	v28 =	vpop (erf);
	v25 =	vsel vm10, v25, v30  }
0x1e4: {  	s22 =	simm.s32 $0x14280;
	v29 =	vsel vm8, v39, v40;
	(xrf2) =	vadd.scan.msk.f32 $0xffff, v28;
	v55 =	vsel vm9, v60, v63;
	v30, v56, _ =	vpop (xrf1);
	[tilespmem:s28+$0xFFFFFF80] =	vst v17  }
0x1e5: {  	v18 =	vsel vm4, v35, v48;
	(xrf1) =	vsort.ascd.msk.f32 $0xffff, v22, v55;
	v22, v35, _ =	vpop (xrf1);
	[tilespmem:s22+$0xFFFFFF80] =	vst v0  }
0x1e6: {  	v53 =	vsel vm8, v42, v45;
	(xrf1) =	vsort.dscd.msk.f32 $0xffff, v25, v26;
	v25, v26, _ =	vpop (xrf1);
	v0 =	vld [tilespmem:$0x1FF60]  }
0x1e7: {  	(xrf1) =	vsort.ascd.msk.f32 $0xffff, v53, v29;
	v29, v34, _ =	vpop (xrf1);
	v61 =	vld [tilespmem:$0x1FF70]  }
0x1e8: {  	vm12 =	vge.f32 v30, v22;
	vm13 =	vge.f32 v25, v29  }
0x1e9: {  	v54, _, _ =	vpop (xrf0);
	v22 =	vsel vm12, v30, v22;
	v26 =	vsel vm13, v26, v34  }
0x1ea: {  	v31 =	vbroadcast v54, $0xF;
	v25 =	vsel vm13, v25, v29  }
0x1eb: {  	s29 =	simm.s32 $0x14380;
	v30 =	vsel vm12, v56, v35  }
0x1ec: {  	v31 =	vsub.f32 v44, v31;
	(xrf1) =	vsort.ascd.msk.f32 $0xffff, v22, v30;
	v22, v29, _ =	vpop (xrf1);
	vm14 =	vge.f32 v0, v36;
	[tilespmem:s29+$0xFFFFFF80] =	vst v61  }
0x1ed: {  	vm11 =	vge.f32 v41, v43;
	(xrf1) =	vsort.dscd.msk.f32 $0xffff, v25, v26;
	v25, v26, _ =	vpop (xrf1);
	v17 =	vsel vm14, v0, v36;
	v0 =	vld [tilespmem:$0x1FF80]  }
0x1ee: {  	v59 =	vmul.f32 $1.442695020e+00, v31;
	v30 =	vsel vm11, v33, v37;
	vm15 =	vge.f32 v22, v25;
	v63 =	vld [tilespmem:$0x1FF90]  }
0x1ef: {  	v25 =	vsel vm15, v22, v25  }
0x1f0: {  	(erf) = vpow2.f32 v59;
	v26 =	vsel vm15, v29, v26  }
0x1f1: {  	v57 =	vsel vm11, v41, v43;
	(xrf2) =	vadd.scan.msk.f32 $0xffff, v23;
	v60, _, _ =	vpop (xrf2)  }
0x1f2: {  	s30 =	simm.s32 $0xA;
	v5 =	vmov v2;
	v6 =	vmov v3;
	v7 =	vmov v4;
	(xrf1) =	vsort.dscd.msk.f32 $0xffff, v57, v30;
	v31, v30, _ =	vpop (xrf1)  }
0x1f3: {  	s25 =	simm.s32 $0x10380;
	s23 =	simm.s32 $0x14380;
	s0 =	simm.s32 $0x680;
	v27 =	vsel vm4, v52, v46;
	v32 =	vbroadcast v60, $0xF;
	(xrf1) =	vsort.ascd.msk.f32 $0xffff, v25, v26;
	v22 =	vsel vm14, v0, v63;
	v26, v25, _ =	vpop (xrf1)  }
.LBB2_3:
0x1f4: {  	_ = 	snop  }
0x1f5: {  	s1 =	sadd.s32 $0xFFFFFF80, s0;
	s20 =	sadd.s32 $0x200, s20  }
0x1f6: {  	s31 =	sand.u32 $0x7800, s20;
	s1 =	sand.u32 $0x300, s1  }
0x1f7: {  	v2 =	vld [tilespmem:$0x1FFF0];
	(erf) = vrcp.f32 v32;
	s1 =	sor.u32 s1, s31;
	v29, v33, _ =	vpop (xrf1);
	(xrf1) =	vsort.ascd.msk.f32 $0xffff, v18, v27  }
0x1f8: {  	v35 =	vld [tilespmem:s1+$0x10];
	(xrf1) =	vsort.dscd.msk.f32 $0xffff, v17, v22;
	v17, v18, _ =	vpop (xrf1)  }
0x1f9: {  	v38 =	vld [tilespmem:s1+$0x20];
	v34 =	vpop (erf);
	vm0 =	vge.f32 v29, v17  }
0x1fa: {  	v22 =	vld [tilespmem:s1+$0x0];
	v27, v58, _ =	vpop (xrf1);
	v1 =	vsel vm0, v29, v17;
	v0 =	vsel vm0, v33, v18  }
0x1fb: {  	v36, v37, _ =	vpop (xrf1);
	(xrf1) =	vsort.dscd.msk.f32 $0xffff, v1, v0;
	v0 =	vld [tilespmem:$0x1FFD0]  }
0x1fc: {  	vm4 =	vge.f32 v27, v36;
	v17, v18, _ =	vpop (xrf1);
	v1 =	vld [tilespmem:$0x1FFE0]  }
0x1fd: {  	v59 =	vld [tilespmem:s1+$0x30];
	v27 =	vsel vm4, v27, v36;
	v32 =	vsel vm4, v58, v37;
	v29, _, _ =	vpop (xrf2)  }
0x1fe: {  	v3 =	vlaneseq.u32;
	v60 =	vld [tilespmem:s1+$0x40];
	vm5 =	vge.f32 v31, v17;
	v61, v39, _ =	vpop (xrf1);
	(xrf1) =	vsort.ascd.msk.f32 $0xffff, v27, v32;
	v29 =	vbroadcast v29, $0xF  }
0x1ff: {  	v40 =	vld [tilespmem:s1+$0x50];
	v31 =	vsel vm5, v31, v17;
	(xrf1) =	vsort.dscd.msk.f32 $0xffff, v22, v3;
	v17, v22, _ =	vpop (xrf1)  }
0x200: {  	v32 =	vsel vm5, v30, v18;
	v18 =	vpop (erf);
	(erf) = vrcp.f32 v29;
	v29 =	vld [tilespmem:s1+$0x60];
	(xrf1) =	vsort.ascd.msk.f32 $0xffff, v35, v0  }
0x201: {  	v63 =	vld [tilespmem:s1+$0x70];
	vm6 =	vge.f32 v26, v17;
	v4 =	vmul.f32 v18, v28;
	(xrf1) =	vsort.dscd.msk.f32 $0xffff, v38, v1  }
0x202: {  	s28 =	sadd.s32 $0x100, s28;
	v30, v44, _ =	vpop (xrf1);
	v18 =	vsel vm6, v26, v17;
	v17 =	vld [tilespmem:s1+$0x400];
	(xrf1) =	vsort.ascd.msk.f32 $0xffff, v59, v2  }
0x203: {  	s29 =	sadd.s32 $0x100, s29;
	v45, v41, _ =	vpop (xrf1);
	v27 =	vsel vm6, v25, v22;
	v22 =	vld [tilespmem:s1+$0x410];
	[tilespmem:s28+$0xFFFFFF80] =	vst v4;
	(xrf1) =	vsort.dscd.msk.f32 $0xffff, v60, v8  }
0x204: {  	v46, v47, _ =	vpop (xrf1);
	v48 =	vld [tilespmem:s1+$0x420];
	[tilespmem:s29+$0xFFFFFF80] =	vst v24;
	(xrf1) =	vsort.ascd.msk.f32 $0xffff, v40, v9  }
0x205: {  	v25, v28, _ =	vpop (xrf1);
	v24 =	vld [tilespmem:s1+$0x430];
	(xrf1) =	vsort.dscd.msk.f32 $0xffff, v29, v10  }
0x206: {  	vm7 =	vge.f32 v45, v25;
	v42 =	vld [tilespmem:s1+$0x440];
	v49, v50, _ =	vpop (xrf1);
	(xrf1) =	vsort.ascd.msk.f32 $0xffff, v63, v11  }
0x207: {  	v52 =	vld [tilespmem:s1+$0x450];
	v29 =	vsel vm7, v41, v28;
	v28, v51, _ =	vpop (xrf1);
	(xrf1) =	vsort.dscd.msk.f32 $0xffff, v17, v12  }
0x208: {  	v53 =	vld [tilespmem:s1+$0x460];
	vm8 =	vge.f32 v20, v49;
	(xrf1) =	vsort.ascd.msk.f32 $0xffff, v22, v13  }
0x209: {  	s10 =	sand.u32 $0x380, s0;
	v54 =	vld [tilespmem:s1+$0x470];
	v22 =	vsel vm8, v21, v50;
	v21 =	vpop (erf);
	(xrf1) =	vsort.dscd.msk.f32 $0xffff, v48, v62  }
0x20a: {  	s31 =	sor.u32 s10, s31;
	v55 =	vmul.f32 v21, v23;
	(xrf1) =	vsort.ascd.msk.f32 $0xffff, v24, v7  }
0x20b: {  	v56 =	vld [tilespmem:s31+$0x0];
	vm1 =	vge.f32 v61, v30;
	v58, v57, _ =	vpop (xrf1);
	(xrf1) =	vsort.dscd.msk.f32 $0xffff, v42, v14  }
0x20c: {  	v26 =	vsel vm1, v61, v30;
	v30 =	vsel vm1, v39, v44;
	v24 =	vld [tilespmem:s31+$0x10];
	v60, v59, _ =	vpop (xrf1);
	[tilespmem:s18+$0x0] =	vst v55;
	(xrf1) =	vsort.ascd.msk.f32 $0xffff, v52, v15  }
0x20d: {  	v25 =	vsel vm7, v45, v25;
	v42, v43, _ =	vpop (xrf1);
	vm9 =	vge.f32 v58, v60;
	v38 =	vld [tilespmem:s31+$0x20];
	[tilespmem:s19+$0x0] =	vst v16;
	(xrf1) =	vsort.dscd.msk.f32 $0xffff, v53, v5  }
0x20e: {  	v35 =	vsel vm9, v58, v60;
	v4 =	vsel vm9, v57, v59;
	v61 =	vld [tilespmem:s31+$0x30];
	v44, v45, _ =	vpop (xrf1);
	(xrf1) =	vsort.ascd.msk.f32 $0xffff, v54, v6  }
0x20f: {  	v62 =	vld [tilespmem:s31+$0x40];
	v39, v40, _ =	vpop (xrf1);
	(xrf1) =	vsort.dscd.msk.f32 $0xffff, v35, v4  }
0x210: {  	v17 =	vsel vm8, v20, v49;
	v20 =	vmov v46;
	v63 =	vld [tilespmem:s31+$0x50];
	v36, v46, _ =	vpop (xrf1);
	(xrf1) =	vsort.dscd.msk.f32 $0xffff, v56, v3  }
0x211: {  	v21 =	vmov v47;
	v47, v48, _ =	vpop (xrf1);
	(xrf1) =	vsort.ascd.msk.f32 $0xffff, v24, v0  }
0x212: {  	v35 =	vld [tilespmem:s31+$0x60];
	v49, v50, _ =	vpop (xrf1);
	(xrf1) =	vsort.dscd.msk.f32 $0xffff, v38, v1  }
0x213: {  	v23 =	vmov v34;
	v16 =	vmov v19;
	v19 =	vmov v51;
	v34 =	vld [tilespmem:s31+$0x70];
	v51, v52, _ =	vpop (xrf1);
	(xrf1) =	vsort.ascd.msk.f32 $0xffff, v61, v2  }
0x214: {  	v24 =	vld [tilespmem:s31+$0x400];
	v53, v54, _ =	vpop (xrf1);
	(xrf1) =	vsort.dscd.msk.f32 $0xffff, v62, v8  }
0x215: {  	v38 =	vld [tilespmem:s31+$0x410];
	v55, v56, _ =	vpop (xrf1);
	(xrf1) =	vsort.ascd.msk.f32 $0xffff, v63, v9  }
0x216: {  	v57, v58, _ =	vpop (xrf1)  }
0x217: {  	v60, v61, _ =	vpop (xrf1);
	(xrf1) =	vsort.dscd.msk.f32 $0xffff, v35, v10  }
0x218: {  	vm10 =	vge.f32 v42, v44;
	v62, v63, _ =	vpop (xrf1);
	(xrf1) =	vsort.ascd.msk.f32 $0xffff, v34, v11  }
0x219: {  	v0, v1, _ =	vpop (xrf1);
	(xrf1) =	vsort.dscd.msk.f32 $0xffff, v24, v12;
	v24 =	vsel vm10, v42, v44  }
0x21a: {  	v45 =	vsel vm10, v43, v45;
	vm11 =	vge.f32 v39, v36;
	v2, v3, _ =	vpop (xrf1);
	(xrf1) =	vsort.ascd.msk.f32 $0xffff, v38, v13  }
0x21b: {  	v36 =	vsel vm11, v39, v36;
	v39 =	vsel vm11, v40, v46;
	vm2 =	vge.f32 v47, v49;
	v38, v4, _ =	vpop (xrf1)  }
0x21c: {  	v46 =	vsel vm2, v47, v49;
	v47 =	vsel vm2, v48, v50;
	v43, v44, _ =	vpop (xrf1)  }
0x21d: {  	vm3 =	vge.f32 v51, v53;
	(xrf1) =	vsort.dscd.msk.f32 $0xffff, v24, v45;
	v42, v24, _ =	vpop (xrf1)  }
0x21e: {  	v51 =	vsel vm3, v51, v53;
	vm12 =	vge.f32 v55, v57;
	v40, v45, _ =	vpop (xrf1);
	(xrf0) =	vmax.scan.msk.f32 $0xffff, v42  }
0x21f: {  	v52 =	vsel vm3, v52, v54;
	v55 =	vsel vm12, v55, v57;
	(xrf1) =	vsort.ascd.msk.f32 $0xffff, v36, v39;
	v36, v39, _ =	vpop (xrf1)  }
0x220: {  	v54 =	vsel vm12, v56, v58;
	vm4 =	vge.f32 v60, v62;
	(xrf1) =	vsort.dscd.msk.f32 $0xffff, v46, v47;
	v46, v47, _ =	vpop (xrf1)  }
0x221: {  	v33 =	vld [tilespmem:s31+$0x420];
	v57 =	vsel vm4, v60, v62;
	vm5 =	vge.f32 v0, v2;
	(xrf1) =	vsort.ascd.msk.f32 $0xffff, v51, v52;
	v48, v49, _ =	vpop (xrf1)  }
0x222: {  	v62 =	vld [tilespmem:$0x1FFC0];
	v58 =	vsel vm4, v61, v63;
	v60 =	vsel vm5, v0, v2;
	(xrf1) =	vsort.dscd.msk.f32 $0xffff, v55, v54;
	v50, v51, _ =	vpop (xrf1)  }
0x223: {  	v41 =	vld [tilespmem:s31+$0x430];
	v61 =	vsel vm5, v1, v3;
	vm13 =	vge.f32 v38, v43;
	(xrf1) =	vsort.ascd.msk.f32 $0xffff, v57, v58;
	v2, v3, _ =	vpop (xrf1)  }
0x224: {  	v37 =	vld [tilespmem:s31+$0x440];
	v38 =	vsel vm13, v38, v43;
	v63 =	vsel vm13, v4, v44;
	(xrf1) =	vsort.dscd.msk.f32 $0xffff, v60, v61;
	v52, _, _ =	vpop (xrf0)  }
0x225: {  	v59 =	vld [tilespmem:s31+$0x450];
	(xrf1) =	vsort.ascd.msk.f32 $0xffff, v38, v63;
	v53, v4, _ =	vpop (xrf1);
	v0 =	vbroadcast v52, $0xF  }
0x226: {  	v35 =	vld [tilespmem:s31+$0x460];
	(xrf0) =	vmax.scan.msk.f32 $0xffff, v28;
	v55, v54, _ =	vpop (xrf1)  }
0x227: {  	v34 =	vld [tilespmem:s31+$0x470];
	v56, v44, _ =	vpop (xrf1);
	(xrf1) =	vsort.dscd.msk.f32 $0xffff, v33, v62;
	v0 =	vsub.f32 v42, v0  }
0x228: {  	vm14 =	vge.f32 v40, v36;
	v60, v61, _ =	vpop (xrf1);
	(xrf1) =	vsort.ascd.msk.f32 $0xffff, v41, v7  }
0x229: {  	v36 =	vsel vm14, v40, v36;
	vm15 =	vge.f32 v46, v48;
	(xrf1) =	vsort.dscd.msk.f32 $0xffff, v37, v14;
	v0 =	vmul.f32 $1.442695020e+00, v0  }
0x22a: {  	v57 =	vsel vm15, v46, v48;
	v38 =	vsel vm14, v45, v39;
	(xrf1) =	vsort.ascd.msk.f32 $0xffff, v59, v15  }
0x22b: {  	v58 =	vsel vm15, v47, v49;
	vm4 =	vge.f32 v50, v2;
	v48, v49, _ =	vpop (xrf1);
	(xrf1) =	vsort.dscd.msk.f32 $0xffff, v35, v5;
	(erf) = vpow2.f32 v0  }
0x22c: {  	v3 =	vsel vm4, v51, v3;
	vm5 =	vge.f32 v53, v55;
	v51, _, _ =	vpop (xrf0);
	(xrf1) =	vsort.ascd.msk.f32 $0xffff, v34, v6  }
0x22d: {  	v1 =	vsel vm5, v53, v55;
	v4 =	vsel vm5, v4, v54;
	v53, v52, _ =	vpop (xrf1);
	(xrf1) =	vsort.dscd.msk.f32 $0xffff, v36, v38  }
0x22e: {  	v2 =	vsel vm4, v50, v2;
	v36, v38, _ =	vpop (xrf1);
	(xrf1) =	vsort.ascd.msk.f32 $0xffff, v57, v58  }
0x22f: {  	vm6 =	vge.f32 v56, v60;
	v33, v42, _ =	vpop (xrf1);
	(xrf1) =	vsort.dscd.msk.f32 $0xffff, v2, v3  }
0x230: {  	v63 =	vsel vm6, v56, v60;
	v3, v56, _ =	vpop (xrf1);
	(xrf1) =	vsort.ascd.msk.f32 $0xffff, v1, v4  }
0x231: {  	v50 =	vsel vm6, v44, v61;
	v1, v4, _ =	vpop (xrf1)  }
0x232: {  	v54 =	vbroadcast v51, $0xF;
	v58, v57, _ =	vpop (xrf1);
	(xrf1) =	vsort.dscd.msk.f32 $0xffff, v63, v50  }
0x233: {  	vm7 =	vge.f32 v48, v53;
	v63, v61, _ =	vpop (xrf1);
	(xrf1) =	vsort.dscd.msk.f32 $0xffff, v31, v32  }
0x234: {  	v55 =	vsub.f32 v28, v54;
	v59 =	vsel vm7, v48, v53;
	vm8 =	vge.f32 v36, v33;
	v28 =	vpop (erf)  }
0x235: {  	v60 =	vsel vm7, v49, v52;
	vm9 =	vge.f32 v3, v1;
	v31 =	vsel vm8, v38, v42;
	v42, v45, _ =	vpop (xrf1);
	(xrf2) =	vadd.scan.msk.f32 $0xffff, v28  }
0x236: {  	v36 =	vsel vm8, v36, v33;
	v47 =	vsel vm9, v56, v4;
	(xrf1) =	vsort.dscd.msk.f32 $0xffff, v59, v60;
	v48, v4, _ =	vpop (xrf1)  }
0x237: {  	v46 =	vsel vm9, v3, v1;
	vm10 =	vge.f32 v58, v63;
	(xrf1) =	vsort.ascd.msk.f32 $0xffff, v36, v31;
	v1, v3, _ =	vpop (xrf1)  }
0x238: {  	v49 =	vsel vm10, v58, v63;
	(xrf1) =	vsort.dscd.msk.f32 $0xffff, v46, v47;
	vm11 =	vge.f32 v42, v48;
	v31, v51, _ =	vpop (xrf1)  }
0x239: {  	v50 =	vsel vm10, v57, v61;
	(xrf2) =	vadd.scan.msk.f32 $0xffff, v23;
	v4 =	vsel vm11, v45, v4;
	vm12 =	vge.f32 v1, v31;
	v53, v54, _ =	vpop (xrf1)  }
0x23a: {  	v2 =	vmul.f32 $1.442695020e+00, v55;
	(xrf1) =	vsort.ascd.msk.f32 $0xffff, v49, v50;
	v52 =	vsel vm11, v42, v48;
	v1 =	vsel vm12, v1, v31;
	v31, v55, _ =	vpop (xrf1)  }
0x23b: {  	s30 =	sadd.s32 $0x2, s30;
	v3 =	vsel vm12, v3, v51;
	(xrf1) =	vsort.ascd.msk.f32 $0xffff, v52, v4;
	vm13 =	vge.f32 v53, v31;
	v56, v57, _ =	vpop (xrf1)  }
0x23c: {  	p0 =	slt.u32 s30, $0x7E;
	(xrf1) =	vsort.dscd.msk.f32 $0xffff, v1, v3;
	v58 =	vsel vm13, v53, v31;
	v4, v31, _ =	vpop (xrf1)  }
.Ltmp0:
0x23d: {  	v3 =	vsel vm13, v54, v55;
	(xrf1) =	vsort.ascd.msk.f32 $0xffff, v26, v30;
	vm14 =	vge.f32 v56, v4;
	v26, v30, _ =	vpop (xrf1);
	(pc) =	sbr.rel @p0 .LBB2_3-.Ltmp0, $4  }
0x23e: {  	(erf) = vpow2.f32 v2;
	v59 =	vsel vm14, v56, v4;
	v2 =	vsel vm14, v57, v31;
	v4, v31, _ =	vpop (xrf1);
	(xrf1) =	vsort.ascd.msk.f32 $0xffff, v58, v3  }
0x23f: {  	s0 =	sadd.s32 $0x100, s0;
	s18 =	smov.u32 s24;
	s24 =	smov.u32 s21;
	vm15 =	vge.f32 v26, v4;
	(xrf1) =	vsort.dscd.msk.f32 $0xffff, v59, v2;
	v60, _, _ =	vpop (xrf2)  }
0x240: {  	s21 =	smov.u32 s25;
	s25 =	smov.u32 s28;
	s19 =	smov.u32 s26;
	v61 =	vsel vm15, v26, v4;
	v63 =	vsel vm15, v30, v31;
	v31, v30, _ =	vpop (xrf1);
	(xrf1) =	vsort.dscd.msk.f32 $0xffff, v25, v29  }
0x241: {  	s26 =	smov.u32 s22;
	s22 =	smov.u32 s23;
	s23 =	smov.u32 s29;
	v32 =	vbroadcast v60, $0xF;
	(xrf1) =	vsort.ascd.msk.f32 $0xffff, v61, v63;
	v26, v25, _ =	vpop (xrf1)  }
0x242: {  	_ =	sdelay $0x2  }
0x243: {  	v0, v1, _ =	vpop (xrf1)  }
0x244: {  	v2, v3, _ =	vpop (xrf1)  }
0x245: {  	(xrf1) =	vsort.ascd.msk.f32 $0xffff, v18, v27;
	v4, v18, _ =	vpop (xrf1)  }
0x246: {  	(xrf1) =	vsort.dscd.msk.f32 $0xffff, v17, v22;
	vm0 =	vge.f32 v0, v2;
	v17, v22, _ =	vpop (xrf1)  }
0x247: {  	v0 =	vsel vm0, v0, v2;
	v1 =	vsel vm0, v1, v3;
	vm4 =	vge.f32 v4, v17  }
0x248: {  	(xrf1) =	vsort.dscd.msk.f32 $0xffff, v0, v1;
	v52 =	vsel vm4, v4, v17;
	v3 =	vsel vm4, v18, v22  }
0x249: {  	(xrf1) =	vsort.ascd.msk.f32 $0xffff, v52, v3;
	_ =	sdelay $0x3  }
0x24a: {  	v0, v1, _ =	vpop (xrf1)  }
0x24b: {  	v2, v3, _ =	vpop (xrf1)  }
0x24c: {  	v4, v18, _ =	vpop (xrf1)  }
0x24d: {  	v22, v27, _ =	vpop (xrf1)  }
0x24e: {  	v29, v33, _ =	vpop (xrf1)  }
0x24f: {  	v34, v35, _ =	vpop (xrf1)  }
0x250: {  	v36, v37, _ =	vpop (xrf1)  }
0x251: {  	v38, v39, _ =	vpop (xrf1)  }
0x252: {  	v40, v17, _ =	vpop (xrf1)  }
0x253: {  	v41, v42, _ =	vpop (xrf1)  }
0x254: {  	v43, v44, _ =	vpop (xrf1)  }
0x255: {  	vm5 =	vge.f32 v41, v43  }
0x256: {  	v41 =	vsel vm5, v41, v43;
	v42 =	vsel vm5, v42, v44  }
0x257: {  	(xrf1) =	vsort.dscd.msk.f32 $0xffff, v41, v42;
	_ =	sdelay $0xd  }
0x258: {  	v41, v42, _ =	vpop (xrf1)  }
0x259: {  	(xrf0) =	vmax.scan.msk.f32 $0xffff, v41;
	_ =	sdelay $0x5  }
0x25a: {  	v53, _, _ =	vpop (xrf0)  }
0x25b: {  	vm6 =	vge.f32 v31, v0;
	v43 =	vbroadcast v53, $0xF  }
0x25c: {  	v0 =	vsel vm6, v31, v0  }
0x25d: {  	v54, _, _ =	vpop (xrf2);
	v1 =	vsel vm6, v30, v1;
	vm7 =	vge.f32 v2, v22;
	v41 =	vsub.f32 v41, v43  }
0x25e: {  	v55 =	vbroadcast v54, $0xF;
	v60 =	vsel vm7, v2, v22;
	v61 =	vsel vm7, v3, v27;
	(xrf1) =	vsort.dscd.msk.f32 $0xffff, v0, v1  }
0x25f: {  	(erf) = vrcp.f32 v32;
	(xrf1) =	vsort.ascd.msk.f32 $0xffff, v60, v61;
	v56 =	vmul.f32 $1.442695020e+00, v41  }
0x260: {  	(erf) = vrcp.f32 v55  }
0x261: {  	(erf) = vpow2.f32 v56;
	_ =	sdelay $0x3  }
0x262: {  	vm1 =	vge.f32 v29, v36  }
0x263: {  	v36 =	vsel vm1, v29, v36;
	v3 =	vsel vm1, v33, v37  }
0x264: {  	v57 =	vpop (erf);
	vm8 =	vge.f32 v26, v4;
	(xrf1) =	vsort.dscd.msk.f32 $0xffff, v36, v3  }
0x265: {  	v58 =	vpop (erf);
	v63 =	vsel vm8, v26, v4;
	v4 =	vsel vm8, v25, v18;
	vm9 =	vge.f32 v20, v38;
	(xrf0) =	vmax.scan.msk.f32 $0xffff, v40  }
0x266: {  	v30 =	vpop (erf);
	v38 =	vsel vm9, v20, v38;
	v3 =	vsel vm9, v21, v39;
	(xrf1) =	vsort.ascd.msk.f32 $0xffff, v63, v4  }
0x267: {  	(xrf1) =	vsort.dscd.msk.f32 $0xffff, v38, v3;
	v59 =	vpop (erf)  }
0x268: {  	(xrf2) =	vadd.scan.msk.f32 $0xffff, v59  }
0x269: {  	v3, v4, _ =	vpop (xrf1);
	(xrf2) =	vadd.scan.msk.f32 $0xffff, v57  }
0x26a: {  	v46, v20, _ =	vpop (xrf1)  }
0x26b: {  	v43, _, _ =	vpop (xrf0)  }
0x26c: {  	vm10 =	vge.f32 v3, v46;
	v1 =	vbroadcast v43, $0xF  }
0x26d: {  	v2 =	vsel vm10, v3, v46;
	v53 =	vsel vm10, v4, v20  }
0x26e: {  	(xrf1) =	vsort.ascd.msk.f32 $0xffff, v2, v53;
	v1 =	vsub.f32 v40, v1;
	_ =	sdelay $0x1  }
0x26f: {  	v1 =	vmul.f32 $1.442695020e+00, v1;
	_ =	sdelay $0x1  }
0x270: {  	(erf) = vpow2.f32 v1;
	v44, _, _ =	vpop (xrf2)  }
0x271: {  	v18, _, _ =	vpop (xrf2);
	v45 =	vbroadcast v44, $0xF  }
0x272: {  	v21, v22, _ =	vpop (xrf1);
	v47 =	vbroadcast v18, $0xF  }
0x273: {  	v18, v25, _ =	vpop (xrf1);
	(erf) = vrcp.f32 v45  }
0x274: {  	v26, v27, _ =	vpop (xrf1);
	(erf) = vrcp.f32 v47  }
0x275: {  	(xrf0) =	vmax.scan.msk.f32 $0xffff, v26;
	_ =	sdelay $0x3  }
0x276: {  	v48 =	vmul.f32 v58, v28;
	v28 =	vpop (erf)  }
0x277: {  	s0 =	sadd.s32 $0x100, s28;
	v2, v3, _ =	vpop (xrf1)  }
0x278: {  	s1 =	sadd.s32 $0x100, s29;
	[tilespmem:s0+$0xFFFFFF80] =	vst v48;
	v49 =	vmul.f32 v30, v23;
	vm11 =	vge.f32 v34, v18;
	v23, _, _ =	vpop (xrf0)  }
0x279: {  	[tilespmem:s1+$0xFFFFFF80] =	vst v24;
	v54 =	vsel vm11, v34, v18;
	v55 =	vsel vm11, v35, v25;
	v24 =	vpop (erf)  }
0x27a: {  	(xrf1) =	vsort.dscd.msk.f32 $0xffff, v54, v55;
	vm12 =	vge.f32 v21, v2;
	v23 =	vbroadcast v23, $0xF;
	v50 =	vpop (erf)  }
0x27b: {  	[tilespmem:s18+$0x0] =	vst v49;
	v56 =	vsel vm12, v21, v2;
	v51 =	vmul.f32 v50, v57;
	v57 =	vsel vm12, v22, v3  }
0x27c: {  	[tilespmem:s19+$0x0] =	vst v16;
	v16 =	vsub.f32 v26, v23;
	(xrf1) =	vsort.dscd.msk.f32 $0xffff, v56, v57;
	_ =	sdelay $0x1  }
0x27d: {  	v52 =	vmul.f32 $1.442695020e+00, v16;
	_ =	sdelay $0x1  }
0x27e: {  	(erf) = vpow2.f32 v52;
	_ =	sdelay $0x3  }
0x27f: {  	v0 =	vmul.f32 v24, v59;
	_ =	sdelay $0x2  }
0x280: {  	s10 =	sadd.s32 $0x100, s0  }
0x281: {  	(xrf2) =	vadd.scan.msk.f32 $0xffff, v28;
	[tilespmem:s10+$0xFFFFFF80] =	vst v0;
	v0, v1, _ =	vpop (xrf1)  }
0x282: {  	(xrf0) =	vmax.scan.msk.f32 $0xffff, v0;
	v58 =	vpop (erf)  }
0x283: {  	(xrf2) =	vadd.scan.msk.f32 $0xffff, v58;
	v3, v4, _ =	vpop (xrf1)  }
0x284: {  	(xrf0) =	vmax.scan.msk.f32 $0xffff, v3;
	_ =	sdelay $0x3  }
0x285: {  	v16, _, _ =	vpop (xrf0)  }
0x286: {  	v16 =	vbroadcast v16, $0xF  }
0x287: {  	[tilespmem:s24+$0x0] =	vst v51;
	v18, _, _ =	vpop (xrf0)  }
0x288: {  	[tilespmem:s26+$0x0] =	vst v19;
	v19, _, _ =	vpop (xrf2);
	v0 =	vsub.f32 v0, v16;
	v16 =	vbroadcast v18, $0xF  }
0x289: {  	v18 =	vbroadcast v19, $0xF  }
0x28a: {  	v0 =	vmul.f32 $1.442695020e+00, v0;
	v19, _, _ =	vpop (xrf2);
	v3 =	vsub.f32 v3, v16  }
0x28b: {  	(erf) = vrcp.f32 v18;
	v16 =	vbroadcast v19, $0xF  }
0x28c: {  	(erf) = vpow2.f32 v0;
	v59 =	vmul.f32 $1.442695020e+00, v3  }
0x28d: {  	(erf) = vrcp.f32 v16  }
0x28e: {  	(erf) = vpow2.f32 v59;
	_ =	sdelay $0x5  }
0x28f: {  	v60 =	vpop (erf)  }
0x290: {  	v3 =	vpop (erf)  }
0x291: {  	v16 =	vpop (erf);
	(xrf2) =	vadd.scan.msk.f32 $0xffff, v3  }
0x292: {  	v18 =	vpop (erf)  }
0x293: {  	(xrf2) =	vadd.scan.msk.f32 $0xffff, v18;
	_ =	sdelay $0x7  }
0x294: {  	v19, _, _ =	vpop (xrf2)  }
0x295: {  	v19 =	vbroadcast v19, $0xF  }
0x296: {  	v20, _, _ =	vpop (xrf2)  }
0x297: {  	(erf) = vrcp.f32 v19;
	v19 =	vbroadcast v20, $0xF;
	_ =	sdelay $0x1  }
0x298: {  	(erf) = vrcp.f32 v19;
	_ =	sdelay $0x3  }
0x299: {  	s20 =	sadd.s32 $0x100, s1;
	v0 =	vmul.f32 v60, v28  }
0x29a: {  	[tilespmem:s20+$0xFFFFFF80] =	vst v42  }
0x29b: {  	[tilespmem:s21+$0x0] =	vst v0;
	v61 =	vmul.f32 v16, v58  }
0x29c: {  	[tilespmem:s22+$0x0] =	vst v17;
	v63 =	vpop (erf)  }
0x29d: {  	[tilespmem:s25+$0x0] =	vst v61;
	v32 =	vmul.f32 v63, v3  }
0x29e: {  	[tilespmem:s23+$0x0] =	vst v27;
	v33 =	vpop (erf)  }
0x29f: {  	s22 =	sshll.u32 s17, $0x8;
	[tilespmem:s0+$0x0] =	vst v32;
	v34 =	vmul.f32 v33, v18  }
0x2a0: {  	p0 =	seq.s32 s17, $0x1F;
	s18 =	sor.u32 s3, s22;
	[tilespmem:s1+$0x0] =	vst v1  }
0x2a1: {  	s0 =	sshll.u32 @!p0 s18, $0x5;
	[tilespmem:s10+$0x0] =	vst v34  }
0x2a2: {  	s23 =	sshll.u32 s18, $0x4;
	s1 =	simm.s32 @!p0 $0x0;
	s0 =	sadd.s32 @!p0 s0, s8;
	[tilespmem:s20+$0x0] =	vst v4  }
0x2a3: {  	[tilespmem:s1], [sflag:$0x1] =	stream.linear.gather @!p0 [hbm4b:s0+s1], $0x8000, $0x38;
	[tilespmem:$0x18000] =	vst v63  }
0x2a4: {  	s25 =	simm.s32 $0x0;
	s24 =	sadd.s32 s4, s23  }
0x2a5: {  	[hbm4b:s24+s25] =	stream.linear.scatter [tilespmem:s12], [sflag:$0x3], $0x4000, $0x38;
	[tilespmem:$0x18000] =	vst v63  }
0x2a6: {  	_ =	swait.ge [sflag:s13], $0x4000  }
0x2a7: {  	[sflag:s13] =	ssyncset.done $0x0  }
0x2a8: {  	s0 =	sadd.s32 s5, s23;
	[sflag:s13] =	ssyncadd.s32 $0xFFFFC000  }
0x2a9: {  	[hbm4b:s0+s25] =	stream.linear.scatter [tilespmem:s14], [sflag:$0x3], $0x4000, $0x38;
	[tilespmem:$0x18000] =	vst v63  }
0x2aa: {  	_ =	swait.ge [sflag:s13], $0x4000  }
0x2ab: {  	[sflag:s13] =	ssyncset.done $0x0  }
0x2ac: {  	[sflag:s13] =	ssyncadd.s32 $0xFFFFC000  }
0x2ad: {  	_ =	swait.ge [sflag:s15], $0x8000  }
0x2ae: {  	s26 =	simm.s32 $0x80;
	s6 =	sand.u32 $0x7800, s25;
	v56 =	vld [tilespmem:$0x1FFD0]  }
0x2af: {  	s1 =	sor.u32 $0x8000, s6;
	s0 =	sand.u32 $0x380, s26;
	[sflag:s15] =	ssyncset.done $0x0;
	v54 =	vld [tilespmem:$0x1FFE0]  }
0x2b0: {  	s0 =	sor.u32 s0, s1;
	v55 =	vld [tilespmem:$0x1FFF0];
	[sflag:s15] =	ssyncadd.s32 $0xFFFF8000  }
0x2b1: {  	v35 =	vld [tilespmem:s0+$0x0]  }
0x2b2: {  	v36 =	vld [tilespmem:s0+$0x10]  }
0x2b3: {  	v37 =	vld [tilespmem:s0+$0x20]  }
0x2b4: {  	v3 =	vld [tilespmem:s0+$0x30]  }
0x2b5: {  	v17 =	vlaneseq.u32;
	v4 =	vld [tilespmem:s0+$0x40]  }
0x2b6: {  	v16 =	vld [tilespmem:s0+$0x50];
	(xrf1) =	vsort.dscd.msk.f32 $0xffff, v35, v17  }
0x2b7: {  	v38 =	vld [tilespmem:s0+$0x60];
	(xrf1) =	vsort.ascd.msk.f32 $0xffff, v36, v56  }
0x2b8: {  	v39 =	vld [tilespmem:s0+$0x70];
	(xrf1) =	vsort.dscd.msk.f32 $0xffff, v37, v54  }
0x2b9: {  	v40 =	vld [tilespmem:s0+$0x400];
	(xrf1) =	vsort.ascd.msk.f32 $0xffff, v3, v55  }
0x2ba: {  	v3 =	vld [tilespmem:s0+$0x410];
	(xrf1) =	vsort.dscd.msk.f32 $0xffff, v4, v8  }
0x2bb: {  	(xrf1) =	vsort.ascd.msk.f32 $0xffff, v16, v9  }
0x2bc: {  	v4 =	vld [tilespmem:s0+$0x420];
	(xrf1) =	vsort.dscd.msk.f32 $0xffff, v38, v10  }
0x2bd: {  	v16 =	vld [tilespmem:s0+$0x430];
	(xrf1) =	vsort.ascd.msk.f32 $0xffff, v39, v11  }
0x2be: {  	v41 =	vld [tilespmem:s0+$0x440];
	(xrf1) =	vsort.dscd.msk.f32 $0xffff, v40, v12  }
0x2bf: {  	s7 =	simm.s32 $0x0;
	v42 =	vld [tilespmem:s0+$0x450];
	(xrf1) =	vsort.ascd.msk.f32 $0xffff, v3, v13  }
0x2c0: {  	s10 =	sand.u32 $0x300, s7;
	v43 =	vld [tilespmem:s0+$0x460]  }
0x2c1: {  	s19 =	sor.u32 s10, s1;
	v3 =	vld [tilespmem:s0+$0x470];
	(xrf1) =	vsort.dscd.msk.f32 $0xffff, v4, v62  }
0x2c2: {  	v4 =	vld [tilespmem:s19+$0x0];
	(xrf1) =	vsort.ascd.msk.f32 $0xffff, v16, v7  }
0x2c3: {  	v23 =	vlaneseq.u32;
	v44 =	vld [tilespmem:s19+$0x10];
	(xrf1) =	vsort.dscd.msk.f32 $0xffff, v41, v14  }
0x2c4: {  	v45 =	vld [tilespmem:s19+$0x20];
	(xrf1) =	vsort.ascd.msk.f32 $0xffff, v42, v15;
	v16, v17, _ =	vpop (xrf1)  }
0x2c5: {  	v46 =	vld [tilespmem:s19+$0x30];
	(xrf1) =	vsort.dscd.msk.f32 $0xffff, v43, v5;
	v18, v19, _ =	vpop (xrf1)  }
0x2c6: {  	(xrf1) =	vsort.ascd.msk.f32 $0xffff, v3, v6;
	v3 =	vld [tilespmem:s19+$0x40];
	v20, v21, _ =	vpop (xrf1)  }
0x2c7: {  	v22 =	vld [tilespmem:s19+$0x50];
	(xrf1) =	vsort.dscd.msk.f32 $0xffff, v4, v23;
	v4, v23, _ =	vpop (xrf1)  }
0x2c8: {  	v24 =	vld [tilespmem:s19+$0x60];
	(xrf1) =	vsort.ascd.msk.f32 $0xffff, v44, v56;
	v47, v25, _ =	vpop (xrf1)  }
0x2c9: {  	v26 =	vld [tilespmem:s19+$0x70];
	(xrf1) =	vsort.dscd.msk.f32 $0xffff, v45, v54;
	v48, v27, _ =	vpop (xrf1)  }
0x2ca: {  	v28 =	vld [tilespmem:s19+$0x400];
	(xrf1) =	vsort.ascd.msk.f32 $0xffff, v46, v55;
	v49, v29, _ =	vpop (xrf1)  }
0x2cb: {  	v30 =	vld [tilespmem:s19+$0x410];
	vm13 =	vge.f32 v16, v18;
	(xrf1) =	vsort.dscd.msk.f32 $0xffff, v3, v8;
	v3, v31, _ =	vpop (xrf1)  }
0x2cc: {  	v16 =	vsel vm13, v16, v18;
	v17 =	vsel vm13, v17, v19;
	(xrf1) =	vsort.ascd.msk.f32 $0xffff, v22, v9;
	v22, v50, _ =	vpop (xrf1)  }
0x2cd: {  	vm14 =	vge.f32 v20, v4;
	vm2 =	vge.f32 v47, v48;
	v51, v52, _ =	vpop (xrf1);
	(xrf1) =	vsort.dscd.msk.f32 $0xffff, v24, v10  }
0x2ce: {  	v4 =	vsel vm14, v20, v4;
	v0 =	vsel vm2, v47, v48;
	(xrf1) =	vsort.ascd.msk.f32 $0xffff, v26, v11  }
0x2cf: {  	v63 =	vsel vm2, v25, v27;
	vm3 =	vge.f32 v49, v3;
	v24, v53, _ =	vpop (xrf1);
	(xrf1) =	vsort.dscd.msk.f32 $0xffff, v28, v12  }
0x2d0: {  	v2 =	vsel vm3, v49, v3;
	v3 =	vsel vm3, v29, v31;
	v26, v57, _ =	vpop (xrf1);
	(xrf1) =	vsort.ascd.msk.f32 $0xffff, v30, v13  }
0x2d1: {  	vm15 =	vge.f32 v22, v51;
	v28, v58, _ =	vpop (xrf1);
	(xrf1) =	vsort.dscd.msk.f32 $0xffff, v16, v17;
	v16 =	vsel vm14, v21, v23  }
0x2d2: {  	v33 =	vsel vm15, v22, v51;
	v34 =	vsel vm15, v50, v52;
	v30, v59, _ =	vpop (xrf1);
	(xrf1) =	vsort.ascd.msk.f32 $0xffff, v4, v16  }
0x2d3: {  	vm4 =	vge.f32 v24, v26;
	v60, v61, _ =	vpop (xrf1);
	vm5 =	vge.f32 v28, v30;
	(xrf1) =	vsort.dscd.msk.f32 $0xffff, v0, v63  }
0x2d4: {  	v4 =	vsel vm4, v24, v26;
	v16 =	vsel vm4, v53, v57;
	v18, v19, _ =	vpop (xrf1);
	(xrf1) =	vsort.ascd.msk.f32 $0xffff, v2, v3  }
0x2d5: {  	v21 =	vsel vm5, v58, v59;
	vm7 =	vge.f32 v60, v18;
	v2, v3, _ =	vpop (xrf1);
	(xrf1) =	vsort.dscd.msk.f32 $0xffff, v33, v34  }
0x2d6: {  	v35 =	vld [tilespmem:s19+$0x420];
	v20 =	vsel vm5, v28, v30;
	v36, v17, _ =	vpop (xrf1);
	v19 =	vsel vm7, v61, v19;
	(xrf1) =	vsort.ascd.msk.f32 $0xffff, v4, v16  }
0x2d7: {  	v18 =	vsel vm7, v60, v18;
	v4 =	vld [tilespmem:s19+$0x430];
	v16, v22, _ =	vpop (xrf1);
	(xrf1) =	vsort.dscd.msk.f32 $0xffff, v20, v21  }
0x2d8: {  	v20 =	vld [tilespmem:s19+$0x440];
	v21, v23, _ =	vpop (xrf1);
	(xrf1) =	vsort.ascd.msk.f32 $0xffff, v18, v19  }
0x2d9: {  	v18 =	vld [tilespmem:s19+$0x450];
	v19, v24, _ =	vpop (xrf1)  }
0x2da: {  	v25 =	vld [tilespmem:s19+$0x460];
	v26, v27, _ =	vpop (xrf1)  }
0x2db: {  	v28 =	vld [tilespmem:s19+$0x470];
	vm8 =	vge.f32 v2, v36;
	v29, v30, _ =	vpop (xrf1);
	(xrf1) =	vsort.dscd.msk.f32 $0xffff, v35, v62  }
0x2dc: {  	v1 =	vsel vm8, v2, v36;
	vm9 =	vge.f32 v16, v21;
	v37, v31, _ =	vpop (xrf1);
	(xrf1) =	vsort.ascd.msk.f32 $0xffff, v4, v7  }
0x2dd: {  	v39 =	vsel vm8, v3, v17;
	v16 =	vsel vm9, v16, v21;
	v4, v38, _ =	vpop (xrf1);
	(xrf1) =	vsort.dscd.msk.f32 $0xffff, v20, v14  }
0x2de: {  	v21 =	vsel vm9, v22, v23;
	vm10 =	vge.f32 v19, v26;
	v3, v17, _ =	vpop (xrf1);
	(xrf1) =	vsort.ascd.msk.f32 $0xffff, v18, v15  }
0x2df: {  	v19 =	vsel vm10, v19, v26;
	v24 =	vsel vm10, v24, v27;
	(xrf1) =	vsort.dscd.msk.f32 $0xffff, v25, v5;
	v18, v20, _ =	vpop (xrf1)  }
0x2e0: {  	vm11 =	vge.f32 v29, v37;
	vm12 =	vge.f32 v4, v3;
	(xrf1) =	vsort.ascd.msk.f32 $0xffff, v28, v6;
	v22, v23, _ =	vpop (xrf1)  }
0x2e1: {  	v0 =	vsel vm11, v29, v37;
	v17 =	vsel vm12, v38, v17;
	(xrf1) =	vsort.dscd.msk.f32 $0xffff, v1, v39;
	v1, v2, _ =	vpop (xrf1)  }
0x2e2: {  	v3 =	vsel vm12, v4, v3;
	vm13 =	vge.f32 v18, v22;
	(xrf1) =	vsort.ascd.msk.f32 $0xffff, v16, v21;
	v16, v21, _ =	vpop (xrf1)  }
0x2e3: {  	v25 =	vsel vm11, v30, v31;
	v18 =	vsel vm13, v18, v22;
	(xrf1) =	vsort.dscd.msk.f32 $0xffff, v19, v24;
	v4, v19, _ =	vpop (xrf1)  }
0x2e4: {  	v20 =	vsel vm13, v20, v23;
	vm14 =	vge.f32 v1, v16;
	(xrf1) =	vsort.ascd.msk.f32 $0xffff, v0, v25;
	v40, v24, _ =	vpop (xrf1)  }
0x2e5: {  	v1 =	vsel vm14, v1, v16;
	(xrf1) =	vsort.dscd.msk.f32 $0xffff, v3, v17;
	v3, v17, _ =	vpop (xrf1);
	vm15 =	vge.f32 v4, v40  }
0x2e6: {  	v2 =	vsel vm14, v2, v21;
	v22, v23, _ =	vpop (xrf1);
	(xrf1) =	vsort.dscd.msk.f32 $0xffff, v18, v20;
	v0 =	vsel vm15, v4, v40  }
0x2e7: {  	v4 =	vsel vm15, v19, v24;
	vm4 =	vge.f32 v3, v22;
	(xrf1) =	vsort.ascd.msk.f32 $0xffff, v1, v2  }
0x2e8: {  	v41 =	vsel vm4, v3, v22;
	v42 =	vsel vm4, v17, v23;
	(xrf1) =	vsort.dscd.msk.f32 $0xffff, v0, v4  }
0x2e9: {  	v43, v3, _ =	vpop (xrf1);
	(xrf1) =	vsort.ascd.msk.f32 $0xffff, v41, v42  }
0x2ea: {  	v1, v2, _ =	vpop (xrf1)  }
0x2eb: {  	v4, v16, _ =	vpop (xrf1)  }
0x2ec: {  	v17, v18, _ =	vpop (xrf1)  }
0x2ed: {  	vm5 =	vge.f32 v43, v1;
	v20, v21, _ =	vpop (xrf1)  }
0x2ee: {  	v0 =	vsel vm5, v43, v1;
	v44 =	vsel vm5, v3, v2;
	v22, v24, _ =	vpop (xrf1)  }
0x2ef: {  	vm6 =	vge.f32 v4, v17;
	(xrf1) =	vsort.ascd.msk.f32 $0xffff, v0, v44;
	v25, v26, _ =	vpop (xrf1)  }
0x2f0: {  	v4 =	vsel vm6, v4, v17;
	v16 =	vsel vm6, v16, v18;
	vm7 =	vge.f32 v20, v22;
	v27, v28, _ =	vpop (xrf1)  }
0x2f1: {  	(xrf1) =	vsort.dscd.msk.f32 $0xffff, v4, v16;
	v16 =	vsel vm7, v21, v24;
	v2, v3, _ =	vpop (xrf1);
	vm8 =	vge.f32 v25, v27  }
0x2f2: {  	s20 =	simm.s32 $0x200;
	v4 =	vsel vm7, v20, v22;
	v0, v1, _ =	vpop (xrf1);
	v17 =	vsel vm8, v25, v27  }
0x2f3: {  	s21 =	simm.s32 $0x180;
	s0 =	sand.u32 $0x7800, s20;
	v21 =	vsel vm8, v26, v28;
	v23, v19, _ =	vpop (xrf1)  }
0x2f4: {  	s1 =	sand.u32 $0x380, s21;
	s0 =	sor.u32 $0x8000, s0;
	v18, v20, _ =	vpop (xrf1)  }
0x2f5: {  	s1 =	sor.u32 s1, s0;
	(xrf1) =	vsort.ascd.msk.f32 $0xffff, v4, v16;
	vm9 =	vge.f32 v2, v0;
	v4, v16, _ =	vpop (xrf1)  }
0x2f6: {  	v45 =	vld [tilespmem:s1+$0x0];
	(xrf1) =	vsort.dscd.msk.f32 $0xffff, v17, v21;
	v0 =	vsel vm9, v2, v0;
	v1 =	vsel vm9, v3, v1;
	v3, v17, _ =	vpop (xrf1)  }
0x2f7: {  	v46 =	vld [tilespmem:s1+$0x10];
	(xrf1) =	vsort.ascd.msk.f32 $0xffff, v0, v1;
	vm10 =	vge.f32 v18, v4;
	v47, v21, _ =	vpop (xrf1)  }
0x2f8: {  	v22 =	vld [tilespmem:s1+$0x20];
	v4 =	vsel vm10, v18, v4;
	v16 =	vsel vm10, v20, v16;
	vm11 =	vge.f32 v3, v47  }
0x2f9: {  	v18 =	vld [tilespmem:s1+$0x30];
	(xrf1) =	vsort.dscd.msk.f32 $0xffff, v4, v16;
	v1 =	vsel vm11, v3, v47;
	v3 =	vsel vm11, v17, v21  }
0x2fa: {  	v49 =	vlaneseq.u32;
	v4 =	vld [tilespmem:s1+$0x40];
	(xrf1) =	vsort.ascd.msk.f32 $0xffff, v1, v3  }
0x2fb: {  	v48 =	vld [tilespmem:s1+$0x50];
	(xrf1) =	vsort.dscd.msk.f32 $0xffff, v45, v49  }
0x2fc: {  	v50 =	vld [tilespmem:s1+$0x60];
	(xrf1) =	vsort.ascd.msk.f32 $0xffff, v46, v56  }
0x2fd: {  	v51 =	vld [tilespmem:s1+$0x70];
	(xrf1) =	vsort.dscd.msk.f32 $0xffff, v22, v54  }
0x2fe: {  	v3 =	vld [tilespmem:s1+$0x400];
	(xrf1) =	vsort.ascd.msk.f32 $0xffff, v18, v55  }
0x2ff: {  	v16 =	vld [tilespmem:s1+$0x410];
	(xrf1) =	vsort.dscd.msk.f32 $0xffff, v4, v8  }
0x300: {  	v4 =	vld [tilespmem:s1+$0x420];
	(xrf1) =	vsort.ascd.msk.f32 $0xffff, v48, v9  }
0x301: {  	v52 =	vld [tilespmem:s1+$0x430];
	(xrf1) =	vsort.dscd.msk.f32 $0xffff, v50, v10  }
0x302: {  	v2, v27, _ =	vpop (xrf1);
	v18 =	vld [tilespmem:s1+$0x440];
	(xrf1) =	vsort.ascd.msk.f32 $0xffff, v51, v11  }
0x303: {  	v53 =	vld [tilespmem:s1+$0x450];
	v24, v22, _ =	vpop (xrf1);
	(xrf1) =	vsort.dscd.msk.f32 $0xffff, v3, v12  }
0x304: {  	v26, v25, _ =	vpop (xrf1);
	v3 =	vld [tilespmem:s1+$0x460];
	(xrf1) =	vsort.ascd.msk.f32 $0xffff, v16, v13  }
0x305: {  	s22 =	simm.s32 $0x100;
	v28 =	vld [tilespmem:s1+$0x470];
	v20, v16, _ =	vpop (xrf1);
	(xrf1) =	vsort.dscd.msk.f32 $0xffff, v4, v62  }
0x306: {  	s23 =	sand.u32 $0x300, s22;
	v21, v17, _ =	vpop (xrf1);
	(xrf1) =	vsort.ascd.msk.f32 $0xffff, v52, v7  }
0x307: {  	s0 =	sor.u32 s23, s0;
	v57, v4, _ =	vpop (xrf1);
	(xrf1) =	vsort.dscd.msk.f32 $0xffff, v18, v14  }
0x308: {  	v18 =	vld [tilespmem:s0+$0x0];
	(xrf1) =	vsort.ascd.msk.f32 $0xffff, v53, v15;
	v58, v29, _ =	vpop (xrf1)  }
0x309: {  	v30 =	vld [tilespmem:s0+$0x10];
	v31, v32, _ =	vpop (xrf1);
	(xrf1) =	vsort.dscd.msk.f32 $0xffff, v3, v5;
	vm12 =	vge.f32 v57, v58  }
0x30a: {  	v3 =	vld [tilespmem:s0+$0x20];
	v33, v34, _ =	vpop (xrf1);
	(xrf1) =	vsort.ascd.msk.f32 $0xffff, v28, v6;
	v0 =	vsel vm12, v57, v58;
	v59 =	vsel vm12, v4, v29  }
0x30b: {  	v4 =	vld [tilespmem:s0+$0x30];
	v28, v29, _ =	vpop (xrf1);
	(xrf1) =	vsort.dscd.msk.f32 $0xffff, v0, v59  }
0x30c: {  	v1, v35, _ =	vpop (xrf1)  }
0x30d: {  	v60 =	vld [tilespmem:s0+$0x40];
	(xrf1) =	vsort.dscd.msk.f32 $0xffff, v18, v49;
	v37, v38, _ =	vpop (xrf1)  }
0x30e: {  	v61 =	vld [tilespmem:s0+$0x50];
	(xrf1) =	vsort.ascd.msk.f32 $0xffff, v30, v56;
	v30, v39, _ =	vpop (xrf1)  }
0x30f: {  	v18 =	vld [tilespmem:s0+$0x60];
	(xrf1) =	vsort.dscd.msk.f32 $0xffff, v3, v54;
	v3, v41, _ =	vpop (xrf1)  }
0x310: {  	v63 =	vld [tilespmem:s0+$0x70];
	(xrf1) =	vsort.ascd.msk.f32 $0xffff, v4, v55;
	v4, v43, _ =	vpop (xrf1)  }
0x311: {  	v52 =	vld [tilespmem:s0+$0x400];
	v57, v45, _ =	vpop (xrf1)  }
0x312: {  	v53 =	vld [tilespmem:s0+$0x410];
	(xrf1) =	vsort.dscd.msk.f32 $0xffff, v60, v8;
	v58, v46, _ =	vpop (xrf1)  }
0x313: {  	(xrf1) =	vsort.ascd.msk.f32 $0xffff, v61, v9;
	v47, v48, _ =	vpop (xrf1)  }
0x314: {  	vm13 =	vge.f32 v31, v33;
	(xrf1) =	vsort.dscd.msk.f32 $0xffff, v18, v10;
	v59, v49, _ =	vpop (xrf1)  }
0x315: {  	v18 =	vsel vm13, v31, v33;
	(xrf1) =	vsort.ascd.msk.f32 $0xffff, v63, v11;
	v60, v50, _ =	vpop (xrf1)  }
0x316: {  	v31 =	vsel vm13, v32, v34;
	(xrf1) =	vsort.dscd.msk.f32 $0xffff, v52, v12;
	v61, v51, _ =	vpop (xrf1)  }
0x317: {  	(xrf1) =	vsort.ascd.msk.f32 $0xffff, v53, v13;
	v52, v53, _ =	vpop (xrf1)  }
0x318: {  	vm14 =	vge.f32 v28, v1;
	v63, v33, _ =	vpop (xrf1)  }
0x319: {  	v1 =	vsel vm14, v28, v1;
	vm15 =	vge.f32 v37, v30;
	(xrf1) =	vsort.dscd.msk.f32 $0xffff, v18, v31;
	v31, v18, _ =	vpop (xrf1)  }
0x31a: {  	v28 =	vsel vm14, v29, v35;
	v29 =	vsel vm15, v37, v30;
	vm8 =	vge.f32 v3, v4;
	(xrf0) =	vmax.scan.msk.f32 $0xffff, v31  }
0x31b: {  	v30 =	vsel vm15, v38, v39;
	v39 =	vsel vm8, v3, v4;
	v3 =	vsel vm8, v41, v43  }
0x31c: {  	vm9 =	vge.f32 v57, v58;
	vm10 =	vge.f32 v47, v59;
	(xrf1) =	vsort.ascd.msk.f32 $0xffff, v1, v28  }
0x31d: {  	v0 =	vsel vm9, v57, v58;
	v57 =	vsel vm10, v47, v59;
	(xrf1) =	vsort.dscd.msk.f32 $0xffff, v29, v30  }
0x31e: {  	vm11 =	vge.f32 v60, v61;
	v29 =	vsel vm9, v45, v46;
	(xrf1) =	vsort.ascd.msk.f32 $0xffff, v39, v3;
	v4, v28, _ =	vpop (xrf1)  }
0x31f: {  	v58 =	vsel vm10, v48, v49;
	v46 =	vld [tilespmem:s0+$0x420];
	v59 =	vsel vm11, v60, v61;
	(xrf1) =	vsort.dscd.msk.f32 $0xffff, v0, v29;
	v3, v30, _ =	vpop (xrf1)  }
0x320: {  	v60 =	vsel vm11, v50, v51;
	vm12 =	vge.f32 v52, v63;
	v0 =	vld [tilespmem:s0+$0x430];
	(xrf1) =	vsort.ascd.msk.f32 $0xffff, v57, v58;
	v48, _, _ =	vpop (xrf0)  }
0x321: {  	v61 =	vld [tilespmem:s0+$0x440];
	v32 =	vsel vm12, v52, v63;
	v33 =	vsel vm12, v53, v33;
	v29, v36, _ =	vpop (xrf1);
	(xrf1) =	vsort.dscd.msk.f32 $0xffff, v59, v60;
	v38 =	vbroadcast v48, $0xF  }
0x322: {  	v63 =	vld [tilespmem:s0+$0x450];
	v35, v39, _ =	vpop (xrf1);
	(xrf1) =	vsort.ascd.msk.f32 $0xffff, v32, v33  }
0x323: {  	v49 =	vld [tilespmem:s0+$0x460];
	v51, v50, _ =	vpop (xrf1);
	v31 =	vsub.f32 v31, v38  }
0x324: {  	vm13 =	vge.f32 v23, v2;
	v52 =	vld [tilespmem:s0+$0x470];
	vm14 =	vge.f32 v4, v3;
	(xrf1) =	vsort.dscd.msk.f32 $0xffff, v46, v62;
	v57, v53, _ =	vpop (xrf1)  }
0x325: {  	v60 =	vsel vm13, v23, v2;
	v3 =	vsel vm14, v4, v3;
	(xrf1) =	vsort.ascd.msk.f32 $0xffff, v0, v7;
	v59, v58, _ =	vpop (xrf1);
	v31 =	vmul.f32 $1.442695020e+00, v31  }
0x326: {  	v28 =	vsel vm14, v28, v30;
	vm15 =	vge.f32 v29, v35;
	(xrf1) =	vsort.dscd.msk.f32 $0xffff, v61, v14;
	v2, v23, _ =	vpop (xrf1)  }
0x327: {  	vm6 =	vge.f32 v51, v57;
	(xrf1) =	vsort.ascd.msk.f32 $0xffff, v63, v15;
	v4, v61, _ =	vpop (xrf1);
	(erf) = vpow2.f32 v31;
	v31 =	vsel vm15, v36, v39  }
0x328: {  	v29 =	vsel vm15, v29, v35;
	v33 =	vsel vm6, v51, v57;
	(xrf1) =	vsort.dscd.msk.f32 $0xffff, v49, v5;
	v30, v63, _ =	vpop (xrf1)  }
0x329: {  	v47 =	vsel vm6, v50, v53;
	vm7 =	vge.f32 v59, v2;
	(xrf1) =	vsort.ascd.msk.f32 $0xffff, v52, v6;
	v45, v46, _ =	vpop (xrf1)  }
0x32a: {  	v1 =	vsel vm7, v59, v2;
	(xrf1) =	vsort.dscd.msk.f32 $0xffff, v3, v28;
	vm8 =	vge.f32 v4, v30;
	v3, v28, _ =	vpop (xrf1)  }
0x32b: {  	v4 =	vsel vm8, v4, v30;
	v30 =	vsel vm8, v61, v63;
	(xrf1) =	vsort.ascd.msk.f32 $0xffff, v29, v31;
	v29, v31, _ =	vpop (xrf1)  }
0x32c: {  	v19 =	vsel vm13, v19, v27;
	v48 =	vsel vm7, v58, v23;
	(xrf1) =	vsort.dscd.msk.f32 $0xffff, v33, v47;
	v23, v49, _ =	vpop (xrf1)  }
0x32d: {  	vm9 =	vge.f32 v45, v3;
	(xrf1) =	vsort.ascd.msk.f32 $0xffff, v1, v48;
	v1, v2, _ =	vpop (xrf1)  }
0x32e: {  	v3 =	vsel vm9, v45, v3;
	(xrf1) =	vsort.dscd.msk.f32 $0xffff, v4, v30;
	v27, v50, _ =	vpop (xrf1)  }
0x32f: {  	v28 =	vsel vm9, v46, v28;
	vm10 =	vge.f32 v29, v23;
	(xrf1) =	vsort.dscd.msk.f32 $0xffff, v60, v19;
	v4, v30, _ =	vpop (xrf1)  }
0x330: {  	vm11 =	vge.f32 v1, v27;
	(xrf1) =	vsort.dscd.msk.f32 $0xffff, v3, v28;
	v3 =	vsel vm10, v29, v23;
	v0, v19, _ =	vpop (xrf1)  }
0x331: {  	v28 =	vsel vm10, v31, v49;
	v2 =	vsel vm11, v2, v50;
	vm12 =	vge.f32 v4, v0  }
0x332: {  	v1 =	vsel vm11, v1, v27;
	v0 =	vsel vm12, v4, v0;
	v4 =	vsel vm12, v30, v19  }
0x333: {  	v23 =	vpop (erf);
	(xrf1) =	vsort.ascd.msk.f32 $0xffff, v3, v28  }
0x334: {  	v3, v27, _ =	vpop (xrf1);
	(xrf1) =	vsort.dscd.msk.f32 $0xffff, v1, v2  }
0x335: {  	v1, v2, _ =	vpop (xrf1);
	(xrf1) =	vsort.ascd.msk.f32 $0xffff, v0, v4  }
0x336: {  	v0, v4, _ =	vpop (xrf1)  }
0x337: {  	v19, v28, _ =	vpop (xrf1)  }
0x338: {  	vm13 =	vge.f32 v24, v26;
	vm15 =	vge.f32 v3, v1;
	v29, v30, _ =	vpop (xrf1)  }
0x339: {  	v24 =	vsel vm13, v24, v26;
	v1 =	vsel vm15, v3, v1;
	v2 =	vsel vm15, v27, v2;
	v31, v51, _ =	vpop (xrf1)  }
0x33a: {  	v22 =	vsel vm13, v22, v25;
	(xrf1) =	vsort.ascd.msk.f32 $0xffff, v1, v2;
	vm4 =	vge.f32 v0, v19;
	v25, v26, _ =	vpop (xrf1)  }
0x33b: {  	v0 =	vsel vm4, v0, v19;
	v4 =	vsel vm4, v4, v28;
	vm5 =	vge.f32 v29, v31;
	v53, v52, _ =	vpop (xrf1)  }
0x33c: {  	(xrf1) =	vsort.dscd.msk.f32 $0xffff, v0, v4;
	v4 =	vsel vm5, v30, v51;
	v3, v27, _ =	vpop (xrf1);
	vm6 =	vge.f32 v25, v53  }
0x33d: {  	(xrf1) =	vsort.ascd.msk.f32 $0xffff, v24, v22;
	v1, v2, _ =	vpop (xrf1);
	v22 =	vsel vm6, v25, v53  }
0x33e: {  	s24 =	simm.s32 $0x400;
	vm14 =	vge.f32 v20, v21;
	v24 =	vsel vm6, v26, v52;
	v34, v19, _ =	vpop (xrf1)  }
0x33f: {  	s25 =	simm.s32 $0x280;
	s0 =	sand.u32 $0x7800, s24;
	v16 =	vsel vm14, v16, v17;
	v28 =	vsel vm14, v20, v21;
	v57 =	vsel vm5, v29, v31;
	v21, v20, _ =	vpop (xrf1)  }
0x340: {  	s1 =	sand.u32 $0x380, s25;
	s0 =	sor.u32 $0x8000, s0;
	(xrf1) =	vsort.ascd.msk.f32 $0xffff, v57, v4;
	v0, v4, _ =	vpop (xrf1)  }
0x341: {  	s1 =	sor.u32 s1, s0;
	vm7 =	vge.f32 v3, v1;
	(xrf1) =	vsort.dscd.msk.f32 $0xffff, v22, v24;
	v17, v22, _ =	vpop (xrf1)  }
0x342: {  	v1 =	vsel vm7, v3, v1;
	v2 =	vsel vm7, v27, v2;
	(xrf1) =	vsort.dscd.msk.f32 $0xffff, v28, v16;
	v3 =	vld [tilespmem:s1+$0x0];
	v16, v24, _ =	vpop (xrf1)  }
0x343: {  	v58 =	vld [tilespmem:s1+$0x10];
	(xrf1) =	vsort.ascd.msk.f32 $0xffff, v1, v2;
	vm8 =	vge.f32 v0, v17;
	v59, v25, _ =	vpop (xrf1)  }
0x344: {  	(xrf2) =	vadd.scan.msk.f32 $0xffff, v23;
	v26 =	vld [tilespmem:s1+$0x20];
	v0 =	vsel vm8, v0, v17;
	v4 =	vsel vm8, v4, v22;
	vm9 =	vge.f32 v16, v59  }
0x345: {  	v17 =	vld [tilespmem:s1+$0x30];
	(xrf1) =	vsort.dscd.msk.f32 $0xffff, v0, v4;
	v2 =	vsel vm9, v16, v59;
	v16 =	vsel vm9, v24, v25  }
0x346: {  	v63 =	vlaneseq.u32;
	v60 =	vld [tilespmem:s1+$0x40];
	(xrf1) =	vsort.ascd.msk.f32 $0xffff, v2, v16  }
0x347: {  	v61 =	vld [tilespmem:s1+$0x50];
	(xrf1) =	vsort.dscd.msk.f32 $0xffff, v3, v63  }
0x348: {  	v3 =	vld [tilespmem:s1+$0x60];
	(xrf1) =	vsort.ascd.msk.f32 $0xffff, v58, v56  }
0x349: {  	v48 =	vld [tilespmem:s1+$0x70];
	(xrf1) =	vsort.dscd.msk.f32 $0xffff, v26, v54  }
0x34a: {  	v4 =	vld [tilespmem:s1+$0x400];
	(xrf1) =	vsort.ascd.msk.f32 $0xffff, v17, v55  }
0x34b: {  	v16 =	vld [tilespmem:s1+$0x410];
	v0, v35, _ =	vpop (xrf1);
	(xrf1) =	vsort.dscd.msk.f32 $0xffff, v60, v8  }
0x34c: {  	v30, v29, _ =	vpop (xrf1);
	(xrf1) =	vsort.ascd.msk.f32 $0xffff, v61, v9  }
0x34d: {  	v49 =	vld [tilespmem:s1+$0x430];
	v26, v25, _ =	vpop (xrf1);
	(xrf1) =	vsort.dscd.msk.f32 $0xffff, v3, v10  }
0x34e: {  	v27 =	vld [tilespmem:s1+$0x420];
	v33, v32, _ =	vpop (xrf1);
	(xrf1) =	vsort.ascd.msk.f32 $0xffff, v48, v11  }
0x34f: {  	v51 =	vld [tilespmem:s1+$0x450];
	v28, v24, _ =	vpop (xrf1);
	(xrf1) =	vsort.dscd.msk.f32 $0xffff, v4, v12  }
0x350: {  	v3 =	vld [tilespmem:s1+$0x440];
	(xrf1) =	vsort.ascd.msk.f32 $0xffff, v16, v13;
	v31, v16, _ =	vpop (xrf1)  }
0x351: {  	v4 =	vld [tilespmem:s1+$0x460];
	[tilespmem:$0x1FDC0] =	vst v31  }
0x352: {  	[tilespmem:$0x1FDD0] =	vst v16  }
0x353: {  	v17, _, _ =	vpop (xrf2);
	(xrf1) =	vsort.dscd.msk.f32 $0xffff, v27, v62;
	v52 =	vld [tilespmem:s1+$0x470]  }
0x354: {  	v31, v27, _ =	vpop (xrf1);
	(xrf1) =	vsort.ascd.msk.f32 $0xffff, v49, v7  }
0x355: {  	s26 =	simm.s32 $0x200;
	(xrf1) =	vsort.dscd.msk.f32 $0xffff, v3, v14;
	v53, v3, _ =	vpop (xrf1)  }
0x356: {  	v22 =	vmov v55;
	s1 =	sand.u32 $0x300, s26;
	(xrf1) =	vsort.ascd.msk.f32 $0xffff, v51, v15;
	v57, v55, _ =	vpop (xrf1)  }
0x357: {  	s0 =	sor.u32 s1, s0;
	v38, v39, _ =	vpop (xrf1);
	(xrf1) =	vsort.dscd.msk.f32 $0xffff, v4, v5;
	vm10 =	vge.f32 v53, v57  }
0x358: {  	v4 =	vld [tilespmem:s0+$0x0];
	v40, v41, _ =	vpop (xrf1);
	v1 =	vsel vm10, v53, v57;
	v58 =	vsel vm10, v3, v55;
	(xrf1) =	vsort.ascd.msk.f32 $0xffff, v52, v6  }
0x359: {  	v3 =	vld [tilespmem:s0+$0x10];
	v36, v37, _ =	vpop (xrf1);
	(xrf1) =	vsort.dscd.msk.f32 $0xffff, v1, v58  }
0x35a: {  	v59 =	vld [tilespmem:s0+$0x20];
	v2, v42, _ =	vpop (xrf1)  }
0x35b: {  	v60 =	vld [tilespmem:s0+$0x30];
	v44, v45, _ =	vpop (xrf1)  }
0x35c: {  	v61 =	vld [tilespmem:s0+$0x40];
	v47, v48, _ =	vpop (xrf1)  }
0x35d: {  	v62 =	vld [tilespmem:s0+$0x50];
	(xrf1) =	vsort.dscd.msk.f32 $0xffff, v4, v63;
	v4, v50, _ =	vpop (xrf1)  }
0x35e: {  	v63 =	vld [tilespmem:s0+$0x60];
	(xrf1) =	vsort.ascd.msk.f32 $0xffff, v3, v56;
	v3, v52, _ =	vpop (xrf1)  }
0x35f: {  	v17 =	vbroadcast v17, $0xF;
	v53 =	vld [tilespmem:s0+$0x70];
	(xrf1) =	vsort.dscd.msk.f32 $0xffff, v59, v54;
	v1, v54, _ =	vpop (xrf1)  }
0x360: {  	v55 =	vld [tilespmem:s0+$0x400];
	(xrf1) =	vsort.ascd.msk.f32 $0xffff, v60, v22;
	v43, v56, _ =	vpop (xrf1)  }
0x361: {  	(erf) = vrcp.f32 v17;
	v57 =	vld [tilespmem:s0+$0x410];
	(xrf1) =	vsort.dscd.msk.f32 $0xffff, v61, v8;
	v46, v58, _ =	vpop (xrf1)  }
0x362: {  	(xrf1) =	vsort.ascd.msk.f32 $0xffff, v62, v9;
	v49, v59, _ =	vpop (xrf1)  }
0x363: {  	vm11 =	vge.f32 v38, v40;
	(xrf1) =	vsort.dscd.msk.f32 $0xffff, v63, v10;
	v51, v60, _ =	vpop (xrf1)  }
0x364: {  	v38 =	vsel vm11, v38, v40;
	vm12 =	vge.f32 v36, v2;
	(xrf1) =	vsort.ascd.msk.f32 $0xffff, v53, v11;
	v53, v61, _ =	vpop (xrf1)  }
0x365: {  	v39 =	vsel vm11, v39, v41;
	v2 =	vsel vm12, v36, v2;
	(xrf1) =	vsort.dscd.msk.f32 $0xffff, v55, v12;
	v55, v62, _ =	vpop (xrf1)  }
0x366: {  	v42 =	vsel vm12, v37, v42;
	vm13 =	vge.f32 v44, v47;
	(xrf1) =	vsort.ascd.msk.f32 $0xffff, v57, v13;
	v57, v63, _ =	vpop (xrf1)  }
0x367: {  	v44 =	vsel vm13, v44, v47;
	vm14 =	vge.f32 v4, v3;
	(xrf1) =	vsort.dscd.msk.f32 $0xffff, v38, v39;
	v40, v16, _ =	vpop (xrf1)  }
0x368: {  	v47 =	vsel vm13, v45, v48;
	v3 =	vsel vm14, v4, v3;
	vm15 =	vge.f32 v1, v43;
	(xrf0) =	vmax.scan.msk.f32 $0xffff, v40  }
0x369: {  	v4 =	vsel vm14, v50, v52;
	v1 =	vsel vm15, v1, v43;
	(xrf1) =	vsort.ascd.msk.f32 $0xffff, v2, v42  }
0x36a: {  	v48 =	vsel vm15, v54, v56;
	vm8 =	vge.f32 v46, v49;
	v2 =	vpop (erf);
	(xrf1) =	vsort.dscd.msk.f32 $0xffff, v44, v47  }
0x36b: {  	v49 =	vsel vm8, v46, v49;
	vm9 =	vge.f32 v51, v53;
	[tilespmem:$0x1FE20] =	vst v16;
	(xrf1) =	vsort.ascd.msk.f32 $0xffff, v3, v4;
	v16 =	vld [tilespmem:$0x1FFC0];
	v36, v37, _ =	vpop (xrf1)  }
0x36c: {  	v50 =	vsel vm8, v58, v59;
	v51 =	vsel vm9, v51, v53;
	v3 =	vld [tilespmem:s0+$0x420];
	(xrf1) =	vsort.dscd.msk.f32 $0xffff, v1, v48;
	v4, v39, _ =	vpop (xrf1)  }
0x36d: {  	v52 =	vsel vm9, v60, v61;
	vm10 =	vge.f32 v55, v57;
	v1 =	vld [tilespmem:s0+$0x430];
	(xrf1) =	vsort.ascd.msk.f32 $0xffff, v49, v50;
	v44, v45, _ =	vpop (xrf1)  }
0x36e: {  	v56 =	vsel vm10, v55, v57;
	v57 =	vsel vm10, v62, v63;
	v42 =	vld [tilespmem:s0+$0x440];
	(xrf1) =	vsort.dscd.msk.f32 $0xffff, v51, v52;
	v53, _, _ =	vpop (xrf0)  }
0x36f: {  	v41 =	vld [tilespmem:s0+$0x450];
	v43, v46, _ =	vpop (xrf1);
	(xrf1) =	vsort.ascd.msk.f32 $0xffff, v56, v57;
	v54 =	vbroadcast v53, $0xF  }
0x370: {  	v58 =	vld [tilespmem:s0+$0x460];
	v59, v51, _ =	vpop (xrf1)  }
0x371: {  	v60 =	vld [tilespmem:s0+$0x470];
	v47, v48, _ =	vpop (xrf1);
	(xrf1) =	vsort.dscd.msk.f32 $0xffff, v3, v16;
	v38 =	vsub.f32 v40, v54  }
0x372: {  	vm12 =	vge.f32 v36, v4;
	v3, v61, _ =	vpop (xrf1);
	(xrf1) =	vsort.ascd.msk.f32 $0xffff, v1, v7  }
0x373: {  	vm11 =	vge.f32 v34, v0;
	v4 =	vsel vm12, v36, v4;
	v53, v63, _ =	vpop (xrf1);
	(xrf1) =	vsort.dscd.msk.f32 $0xffff, v42, v14;
	v62 =	vmul.f32 $1.442695020e+00, v38  }
0x374: {  	v56 =	vsel vm12, v37, v39;
	vm13 =	vge.f32 v44, v43;
	(xrf1) =	vsort.ascd.msk.f32 $0xffff, v41, v15;
	v55, v54, _ =	vpop (xrf1)  }
0x375: {  	v57 =	vsel vm13, v44, v43;
	vm14 =	vge.f32 v59, v47;
	(xrf1) =	vsort.dscd.msk.f32 $0xffff, v58, v5;
	(erf) = vpow2.f32 v62;
	v37, v39, _ =	vpop (xrf1)  }
0x376: {  	v59 =	vsel vm14, v59, v47;
	vm15 =	vge.f32 v3, v53;
	(xrf1) =	vsort.ascd.msk.f32 $0xffff, v60, v6;
	v43, v44, _ =	vpop (xrf1)  }
0x377: {  	v58 =	vsel vm13, v45, v46;
	v3 =	vsel vm15, v3, v53;
	(xrf1) =	vsort.dscd.msk.f32 $0xffff, v4, v56;
	v1, v4, _ =	vpop (xrf1)  }
0x378: {  	v60 =	vsel vm14, v51, v48;
	vm6 =	vge.f32 v55, v37;
	(xrf1) =	vsort.ascd.msk.f32 $0xffff, v57, v58;
	v40, v41, _ =	vpop (xrf1)  }
0x379: {  	v61 =	vsel vm15, v61, v63;
	v36 =	vsel vm6, v55, v37;
	(xrf1) =	vsort.dscd.msk.f32 $0xffff, v59, v60;
	v62, v63, _ =	vpop (xrf1)  }
0x37a: {  	v0 =	vsel vm11, v34, v0;
	(xrf1) =	vsort.ascd.msk.f32 $0xffff, v3, v61;
	v3, v34, _ =	vpop (xrf1)  }
0x37b: {  	v19 =	vsel vm11, v19, v35;
	v46 =	vsel vm6, v54, v39;
	vm7 =	vge.f32 v43, v1;
	v48, v47, _ =	vpop (xrf1)  }
0x37c: {  	v1 =	vsel vm7, v43, v1;
	(xrf1) =	vsort.dscd.msk.f32 $0xffff, v36, v46;
	vm8 =	vge.f32 v40, v62;
	v36, v37, _ =	vpop (xrf1)  }
0x37d: {  	v4 =	vsel vm7, v44, v4;
	(xrf1) =	vsort.dscd.msk.f32 $0xffff, v0, v19;
	v51 =	vsel vm8, v41, v63;
	v49, v50, _ =	vpop (xrf1)  }
0x37e: {  	(xrf1) =	vsort.dscd.msk.f32 $0xffff, v1, v4;
	v4 =	vsel vm8, v40, v62;
	vm9 =	vge.f32 v3, v48;
	v16 =	vpop (erf)  }
0x37f: {  	v52, v53, _ =	vpop (xrf1);
	(xrf1) =	vsort.ascd.msk.f32 $0xffff, v4, v51;
	v4 =	vsel vm9, v34, v47  }
0x380: {  	v3 =	vsel vm9, v3, v48;
	(xrf2) =	vadd.scan.msk.f32 $0xffff, v16  }
0x381: {  	vm12 =	vge.f32 v30, v33;
	vm10 =	vge.f32 v36, v49;
	v55, v54, _ =	vpop (xrf1)  }
0x382: {  	v58 =	vmul.f32 v2, v23;
	v60 =	vsel vm12, v29, v32;
	v0 =	vsel vm10, v36, v49;
	v56, v57, _ =	vpop (xrf1)  }
0x383: {  	v1 =	vsel vm10, v37, v50;
	(xrf1) =	vsort.dscd.msk.f32 $0xffff, v3, v4;
	vm14 =	vge.f32 v52, v55;
	v3, v4, _ =	vpop (xrf1)  }
0x384: {  	(xrf1) =	vsort.ascd.msk.f32 $0xffff, v0, v1;
	v62 =	vsel vm14, v52, v55;
	v63 =	vsel vm14, v53, v54;
	v23, v29, _ =	vpop (xrf1)  }
0x385: {  	v59 =	vsel vm12, v30, v33;
	(xrf1) =	vsort.ascd.msk.f32 $0xffff, v62, v63;
	vm15 =	vge.f32 v56, v3;
	v30, v61, _ =	vpop (xrf1)  }
0x386: {  	v3 =	vsel vm15, v56, v3;
	v4 =	vsel vm15, v57, v4;
	v40, v41, _ =	vpop (xrf1);
	vm5 =	vge.f32 v23, v30  }
0x387: {  	v33, v34, _ =	vpop (xrf1);
	(xrf1) =	vsort.dscd.msk.f32 $0xffff, v3, v4;
	v3 =	vsel vm5, v23, v30  }
0x388: {  	vm13 =	vge.f32 v28, v31  }
0x389: {  	v31 =	vsel vm13, v28, v31;
	v28 =	vsel vm5, v29, v61;
	(xrf1) =	vsort.ascd.msk.f32 $0xffff, v59, v60  }
0x38a: {  	v24 =	vsel vm13, v24, v27;
	(xrf1) =	vsort.ascd.msk.f32 $0xffff, v3, v28;
	v3, _, _ =	vpop (xrf2)  }
0x38b: {  	v4, v23, _ =	vpop (xrf1);
	vm6 =	vge.f32 v40, v33;
	v3 =	vbroadcast v3, $0xF  }
0x38c: {  	s1 =	simm.s32 $0x600;
	vm11 =	vge.f32 v21, v26;
	v1, v2, _ =	vpop (xrf1);
	v29 =	vsel vm6, v40, v33;
	v30 =	vsel vm6, v41, v34  }
0x38d: {  	s6 =	simm.s32 $0x380;
	v20 =	vsel vm11, v20, v25;
	s0 =	sand.u32 $0x7800, s1;
	vm7 =	vge.f32 v4, v1;
	(xrf1) =	vsort.dscd.msk.f32 $0xffff, v29, v30;
	v39, v28, _ =	vpop (xrf1)  }
0x38e: {  	s1 =	sand.u32 $0x380, s6;
	s0 =	sor.u32 $0x8000, s0;
	v2 =	vsel vm7, v23, v2;
	(xrf1) =	vsort.dscd.msk.f32 $0xffff, v31, v24;
	v23, v24, _ =	vpop (xrf1)  }
0x38f: {  	s19 =	simm.s32 $0x10080;
	s1 =	sor.u32 s1, s0;
	[tilespmem:$0x1FE00] =	vst v16;
	v1 =	vsel vm7, v4, v1;
	v42, v43, _ =	vpop (xrf1)  }
0x390: {  	s20 =	simm.s32 $0x14080;
	[tilespmem:s19+$0x0] =	vst v58;
	v27 =	vld [tilespmem:s1+$0x20];
	v4 =	vsel vm11, v21, v26;
	(xrf1) =	vsort.ascd.msk.f32 $0xffff, v1, v2;
	(erf) = vrcp.f32 v3;
	v44, v3, _ =	vpop (xrf1)  }
0x391: {  	[tilespmem:s20+$0x0] =	vst v18;
	v21 =	vld [tilespmem:s1+$0x10];
	(xrf1) =	vsort.ascd.msk.f32 $0xffff, v4, v20;
	v18, v20, _ =	vpop (xrf1)  }
0x392: {  	v4 =	vld [tilespmem:s1+$0x0];
	vm8 =	vge.f32 v42, v44;
	v25, v26, _ =	vpop (xrf1)  }
0x393: {  	v31 =	vld [tilespmem:$0x1FFD0];
	v0 =	vsel vm8, v42, v44;
	vm9 =	vge.f32 v18, v25  }
0x394: {  	v1 =	vsel vm8, v43, v3;
	v3 =	vsel vm9, v18, v25;
	v18 =	vsel vm9, v20, v26;
	v20 =	vld [tilespmem:$0x1FFE0]  }
0x395: {  	v45 =	vld [tilespmem:s1+$0x30];
	(xrf1) =	vsort.dscd.msk.f32 $0xffff, v0, v1  }
0x396: {  	v46 =	vld [tilespmem:s1+$0x40];
	v52 =	vlaneseq.u32;
	(xrf1) =	vsort.ascd.msk.f32 $0xffff, v3, v18  }
0x397: {  	v47 =	vld [tilespmem:s1+$0x50];
	(xrf1) =	vsort.dscd.msk.f32 $0xffff, v4, v52  }
0x398: {  	v53 =	vld [tilespmem:s1+$0x420];
	(xrf1) =	vsort.ascd.msk.f32 $0xffff, v21, v31  }
0x399: {  	v3 =	vld [tilespmem:s1+$0x60];
	(xrf1) =	vsort.dscd.msk.f32 $0xffff, v27, v20  }
0x39a: {  	v17, v25, _ =	vpop (xrf1);
	v18 =	vld [tilespmem:s1+$0x400];
	(xrf1) =	vsort.ascd.msk.f32 $0xffff, v45, v22  }
0x39b: {  	v34, v33, _ =	vpop (xrf1);
	v4 =	vld [tilespmem:s1+$0x70];
	(xrf1) =	vsort.dscd.msk.f32 $0xffff, v46, v8  }
0x39c: {  	v36, v26, _ =	vpop (xrf1);
	v21 =	vld [tilespmem:s1+$0x410];
	(xrf1) =	vsort.ascd.msk.f32 $0xffff, v47, v9  }
0x39d: {  	v1 =	vld [tilespmem:s1+$0x430];
	v38, v37, _ =	vpop (xrf1)  }
0x39e: {  	v19 =	vmov v22;
	v56 =	vld [tilespmem:$0x1FFC0];
	v30, v22, _ =	vpop (xrf1)  }
0x39f: {  	(xrf1) =	vsort.dscd.msk.f32 $0xffff, v3, v10;
	v3 =	vld [tilespmem:s1+$0x440];
	v16, v54, _ =	vpop (xrf1)  }
0x3a0: {  	(xrf1) =	vsort.ascd.msk.f32 $0xffff, v4, v11;
	v4 =	vld [tilespmem:s1+$0x450];
	[tilespmem:$0x1FDE0] =	vst v16  }
0x3a1: {  	(xrf1) =	vsort.dscd.msk.f32 $0xffff, v18, v12;
	[tilespmem:$0x1FDF0] =	vst v54  }
0x3a2: {  	(xrf1) =	vsort.ascd.msk.f32 $0xffff, v21, v13;
	v55 =	vld [tilespmem:s1+$0x460]  }
0x3a3: {  	s7 =	simm.s32 $0x300;
	v35, v32, _ =	vpop (xrf1);
	v21 =	vld [tilespmem:s1+$0x470];
	(xrf1) =	vsort.dscd.msk.f32 $0xffff, v53, v56  }
0x3a4: {  	s10 =	sand.u32 $0x300, s7;
	v29, v27, _ =	vpop (xrf1);
	(xrf1) =	vsort.ascd.msk.f32 $0xffff, v1, v7  }
0x3a5: {  	s0 =	sor.u32 s10, s0;
	v57, v58, _ =	vpop (xrf1);
	(xrf1) =	vsort.dscd.msk.f32 $0xffff, v3, v14  }
0x3a6: {  	v3 =	vld [tilespmem:s0+$0x0];
	(xrf1) =	vsort.ascd.msk.f32 $0xffff, v4, v15;
	v4, v59, _ =	vpop (xrf1)  }
0x3a7: {  	v60 =	vld [tilespmem:s0+$0x10];
	v43, v44, _ =	vpop (xrf1);
	(xrf1) =	vsort.dscd.msk.f32 $0xffff, v55, v5;
	vm10 =	vge.f32 v57, v4  }
0x3a8: {  	v61 =	vld [tilespmem:s0+$0x20];
	v45, v46, _ =	vpop (xrf1);
	(xrf1) =	vsort.ascd.msk.f32 $0xffff, v21, v6;
	v0 =	vsel vm10, v57, v4;
	v1 =	vsel vm10, v58, v59  }
0x3a9: {  	v4 =	vld [tilespmem:s0+$0x30];
	v41, v47, _ =	vpop (xrf1);
	(xrf1) =	vsort.dscd.msk.f32 $0xffff, v0, v1  }
0x3aa: {  	v62 =	vld [tilespmem:s0+$0x40];
	v2, v48, _ =	vpop (xrf1)  }
0x3ab: {  	v21 =	vld [tilespmem:s0+$0x50];
	(xrf1) =	vsort.dscd.msk.f32 $0xffff, v3, v52;
	v3, v49, _ =	vpop (xrf1)  }
0x3ac: {  	v63 =	vld [tilespmem:s0+$0x60];
	(xrf1) =	vsort.ascd.msk.f32 $0xffff, v60, v31;
	v42, v51, _ =	vpop (xrf1)  }
0x3ad: {  	v52 =	vld [tilespmem:s0+$0x70];
	(xrf1) =	vsort.dscd.msk.f32 $0xffff, v61, v20;
	v40, v53, _ =	vpop (xrf1)  }
0x3ae: {  	v54 =	vld [tilespmem:s0+$0x400];
	(xrf1) =	vsort.ascd.msk.f32 $0xffff, v4, v19;
	v4, v55, _ =	vpop (xrf1)  }
0x3af: {  	v56 =	vld [tilespmem:s0+$0x410];
	(xrf1) =	vsort.dscd.msk.f32 $0xffff, v62, v8;
	v0, v57, _ =	vpop (xrf1)  }
0x3b0: {  	(xrf1) =	vsort.ascd.msk.f32 $0xffff, v21, v9;
	v58, v59, _ =	vpop (xrf1)  }
0x3b1: {  	(xrf1) =	vsort.dscd.msk.f32 $0xffff, v63, v10;
	v50, v60, _ =	vpop (xrf1)  }
0x3b2: {  	(xrf1) =	vsort.ascd.msk.f32 $0xffff, v52, v11;
	v52, v61, _ =	vpop (xrf1)  }
0x3b3: {  	vm11 =	vge.f32 v43, v45;
	(xrf1) =	vsort.dscd.msk.f32 $0xffff, v54, v12;
	v54, v62, _ =	vpop (xrf1)  }
0x3b4: {  	v21 =	vsel vm11, v43, v45;
	v43 =	vsel vm11, v44, v46;
	(xrf1) =	vsort.ascd.msk.f32 $0xffff, v56, v13;
	v56, v63, _ =	vpop (xrf1)  }
0x3b5: {  	vm12 =	vge.f32 v41, v2;
	vm13 =	vge.f32 v3, v42;
	v1, v16, _ =	vpop (xrf1)  }
0x3b6: {  	v2 =	vsel vm12, v41, v2;
	v47 =	vsel vm12, v47, v48;
	v3 =	vsel vm13, v3, v42;
	v44, v45, _ =	vpop (xrf1)  }
0x3b7: {  	v48 =	vsel vm13, v49, v51;
	vm14 =	vge.f32 v40, v4;
	(xrf1) =	vsort.dscd.msk.f32 $0xffff, v21, v43;
	v43, v18, _ =	vpop (xrf1)  }
0x3b8: {  	v49 =	vsel vm14, v40, v4;
	v4 =	vsel vm14, v53, v55;
	vm15 =	vge.f32 v0, v58;
	(xrf0) =	vmax.scan.msk.f32 $0xffff, v43  }
0x3b9: {  	v51 =	vsel vm15, v57, v59;
	vm8 =	vge.f32 v50, v52;
	(xrf1) =	vsort.ascd.msk.f32 $0xffff, v2, v47  }
0x3ba: {  	v0 =	vsel vm15, v0, v58;
	v53 =	vsel vm8, v50, v52;
	(xrf1) =	vsort.dscd.msk.f32 $0xffff, v3, v48;
	v3, v40, _ =	vpop (xrf1)  }
0x3bb: {  	v55 =	vsel vm8, v60, v61;
	vm9 =	vge.f32 v54, v56;
	[tilespmem:$0x1FE30] =	vst v18;
	(xrf1) =	vsort.ascd.msk.f32 $0xffff, v49, v4;
	v18 =	vld [tilespmem:$0x1FFC0];
	v4, v42, _ =	vpop (xrf1)  }
0x3bc: {  	v58 =	vsel vm9, v54, v56;
	vm10 =	vge.f32 v1, v44;
	v2 =	vld [tilespmem:s0+$0x420];
	(xrf1) =	vsort.dscd.msk.f32 $0xffff, v0, v51;
	v41, v48, _ =	vpop (xrf1)  }
0x3bd: {  	v59 =	vsel vm9, v62, v63;
	v16 =	vsel vm10, v16, v45;
	v57 =	vld [tilespmem:s0+$0x430];
	(xrf1) =	vsort.ascd.msk.f32 $0xffff, v53, v55;
	v47, v51, _ =	vpop (xrf1)  }
0x3be: {  	v60 =	vld [tilespmem:s0+$0x440];
	(xrf1) =	vsort.dscd.msk.f32 $0xffff, v58, v59;
	v62, _, _ =	vpop (xrf0)  }
0x3bf: {  	v1 =	vsel vm10, v1, v44;
	v61 =	vld [tilespmem:s0+$0x450];
	v45 =	vbroadcast v62, $0xF  }
0x3c0: {  	v63 =	vld [tilespmem:s0+$0x460];
	(xrf1) =	vsort.ascd.msk.f32 $0xffff, v1, v16;
	v16, v49, _ =	vpop (xrf1)  }
0x3c1: {  	v50 =	vld [tilespmem:s0+$0x470];
	vm12 =	vge.f32 v3, v4;
	v52, v53, _ =	vpop (xrf1);
	(xrf1) =	vsort.dscd.msk.f32 $0xffff, v2, v18;
	v43 =	vsub.f32 v43, v45  }
0x3c2: {  	vm11 =	vge.f32 v39, v17;
	v3 =	vsel vm12, v3, v4;
	v2, v54, _ =	vpop (xrf1);
	(xrf1) =	vsort.ascd.msk.f32 $0xffff, v57, v7  }
0x3c3: {  	v40 =	vsel vm12, v40, v42;
	v57 =	vsel vm11, v39, v17;
	v17, v39, _ =	vpop (xrf1);
	(xrf1) =	vsort.dscd.msk.f32 $0xffff, v60, v14;
	v43 =	vmul.f32 $1.442695020e+00, v43  }
0x3c4: {  	vm13 =	vge.f32 v41, v47;
	vm14 =	vge.f32 v16, v52;
	v4, v58, _ =	vpop (xrf1);
	(xrf1) =	vsort.ascd.msk.f32 $0xffff, v61, v15  }
0x3c5: {  	v16 =	vsel vm14, v16, v52;
	vm15 =	vge.f32 v2, v17;
	v60, v59, _ =	vpop (xrf1);
	(xrf1) =	vsort.dscd.msk.f32 $0xffff, v63, v5  }
0x3c6: {  	v2 =	vsel vm15, v2, v17;
	v17 =	vsel vm15, v54, v39;
	v63, v62, _ =	vpop (xrf1);
	(xrf1) =	vsort.ascd.msk.f32 $0xffff, v50, v6  }
0x3c7: {  	v51 =	vsel vm13, v48, v51;
	v61 =	vsel vm13, v41, v47;
	(xrf1) =	vsort.dscd.msk.f32 $0xffff, v3, v40;
	v3, v40, _ =	vpop (xrf1)  }
0x3c8: {  	v53 =	vsel vm14, v49, v53;
	vm6 =	vge.f32 v4, v60;
	(erf) = vpow2.f32 v43;
	(xrf1) =	vsort.ascd.msk.f32 $0xffff, v61, v51;
	v1, v43, _ =	vpop (xrf1)  }
0x3c9: {  	v4 =	vsel vm6, v4, v60;
	vm7 =	vge.f32 v63, v3;
	(xrf1) =	vsort.dscd.msk.f32 $0xffff, v16, v53;
	v16, v54, _ =	vpop (xrf1)  }
0x3ca: {  	v55 =	vsel vm6, v58, v59;
	v3 =	vsel vm7, v63, v3;
	(xrf1) =	vsort.ascd.msk.f32 $0xffff, v2, v17;
	v2, v17, _ =	vpop (xrf1)  }
0x3cb: {  	v25 =	vsel vm11, v28, v25;
	v44, v45, _ =	vpop (xrf1);
	(xrf1) =	vsort.dscd.msk.f32 $0xffff, v4, v55  }
0x3cc: {  	v28 =	vsel vm7, v62, v40;
	v4, v42, _ =	vpop (xrf1);
	(xrf1) =	vsort.dscd.msk.f32 $0xffff, v57, v25  }
0x3cd: {  	vm8 =	vge.f32 v1, v16;
	(xrf1) =	vsort.dscd.msk.f32 $0xffff, v3, v28;
	v3 =	vpop (erf)  }
0x3ce: {  	vm9 =	vge.f32 v2, v44;
	v57, v56, _ =	vpop (xrf1);
	[tilespmem:$0x1FE10] =	vst v3;
	v3 =	vsel vm8, v43, v54  }
0x3cf: {  	v1 =	vsel vm8, v1, v16;
	v16 =	vsel vm9, v17, v45;
	vm10 =	vge.f32 v4, v57  }
0x3d0: {  	v2 =	vsel vm9, v2, v44;
	v0 =	vsel vm10, v4, v57;
	v4 =	vsel vm10, v42, v56;
	_ =	sdelay $0x1  }
0x3d1: {  	(xrf1) =	vsort.ascd.msk.f32 $0xffff, v1, v3;
	v1, v3, _ =	vpop (xrf1)  }
0x3d2: {  	(xrf1) =	vsort.dscd.msk.f32 $0xffff, v2, v16;
	v2, v16, _ =	vpop (xrf1)  }
0x3d3: {  	vm12 =	vge.f32 v34, v38;
	(xrf1) =	vsort.ascd.msk.f32 $0xffff, v0, v4;
	v0, v4, _ =	vpop (xrf1)  }
0x3d4: {  	v33 =	vsel vm12, v33, v37;
	v17, v58, _ =	vpop (xrf1)  }
0x3d5: {  	vm11 =	vge.f32 v23, v36;
	vm13 =	vge.f32 v30, v35;
	vm14 =	vge.f32 v1, v2;
	v59, v60, _ =	vpop (xrf1)  }
0x3d6: {  	v1 =	vsel vm14, v1, v2;
	v63 =	vsel vm14, v3, v16;
	vm15 =	vge.f32 v0, v17;
	v62, v61, _ =	vpop (xrf1)  }
0x3d7: {  	v0 =	vsel vm15, v0, v17;
	v4 =	vsel vm15, v4, v58;
	vm4 =	vge.f32 v59, v62  }
0x3d8: {  	v17 =	vsel vm13, v30, v35;
	v3, v16, _ =	vpop (xrf1);
	(xrf1) =	vsort.ascd.msk.f32 $0xffff, v1, v63;
	v30 =	vsel vm4, v60, v61  }
0x3d9: {  	v36 =	vsel vm11, v23, v36;
	v23 =	vsel vm12, v34, v38;
	v1, v2, _ =	vpop (xrf1);
	(xrf1) =	vsort.dscd.msk.f32 $0xffff, v0, v4  }
0x3da: {  	v38 =	vsel vm4, v59, v62;
	v4, v39, _ =	vpop (xrf1);
	(xrf1) =	vsort.ascd.msk.f32 $0xffff, v23, v33;
	vm5 =	vge.f32 v3, v1  }
0x3db: {  	v41, v40, _ =	vpop (xrf1);
	v1 =	vsel vm5, v3, v1;
	v2 =	vsel vm5, v16, v2;
	(xrf1) =	vsort.ascd.msk.f32 $0xffff, v38, v30  }
0x3dc: {  	v46 =	vsel vm13, v22, v32;
	v16 =	vld [tilespmem:$0x1FDC0];
	v44, v30, _ =	vpop (xrf1);
	(xrf1) =	vsort.dscd.msk.f32 $0xffff, v1, v2  }
0x3dd: {  	(xrf1) =	vsort.dscd.msk.f32 $0xffff, v17, v46;
	v17 =	vld [tilespmem:$0x1FDD0];
	_ =	sdelay $0x2  }
0x3de: {  	s21 =	simm.s32 $0x800  }
0x3df: {  	s22 =	simm.s32 $0x480;
	s0 =	sand.u32 $0x7800, s21;
	vm6 =	vge.f32 v4, v41;
	v32, v23, _ =	vpop (xrf1);
	vm7 =	vge.f32 v16, v29  }
0x3e0: {  	s1 =	sand.u32 $0x380, s22;
	s0 =	sor.u32 $0x8000, s0;
	v47 =	vsel vm6, v4, v41;
	v48 =	vsel vm6, v39, v40;
	v49, v3, _ =	vpop (xrf1);
	v17 =	vsel vm7, v17, v27  }
0x3e1: {  	s1 =	sor.u32 s1, s0;
	v4 =	vsel vm11, v24, v26;
	(xrf1) =	vsort.ascd.msk.f32 $0xffff, v47, v48;
	v1, v2, _ =	vpop (xrf1)  }
0x3e2: {  	(xrf1) =	vsort.ascd.msk.f32 $0xffff, v36, v4;
	v4 =	vld [tilespmem:s1+$0x0];
	v16 =	vsel vm7, v16, v29;
	v22, v24, _ =	vpop (xrf1)  }
0x3e3: {  	vm8 =	vge.f32 v49, v1;
	(xrf1) =	vsort.dscd.msk.f32 $0xffff, v16, v17;
	v16 =	vld [tilespmem:s1+$0x10];
	v17, v26, _ =	vpop (xrf1)  }
0x3e4: {  	v0 =	vsel vm8, v49, v1;
	v50 =	vsel vm8, v3, v2;
	v27 =	vld [tilespmem:s1+$0x20];
	vm9 =	vge.f32 v22, v17  }
0x3e5: {  	v51 =	vld [tilespmem:s1+$0x30];
	(xrf1) =	vsort.dscd.msk.f32 $0xffff, v0, v50;
	v3 =	vsel vm9, v22, v17;
	v17 =	vsel vm9, v24, v26  }
0x3e6: {  	v18 =	vlaneseq.u32;
	v52 =	vld [tilespmem:s1+$0x40];
	(xrf1) =	vsort.ascd.msk.f32 $0xffff, v3, v17  }
0x3e7: {  	v53 =	vld [tilespmem:s1+$0x50];
	(xrf1) =	vsort.dscd.msk.f32 $0xffff, v4, v18  }
0x3e8: {  	v3 =	vld [tilespmem:s1+$0x60];
	(xrf1) =	vsort.ascd.msk.f32 $0xffff, v16, v31  }
0x3e9: {  	v4 =	vld [tilespmem:s1+$0x70];
	(xrf1) =	vsort.dscd.msk.f32 $0xffff, v27, v20  }
0x3ea: {  	v24 =	vmov v31;
	v45, v31, _ =	vpop (xrf1);
	v16 =	vld [tilespmem:s1+$0x400];
	(xrf1) =	vsort.ascd.msk.f32 $0xffff, v51, v19  }
0x3eb: {  	v40, v38, _ =	vpop (xrf1);
	(xrf1) =	vsort.dscd.msk.f32 $0xffff, v52, v8  }
0x3ec: {  	v54 =	vld [tilespmem:s1+$0x410];
	v41, v22, _ =	vpop (xrf1);
	(xrf1) =	vsort.ascd.msk.f32 $0xffff, v53, v9  }
0x3ed: {  	v55 =	vld [tilespmem:s1+$0x420];
	v43, v42, _ =	vpop (xrf1);
	(xrf1) =	vsort.dscd.msk.f32 $0xffff, v3, v10  }
0x3ee: {  	v56 =	vld [tilespmem:s1+$0x430];
	v37, v35, _ =	vpop (xrf1);
	(xrf1) =	vsort.ascd.msk.f32 $0xffff, v4, v11  }
0x3ef: {  	v17, v4, _ =	vpop (xrf1);
	(xrf1) =	vsort.dscd.msk.f32 $0xffff, v16, v12;
	v16 =	vld [tilespmem:$0x1FFC0]  }
0x3f0: {  	v3 =	vld [tilespmem:s1+$0x440];
	[tilespmem:$0x1FE40] =	vst v17  }
0x3f1: {  	[tilespmem:$0x1FE60] =	vst v4  }
0x3f2: {  	v28 =	vpop (erf);
	v4 =	vld [tilespmem:s1+$0x450]  }
0x3f3: {  	s23 =	simm.s32 $0x400;
	v39, v36, _ =	vpop (xrf1);
	v17 =	vld [tilespmem:s1+$0x460];
	(xrf1) =	vsort.ascd.msk.f32 $0xffff, v54, v13  }
0x3f4: {  	s10 =	sand.u32 $0x300, s23;
	v34, v33, _ =	vpop (xrf1);
	v57 =	vld [tilespmem:s1+$0x470];
	(xrf1) =	vsort.dscd.msk.f32 $0xffff, v55, v16;
	v16 =	vmov v7  }
0x3f5: {  	s0 =	sor.u32 s10, s0;
	v7 =	vmov v6;
	v6 =	vmov v5;
	v27, v5, _ =	vpop (xrf1);
	(xrf1) =	vsort.ascd.msk.f32 $0xffff, v56, v16  }
0x3f6: {  	v58 =	vld [tilespmem:s0+$0x0];
	(xrf1) =	vsort.dscd.msk.f32 $0xffff, v3, v14;
	v59, v3, _ =	vpop (xrf1)  }
0x3f7: {  	v29 =	vld [tilespmem:s0+$0x10];
	(xrf1) =	vsort.ascd.msk.f32 $0xffff, v4, v15;
	v4, v60, _ =	vpop (xrf1)  }
0x3f8: {  	v61 =	vld [tilespmem:s0+$0x20];
	v48, v49, _ =	vpop (xrf1);
	(xrf1) =	vsort.dscd.msk.f32 $0xffff, v17, v6;
	vm10 =	vge.f32 v59, v4  }
0x3f9: {  	v17 =	vld [tilespmem:s0+$0x30];
	v50, v51, _ =	vpop (xrf1);
	(xrf1) =	vsort.ascd.msk.f32 $0xffff, v57, v7;
	v1 =	vsel vm10, v59, v4;
	v62 =	vsel vm10, v3, v60  }
0x3fa: {  	v3 =	vld [tilespmem:s0+$0x40];
	v4, v46, _ =	vpop (xrf1);
	(xrf1) =	vsort.dscd.msk.f32 $0xffff, v1, v62  }
0x3fb: {  	(xrf1) =	vsort.dscd.msk.f32 $0xffff, v58, v18;
	v0, v2, _ =	vpop (xrf1)  }
0x3fc: {  	v63 =	vld [tilespmem:s0+$0x50];
	(xrf1) =	vsort.ascd.msk.f32 $0xffff, v29, v24;
	v53, v54, _ =	vpop (xrf1)  }
0x3fd: {  	v52 =	vld [tilespmem:s0+$0x60];
	(xrf1) =	vsort.dscd.msk.f32 $0xffff, v61, v20;
	v47, v55, _ =	vpop (xrf1)  }
0x3fe: {  	v29 =	vld [tilespmem:s0+$0x70];
	(xrf1) =	vsort.ascd.msk.f32 $0xffff, v17, v19;
	v17, v57, _ =	vpop (xrf1)  }
0x3ff: {  	v56 =	vld [tilespmem:s0+$0x400];
	(xrf1) =	vsort.dscd.msk.f32 $0xffff, v3, v8;
	v3, v59, _ =	vpop (xrf1)  }
0x400: {  	(xrf2) =	vadd.scan.msk.f32 $0xffff, v28;
	v58 =	vld [tilespmem:s0+$0x410];
	v1, v60, _ =	vpop (xrf1)  }
0x401: {  	vm11 =	vge.f32 v48, v50;
	(xrf1) =	vsort.ascd.msk.f32 $0xffff, v63, v9;
	v61, v62, _ =	vpop (xrf1)  }
0x402: {  	v49 =	vsel vm11, v49, v51;
	(xrf1) =	vsort.dscd.msk.f32 $0xffff, v52, v10;
	v52, v63, _ =	vpop (xrf1)  }
0x403: {  	v48 =	vsel vm11, v48, v50;
	vm12 =	vge.f32 v4, v0;
	(xrf1) =	vsort.ascd.msk.f32 $0xffff, v29, v11;
	v29, v18, _ =	vpop (xrf1)  }
0x404: {  	v26 =	vmov v20;
	v0 =	vsel vm12, v4, v0;
	(xrf1) =	vsort.dscd.msk.f32 $0xffff, v56, v12;
	v56, v20, _ =	vpop (xrf1)  }
0x405: {  	v25 =	vmov v19;
	v2 =	vsel vm12, v46, v2;
	vm13 =	vge.f32 v53, v47;
	(xrf1) =	vsort.ascd.msk.f32 $0xffff, v58, v13;
	v58, v19, _ =	vpop (xrf1)  }
0x406: {  	v47 =	vsel vm13, v53, v47;
	(xrf1) =	vsort.dscd.msk.f32 $0xffff, v48, v49;
	v48, v49, _ =	vpop (xrf1)  }
0x407: {  	v55 =	vsel vm13, v54, v55;
	vm14 =	vge.f32 v17, v3;
	(xrf1) =	vsort.ascd.msk.f32 $0xffff, v0, v2;
	v4, v46, _ =	vpop (xrf1)  }
0x408: {  	v3 =	vsel vm14, v17, v3;
	v17 =	vsel vm14, v57, v59;
	(xrf1) =	vsort.dscd.msk.f32 $0xffff, v47, v55;
	v2, v0, _ =	vpop (xrf1)  }
0x409: {  	vm15 =	vge.f32 v1, v61;
	vm8 =	vge.f32 v52, v29;
	(xrf1) =	vsort.ascd.msk.f32 $0xffff, v3, v17;
	[tilespmem:$0x1FE50] =	vst v0  }
0x40a: {  	v1 =	vsel vm15, v1, v61;
	v62 =	vsel vm15, v60, v62;
	v29 =	vsel vm8, v52, v29;
	(xrf0) =	vmax.scan.msk.f32 $0xffff, v2;
	v47, v50, _ =	vpop (xrf1);
	v3 =	vld [tilespmem:s0+$0x420]  }
0x40b: {  	vm10 =	vge.f32 v48, v4;
	v17, v54, _ =	vpop (xrf1);
	(xrf1) =	vsort.dscd.msk.f32 $0xffff, v1, v62;
	v62 =	vld [tilespmem:$0x1FFC0]  }
0x40c: {  	v51, _, _ =	vpop (xrf2);
	v18 =	vsel vm8, v63, v18;
	vm9 =	vge.f32 v56, v58;
	v46 =	vsel vm10, v49, v46;
	v63 =	vld [tilespmem:s0+$0x430]  }
0x40d: {  	v60 =	vsel vm9, v56, v58;
	v19 =	vsel vm9, v20, v19;
	v52, v53, _ =	vpop (xrf1);
	(xrf1) =	vsort.ascd.msk.f32 $0xffff, v29, v18  }
0x40e: {  	v4 =	vsel vm10, v48, v4;
	v18 =	vld [tilespmem:s0+$0x440];
	v20, v29, _ =	vpop (xrf1);
	(xrf1) =	vsort.dscd.msk.f32 $0xffff, v60, v19  }
0x40f: {  	v19 =	vld [tilespmem:s0+$0x450];
	(xrf1) =	vsort.ascd.msk.f32 $0xffff, v4, v46;
	v46, v49, _ =	vpop (xrf1)  }
0x410: {  	v4 =	vld [tilespmem:s0+$0x460];
	v61, _, _ =	vpop (xrf0);
	(xrf1) =	vsort.dscd.msk.f32 $0xffff, v3, v62  }
0x411: {  	v56, v57, _ =	vpop (xrf1);
	v48 =	vbroadcast v61, $0xF;
	(xrf1) =	vsort.ascd.msk.f32 $0xffff, v63, v16;
	v63 =	vbroadcast v51, $0xF  }
0x412: {  	v55 =	vld [tilespmem:s0+$0x470];
	vm12 =	vge.f32 v47, v17  }
0x413: {  	v17 =	vsel vm12, v47, v17;
	v3, v58, _ =	vpop (xrf1);
	(xrf1) =	vsort.dscd.msk.f32 $0xffff, v18, v14;
	v2 =	vsub.f32 v2, v48  }
0x414: {  	vm13 =	vge.f32 v52, v20;
	v62 =	vsel vm12, v50, v54;
	v60, v59, _ =	vpop (xrf1);
	(xrf1) =	vsort.ascd.msk.f32 $0xffff, v19, v15  }
0x415: {  	vm14 =	vge.f32 v46, v56;
	v18, v61, _ =	vpop (xrf1);
	(xrf1) =	vsort.dscd.msk.f32 $0xffff, v4, v6;
	v4 =	vsel vm13, v52, v20;
	v2 =	vmul.f32 $1.442695020e+00, v2  }
0x416: {  	v57 =	vsel vm14, v49, v57;
	vm15 =	vge.f32 v3, v60;
	(erf) = vrcp.f32 v63;
	v19, v63, _ =	vpop (xrf1)  }
0x417: {  	(xrf1) =	vsort.ascd.msk.f32 $0xffff, v55, v7;
	v55 =	vsel vm13, v53, v29;
	v29 =	vsel vm14, v46, v56;
	v20, v54, _ =	vpop (xrf1)  }
0x418: {  	v3 =	vsel vm15, v3, v60;
	(xrf1) =	vsort.dscd.msk.f32 $0xffff, v17, v62;
	vm6 =	vge.f32 v18, v19;
	v1, v17, _ =	vpop (xrf1)  }
0x419: {  	(erf) = vpow2.f32 v2;
	(xrf1) =	vsort.ascd.msk.f32 $0xffff, v4, v55;
	v18 =	vsel vm6, v18, v19;
	v19 =	vsel vm6, v61, v63;
	v2, v4, _ =	vpop (xrf1)  }
0x41a: {  	vm11 =	vge.f32 v44, v45;
	v58 =	vsel vm15, v58, v59;
	(xrf1) =	vsort.dscd.msk.f32 $0xffff, v29, v57;
	v29, v46, _ =	vpop (xrf1)  }
0x41b: {  	v44 =	vsel vm11, v44, v45;
	vm7 =	vge.f32 v20, v1;
	(xrf1) =	vsort.ascd.msk.f32 $0xffff, v3, v58;
	v3, v45, _ =	vpop (xrf1)  }
0x41c: {  	v30 =	vsel vm11, v30, v31;
	v1 =	vsel vm7, v20, v1;
	(xrf1) =	vsort.dscd.msk.f32 $0xffff, v18, v19;
	v60, v59, _ =	vpop (xrf1)  }
0x41d: {  	v17 =	vsel vm7, v54, v17;
	vm8 =	vge.f32 v2, v29;
	(xrf1) =	vsort.dscd.msk.f32 $0xffff, v44, v30;
	v18, v19, _ =	vpop (xrf1)  }
0x41e: {  	v62 =	vsel vm8, v2, v29;
	v63 =	vsel vm8, v4, v46;
	vm9 =	vge.f32 v3, v60;
	v20, v61, _ =	vpop (xrf1)  }
0x41f: {  	(xrf1) =	vsort.dscd.msk.f32 $0xffff, v1, v17;
	v4 =	vsel vm9, v45, v59;
	vm10 =	vge.f32 v18, v20  }
0x420: {  	v30 =	vpop (erf);
	v3 =	vsel vm9, v3, v60;
	v17 =	vsel vm10, v18, v20;
	v18 =	vsel vm10, v19, v61  }
0x421: {  	(xrf1) =	vsort.ascd.msk.f32 $0xffff, v62, v63;
	v1, v2, _ =	vpop (xrf1)  }
0x422: {  	(xrf1) =	vsort.dscd.msk.f32 $0xffff, v3, v4;
	v31 =	vpop (erf)  }
0x423: {  	v3, v4, _ =	vpop (xrf1);
	(xrf1) =	vsort.ascd.msk.f32 $0xffff, v17, v18  }
0x424: {  	vm14 =	vge.f32 v1, v3;
	v17, v18, _ =	vpop (xrf1)  }
0x425: {  	vm11 =	vge.f32 v32, v41;
	vm12 =	vge.f32 v40, v43;
	v2 =	vsel vm14, v2, v4;
	v19, v20, _ =	vpop (xrf1)  }
0x426: {  	v38 =	vsel vm12, v38, v42;
	v1 =	vsel vm14, v1, v3;
	v47, v46, _ =	vpop (xrf1);
	vm15 =	vge.f32 v17, v19  }
0x427: {  	vm13 =	vge.f32 v37, v39;
	v29 =	vsel vm11, v32, v41;
	v49, v48, _ =	vpop (xrf1);
	v18 =	vsel vm15, v18, v20  }
0x428: {  	v55 =	vld [tilespmem:$0x1FDE0];
	v3 =	vsel vm15, v17, v19;
	(xrf1) =	vsort.ascd.msk.f32 $0xffff, v1, v2;
	v4, v17, _ =	vpop (xrf1);
	vm6 =	vge.f32 v47, v49  }
0x429: {  	v56 =	vld [tilespmem:$0x1FDF0];
	v45 =	vsel vm12, v40, v43;
	v1, v2, _ =	vpop (xrf1);
	(xrf1) =	vsort.dscd.msk.f32 $0xffff, v3, v18;
	v3 =	vsel vm6, v47, v49  }
0x42a: {  	v50 =	vsel vm6, v46, v48;
	v18, v20, _ =	vpop (xrf1);
	(xrf1) =	vsort.ascd.msk.f32 $0xffff, v45, v38;
	vm7 =	vge.f32 v4, v1  }
0x42b: {  	s24 =	simm.s32 $0xA00;
	v51, v52, _ =	vpop (xrf1);
	v2 =	vsel vm7, v17, v2;
	(xrf1) =	vsort.ascd.msk.f32 $0xffff, v3, v50;
	v3 =	vsel vm13, v35, v36  }
0x42c: {  	s21 =	simm.s32 $0x580;
	s0 =	sand.u32 $0x7800, s24;
	(xrf0) =	vmax.scan.msk.f32 $0xffff, v27;
	v19 =	vsel vm13, v37, v39;
	v1 =	vsel vm7, v4, v1;
	v39, v38, _ =	vpop (xrf1);
	vm8 =	vge.f32 v18, v51  }
0x42d: {  	s25 =	sand.u32 $0x380, s21;
	s0 =	sor.u32 $0x8000, s0;
	vm9 =	vge.f32 v55, v34;
	(xrf1) =	vsort.dscd.msk.f32 $0xffff, v1, v2;
	v37, v32, _ =	vpop (xrf1);
	v53 =	vsel vm8, v18, v51  }
0x42e: {  	s1 =	sor.u32 s25, s0;
	v54 =	vsel vm8, v20, v52;
	(xrf1) =	vsort.dscd.msk.f32 $0xffff, v19, v3;
	v19 =	vsel vm9, v56, v33;
	v3, v4, _ =	vpop (xrf1)  }
0x42f: {  	v57 =	vld [tilespmem:s1+$0x40];
	v17 =	vsel vm11, v23, v22;
	(xrf1) =	vsort.ascd.msk.f32 $0xffff, v53, v54;
	v1, v2, _ =	vpop (xrf1)  }
0x430: {  	v18 =	vsel vm9, v55, v34;
	(xrf1) =	vsort.ascd.msk.f32 $0xffff, v29, v17;
	v17 =	vld [tilespmem:s1+$0x0];
	v20, v22, _ =	vpop (xrf1)  }
0x431: {  	(xrf1) =	vsort.dscd.msk.f32 $0xffff, v18, v19;
	v18 =	vld [tilespmem:s1+$0x10];
	vm10 =	vge.f32 v3, v1;
	v19, v23, _ =	vpop (xrf1)  }
0x432: {  	(xrf2) =	vadd.scan.msk.f32 $0xffff, v31;
	v29 =	vld [tilespmem:s1+$0x20];
	v1 =	vsel vm10, v3, v1;
	v2 =	vsel vm10, v4, v2;
	vm11 =	vge.f32 v20, v19  }
0x433: {  	v3 =	vld [tilespmem:s1+$0x30];
	(xrf1) =	vsort.dscd.msk.f32 $0xffff, v1, v2;
	v4 =	vsel vm11, v20, v19;
	v19 =	vsel vm11, v22, v23  }
0x434: {  	v21 =	vlaneseq.u32;
	v58 =	vld [tilespmem:s1+$0x50];
	(xrf1) =	vsort.ascd.msk.f32 $0xffff, v4, v19  }
0x435: {  	v59 =	vld [tilespmem:s1+$0x420];
	(xrf1) =	vsort.dscd.msk.f32 $0xffff, v17, v21  }
0x436: {  	v17 =	vld [tilespmem:s1+$0x60];
	(xrf1) =	vsort.ascd.msk.f32 $0xffff, v18, v24  }
0x437: {  	v50, v49, _ =	vpop (xrf1);
	v18 =	vld [tilespmem:s1+$0x70];
	(xrf1) =	vsort.dscd.msk.f32 $0xffff, v29, v26  }
0x438: {  	v20 =	vld [tilespmem:s1+$0x400];
	v4, _, _ =	vpop (xrf0);
	(xrf1) =	vsort.ascd.msk.f32 $0xffff, v3, v25  }
0x439: {  	v43, v40, _ =	vpop (xrf1);
	v3 =	vld [tilespmem:s1+$0x410];
	(xrf1) =	vsort.dscd.msk.f32 $0xffff, v57, v8  }
0x43a: {  	v61 =	vld [tilespmem:$0x1FFC0];
	v48, v47, _ =	vpop (xrf1);
	(xrf1) =	vsort.ascd.msk.f32 $0xffff, v58, v9  }
0x43b: {  	v60 =	vld [tilespmem:s1+$0x430];
	v46, v41, _ =	vpop (xrf1);
	(xrf1) =	vsort.dscd.msk.f32 $0xffff, v17, v10  }
0x43c: {  	v42, v34, _ =	vpop (xrf1);
	v17 =	vld [tilespmem:s1+$0x440];
	(xrf1) =	vsort.ascd.msk.f32 $0xffff, v18, v11  }
0x43d: {  	v29 =	vld [tilespmem:s1+$0x450];
	v22, v23, _ =	vpop (xrf1);
	(xrf1) =	vsort.dscd.msk.f32 $0xffff, v20, v12  }
0x43e: {  	s26 =	simm.s32 $0x500;
	v44, v36, _ =	vpop (xrf1);
	v20 =	vld [tilespmem:s1+$0x460];
	(xrf1) =	vsort.ascd.msk.f32 $0xffff, v3, v13  }
0x43f: {  	s10 =	sand.u32 $0x300, s26;
	v35, v33, _ =	vpop (xrf1);
	v3 =	vld [tilespmem:s1+$0x470];
	(xrf1) =	vsort.dscd.msk.f32 $0xffff, v59, v61  }
0x440: {  	s0 =	sor.u32 s10, s0;
	v45, v18, _ =	vpop (xrf1);
	(xrf1) =	vsort.ascd.msk.f32 $0xffff, v60, v16  }
0x441: {  	v1 =	vld [tilespmem:s0+$0x0];
	(xrf1) =	vsort.dscd.msk.f32 $0xffff, v17, v14;
	v62, v17, _ =	vpop (xrf1)  }
0x442: {  	v63 =	vld [tilespmem:s0+$0x10];
	(xrf1) =	vsort.ascd.msk.f32 $0xffff, v29, v15;
	v29, v60, _ =	vpop (xrf1)  }
0x443: {  	v19, _, _ =	vpop (xrf2);
	v61 =	vld [tilespmem:s0+$0x20];
	(xrf1) =	vsort.dscd.msk.f32 $0xffff, v20, v6;
	vm12 =	vge.f32 v62, v29  }
0x444: {  	v54, v55, _ =	vpop (xrf1);
	v20 =	vld [tilespmem:s0+$0x30];
	(xrf1) =	vsort.ascd.msk.f32 $0xffff, v3, v7;
	v2 =	vsel vm12, v62, v29;
	v3 =	vsel vm12, v17, v60  }
0x445: {  	v56, v57, _ =	vpop (xrf1);
	v17 =	vld [tilespmem:s0+$0x40];
	v62 =	vbroadcast v4, $0xF;
	(xrf1) =	vsort.dscd.msk.f32 $0xffff, v2, v3  }
0x446: {  	v29, v52, _ =	vpop (xrf1);
	v3 =	vld [tilespmem:s0+$0x50];
	(xrf1) =	vsort.dscd.msk.f32 $0xffff, v1, v21  }
0x447: {  	v58 =	vld [tilespmem:s0+$0x60];
	v1, v21, _ =	vpop (xrf1);
	v2 =	vsub.f32 v27, v62;
	(xrf1) =	vsort.ascd.msk.f32 $0xffff, v63, v24  }
0x448: {  	v51, v59, _ =	vpop (xrf1);
	v24 =	vld [tilespmem:s0+$0x70];
	(xrf1) =	vsort.dscd.msk.f32 $0xffff, v61, v26  }
0x449: {  	v53, v60, _ =	vpop (xrf1);
	v61 =	vld [tilespmem:s0+$0x400];
	v2 =	vmul.f32 $1.442695020e+00, v2;
	(xrf1) =	vsort.ascd.msk.f32 $0xffff, v20, v25  }
0x44a: {  	v19 =	vbroadcast v19, $0xF;
	v63 =	vld [tilespmem:s0+$0x410];
	v20, v62, _ =	vpop (xrf1);
	(xrf1) =	vsort.dscd.msk.f32 $0xffff, v17, v8  }
0x44b: {  	v17, v0, _ =	vpop (xrf1);
	(xrf1) =	vsort.ascd.msk.f32 $0xffff, v3, v9  }
0x44c: {  	v3, v26, _ =	vpop (xrf1);
	(xrf1) =	vsort.dscd.msk.f32 $0xffff, v58, v10  }
0x44d: {  	vm13 =	vge.f32 v54, v56;
	vm14 =	vge.f32 v29, v1;
	(erf) = vpow2.f32 v2;
	v2, v25, _ =	vpop (xrf1);
	(xrf1) =	vsort.ascd.msk.f32 $0xffff, v24, v11  }
0x44e: {  	v21 =	vsel vm14, v52, v21;
	vm15 =	vge.f32 v51, v53;
	(erf) = vrcp.f32 v19;
	v19, v58, _ =	vpop (xrf1);
	(xrf1) =	vsort.dscd.msk.f32 $0xffff, v61, v12  }
0x44f: {  	v24 =	vsel vm13, v54, v56;
	v61, v4, _ =	vpop (xrf1);
	(xrf1) =	vsort.ascd.msk.f32 $0xffff, v63, v13;
	v63 =	vsel vm13, v55, v57  }
0x450: {  	v1 =	vsel vm14, v29, v1;
	v55, v56, _ =	vpop (xrf1);
	(xrf1) =	vsort.dscd.msk.f32 $0xffff, v24, v63;
	v24 =	vsel vm15, v51, v53  }
0x451: {  	v54, v57, _ =	vpop (xrf1)  }
0x452: {  	v60 =	vsel vm15, v59, v60;
	vm4 =	vge.f32 v20, v17;
	v29, v52, _ =	vpop (xrf1);
	(xrf1) =	vsort.ascd.msk.f32 $0xffff, v1, v21  }
0x453: {  	v17 =	vsel vm4, v20, v17;
	v0 =	vsel vm4, v62, v0;
	v1, v21, _ =	vpop (xrf1);
	(xrf1) =	vsort.dscd.msk.f32 $0xffff, v24, v60  }
0x454: {  	vm5 =	vge.f32 v3, v2;
	(xrf1) =	vsort.ascd.msk.f32 $0xffff, v17, v0;
	v51, v24, _ =	vpop (xrf1)  }
0x455: {  	v27 =	vld [tilespmem:$0x1FE00];
	vm6 =	vge.f32 v19, v61;
	v17 =	vsel vm5, v26, v25;
	(xrf0) =	vmax.scan.msk.f32 $0xffff, v51  }
0x456: {  	v2 =	vsel vm5, v3, v2;
	v3 =	vld [tilespmem:s0+$0x420];
	v19 =	vsel vm6, v19, v61  }
0x457: {  	v4 =	vsel vm6, v58, v4;
	vm7 =	vge.f32 v55, v54;
	v60 =	vld [tilespmem:$0x1FFC0]  }
0x458: {  	v63 =	vld [tilespmem:s0+$0x430];
	v56 =	vsel vm7, v56, v57;
	(xrf1) =	vsort.dscd.msk.f32 $0xffff, v2, v17;
	v25, v26, _ =	vpop (xrf1)  }
0x459: {  	v61 =	vld [tilespmem:s0+$0x450];
	v54 =	vsel vm7, v55, v54;
	vm8 =	vge.f32 v29, v1;
	(xrf1) =	vsort.ascd.msk.f32 $0xffff, v19, v4;
	v2, v17, _ =	vpop (xrf1)  }
0x45a: {  	v55 =	vld [tilespmem:s0+$0x440];
	v1 =	vsel vm8, v29, v1;
	v21 =	vsel vm8, v52, v21;
	(xrf1) =	vsort.dscd.msk.f32 $0xffff, v54, v56;
	v4, v19, _ =	vpop (xrf1)  }
0x45b: {  	v52 =	vld [tilespmem:s0+$0x460];
	(xrf1) =	vsort.ascd.msk.f32 $0xffff, v1, v21;
	v29, _, _ =	vpop (xrf0)  }
0x45c: {  	v21 =	vld [tilespmem:s0+$0x470];
	(xrf1) =	vsort.dscd.msk.f32 $0xffff, v3, v60;
	v54, v56, _ =	vpop (xrf1);
	v62 =	vbroadcast v29, $0xF  }
0x45d: {  	(xrf1) =	vsort.ascd.msk.f32 $0xffff, v63, v16;
	v63 =	vld [tilespmem:$0x1FE10];
	v3, v29, _ =	vpop (xrf1)  }
0x45e: {  	vm14 =	vge.f32 v39, v50;
	vm9 =	vge.f32 v25, v2;
	v1 =	vsub.f32 v51, v62;
	v51, v53, _ =	vpop (xrf1)  }
0x45f: {  	v2 =	vsel vm9, v25, v2;
	vm10 =	vge.f32 v4, v54;
	(xrf1) =	vsort.dscd.msk.f32 $0xffff, v55, v14;
	v55, v59, _ =	vpop (xrf1)  }
0x460: {  	v17 =	vsel vm9, v26, v17;
	v4 =	vsel vm10, v4, v54;
	(xrf1) =	vsort.ascd.msk.f32 $0xffff, v61, v15;
	v25, v61, _ =	vpop (xrf1)  }
0x461: {  	v19 =	vsel vm10, v19, v56;
	(xrf1) =	vsort.dscd.msk.f32 $0xffff, v52, v6;
	vm11 =	vge.f32 v3, v51;
	v26, v62, _ =	vpop (xrf1)  }
0x462: {  	v58 =	vmul.f32 v63, v27;
	v1 =	vmul.f32 $1.442695020e+00, v1;
	(xrf1) =	vsort.ascd.msk.f32 $0xffff, v21, v7;
	v29 =	vsel vm11, v29, v53;
	v63, v21, _ =	vpop (xrf1)  }
0x463: {  	v20 =	vpop (erf);
	v3 =	vsel vm11, v3, v51;
	vm12 =	vge.f32 v55, v25;
	vm13 =	vge.f32 v26, v63  }
0x464: {  	(xrf1) =	vsort.dscd.msk.f32 $0xffff, v2, v17;
	v25 =	vsel vm12, v55, v25;
	v2, v17, _ =	vpop (xrf1);
	v21 =	vsel vm13, v62, v21  }
0x465: {  	v39 =	vsel vm14, v39, v50;
	(erf) = vpow2.f32 v1;
	(xrf1) =	vsort.ascd.msk.f32 $0xffff, v4, v19;
	v4, v19, _ =	vpop (xrf1);
	v1 =	vsel vm13, v26, v63  }
0x466: {  	v54 =	vsel vm12, v59, v61;
	(xrf1) =	vsort.dscd.msk.f32 $0xffff, v3, v29;
	v3, v29, _ =	vpop (xrf1);
	vm15 =	vge.f32 v2, v4  }
0x467: {  	v38 =	vsel vm14, v38, v49;
	(xrf1) =	vsort.ascd.msk.f32 $0xffff, v25, v54;
	v25, v26, _ =	vpop (xrf1);
	v17 =	vsel vm15, v17, v19  }
0x468: {  	(xrf1) =	vsort.dscd.msk.f32 $0xffff, v1, v21;
	v2 =	vsel vm15, v2, v4;
	v1, v21, _ =	vpop (xrf1)  }
0x469: {  	vm5 =	vge.f32 v3, v25;
	v4, v55, _ =	vpop (xrf1)  }
0x46a: {  	(xrf1) =	vsort.dscd.msk.f32 $0xffff, v39, v38;
	v3 =	vsel vm5, v3, v25;
	v38, v39, _ =	vpop (xrf1)  }
0x46b: {  	v25 =	vsel vm5, v29, v26;
	(xrf1) =	vsort.dscd.msk.f32 $0xffff, v2, v17;
	vm6 =	vge.f32 v1, v4;
	v2, v17, _ =	vpop (xrf1)  }
0x46c: {  	v1 =	vsel vm6, v1, v4;
	v21 =	vsel vm6, v21, v55;
	v4, v26, _ =	vpop (xrf1);
	vm7 =	vge.f32 v38, v2  }
0x46d: {  	s22 =	simm.s32 $0x10180;
	(xrf1) =	vsort.ascd.msk.f32 $0xffff, v3, v25;
	v3, v29, _ =	vpop (xrf1);
	v17 =	vsel vm7, v39, v17  }
0x46e: {  	[tilespmem:s22+$0x0] =	vst v58;
	v2 =	vsel vm7, v38, v2;
	vm9 =	vge.f32 v4, v3  }
0x46f: {  	(xrf0) =	vmax.scan.msk.f32 $0xffff, v45;
	v27 =	vld [tilespmem:$0x1FE20];
	v3 =	vsel vm9, v4, v3;
	v4 =	vsel vm9, v26, v29  }
0x470: {  	(xrf1) =	vsort.dscd.msk.f32 $0xffff, v1, v21;
	v1, v21, _ =	vpop (xrf1)  }
0x471: {  	v30 =	vmul.f32 v30, v28;
	(xrf1) =	vsort.ascd.msk.f32 $0xffff, v2, v17;
	v2, v17, _ =	vpop (xrf1)  }
0x472: {  	s24 =	simm.s32 $0x10280;
	v57, v26, _ =	vpop (xrf1)  }
0x473: {  	s23 =	simm.s32 $0x14180;
	[tilespmem:s24+$0x0] =	vst v30;
	(xrf1) =	vsort.ascd.msk.f32 $0xffff, v3, v4;
	v3, v4, _ =	vpop (xrf1)  }
0x474: {  	[tilespmem:s23+$0x0] =	vst v27;
	vm10 =	vge.f32 v1, v2;
	vm12 =	vge.f32 v57, v3  }
0x475: {  	v0 =	vpop (erf);
	v1 =	vsel vm10, v1, v2;
	v2 =	vsel vm12, v57, v3;
	v3 =	vsel vm12, v26, v4;
	v4 =	vld [tilespmem:$0x1FE30]  }
0x476: {  	vm8 =	vge.f32 v43, v46;
	v56, _, _ =	vpop (xrf0);
	v17 =	vsel vm10, v21, v17  }
0x477: {  	v0 =	vmul.f32 v0, v31;
	v31 =	vsel vm8, v43, v46;
	v21 =	vbroadcast v56, $0xF  }
0x478: {  	s26 =	simm.s32 $0x10380;
	v28 =	vpop (erf);
	v29 =	vsel vm8, v40, v41  }
0x479: {  	s25 =	simm.s32 $0x14280;
	(xrf2) =	vadd.scan.msk.f32 $0xffff, v28;
	v21 =	vsub.f32 v45, v21;
	[tilespmem:s26+$0x0] =	vst v0  }
0x47a: {  	(xrf1) =	vsort.dscd.msk.f32 $0xffff, v1, v17;
	v1, v17, _ =	vpop (xrf1);
	[tilespmem:s25+$0x0] =	vst v4  }
0x47b: {  	(xrf1) =	vsort.ascd.msk.f32 $0xffff, v31, v29;
	v26 =	vmul.f32 $1.442695020e+00, v21;
	v29, v31, _ =	vpop (xrf1);
	v21 =	vld [tilespmem:$0x1FE50]  }
0x47c: {  	vm13 =	vge.f32 v1, v29  }
0x47d: {  	v4 =	vsel vm13, v17, v31  }
0x47e: {  	v1 =	vsel vm13, v1, v29  }
0x47f: {  	s29 =	simm.s32 $0x14380  }
0x480: {  	(xrf1) =	vsort.ascd.msk.f32 $0xffff, v2, v3;
	v2, v3, _ =	vpop (xrf1);
	v17 =	vld [tilespmem:$0x1FE40];
	[tilespmem:s29+$0x0] =	vst v21  }
0x481: {  	(xrf1) =	vsort.dscd.msk.f32 $0xffff, v1, v4;
	v1, v4, _ =	vpop (xrf1);
	v63 =	vld [tilespmem:$0x1FE60]  }
0x482: {  	vm4 =	vge.f32 v37, v48;
	vm11 =	vge.f32 v42, v44;
	vm15 =	vge.f32 v2, v1  }
0x483: {  	v59 =	vsel vm11, v42, v44;
	v61 =	vsel vm11, v34, v36;
	v27, _, _ =	vpop (xrf2);
	v62 =	vsel vm15, v3, v4  }
0x484: {  	v19 =	vsel vm4, v37, v48;
	v25 =	vsel vm4, v32, v47;
	(xrf2) =	vadd.scan.msk.f32 $0xffff, v20;
	v32 =	vbroadcast v27, $0xF  }
0x485: {  	s31 =	simm.s32 $0xA;
	(erf) = vpow2.f32 v26;
	(xrf1) =	vsort.dscd.msk.f32 $0xffff, v59, v61;
	v31, v30, _ =	vpop (xrf1);
	vm14 =	vge.f32 v17, v35;
	v1 =	vsel vm15, v2, v1  }
0x486: {  	s30 =	simm.s32 $0x10380;
	s28 =	simm.s32 $0x14380;
	s0 =	simm.s32 $0xC00;
	v27, v26, _ =	vpop (xrf1);
	v17 =	vsel vm14, v17, v35;
	(xrf1) =	vsort.ascd.msk.f32 $0xffff, v1, v62;
	v62 =	vmov v16;
	v21 =	vsel vm14, v63, v33  }
.LBB2_5:
0x487: {  	_ =	sdelay $0x2  }
0x488: {  	s1 =	sand.u32 $0x7800, s0;
	s21 =	sadd.s32 $0x100, s21;
	v16 =	vld [tilespmem:$0x1FFD0];
	(erf) = vrcp.f32 v32;
	v0, v1, _ =	vpop (xrf1)  }
0x489: {  	v44 =	vld [tilespmem:$0x1FFE0];
	s1 =	sor.u32 $0x8000, s1;
	s6 =	sand.u32 $0x380, s21;
	(xrf1) =	vsort.ascd.msk.f32 $0xffff, v19, v25;
	v3, v4, _ =	vpop (xrf1)  }
0x48a: {  	v46 =	vld [tilespmem:$0x1FFF0];
	s6 =	sor.u32 s6, s1;
	(xrf1) =	vsort.dscd.msk.f32 $0xffff, v17, v21;
	v19, v21, _ =	vpop (xrf1)  }
0x48b: {  	v17 =	vld [tilespmem:s6+$0x0];
	v29, v58, _ =	vpop (xrf1)  }
0x48c: {  	v25 =	vld [tilespmem:s6+$0x10];
	vm0 =	vge.f32 v0, v3;
	v2 =	vpop (erf);
	vm4 =	vge.f32 v19, v29  }
0x48d: {  	v33 =	vld [tilespmem:s6+$0x20];
	v0 =	vsel vm0, v0, v3;
	v1 =	vsel vm0, v1, v4;
	v19 =	vsel vm4, v19, v29;
	v29, v59, _ =	vpop (xrf1)  }
0x48e: {  	v4 =	vld [tilespmem:s6+$0x30];
	v21 =	vsel vm4, v21, v58;
	(xrf1) =	vsort.dscd.msk.f32 $0xffff, v0, v1;
	v3, _, _ =	vpop (xrf2)  }
0x48f: {  	v41 =	vlaneseq.u32;
	v63 =	vld [tilespmem:s6+$0x40];
	vm5 =	vge.f32 v31, v29;
	v61 =	vbroadcast v3, $0xF;
	v3, v34, _ =	vpop (xrf1);
	(xrf1) =	vsort.ascd.msk.f32 $0xffff, v19, v21  }
0x490: {  	v21 =	vld [tilespmem:s6+$0x50];
	v31 =	vsel vm5, v31, v29;
	(xrf1) =	vsort.dscd.msk.f32 $0xffff, v17, v41;
	v17, v29, _ =	vpop (xrf1)  }
0x491: {  	v40 =	vld [tilespmem:s6+$0x60];
	(erf) = vrcp.f32 v61;
	(xrf1) =	vsort.ascd.msk.f32 $0xffff, v25, v16;
	v25 =	vpop (erf)  }
0x492: {  	v35 =	vld [tilespmem:s6+$0x70];
	(xrf1) =	vsort.dscd.msk.f32 $0xffff, v33, v44;
	v38 =	vmul.f32 v25, v28  }
0x493: {  	s26 =	sadd.s32 $0x100, s26;
	v36 =	vld [tilespmem:s6+$0x400];
	v32 =	vsel vm5, v30, v59;
	v30, v43, _ =	vpop (xrf1);
	(xrf1) =	vsort.ascd.msk.f32 $0xffff, v4, v46  }
0x494: {  	s29 =	sadd.s32 $0x100, s29;
	v37 =	vld [tilespmem:s6+$0x410];
	vm6 =	vge.f32 v27, v17;
	vm1 =	vge.f32 v3, v30;
	v4, v28, _ =	vpop (xrf1);
	(xrf1) =	vsort.dscd.msk.f32 $0xffff, v63, v8;
	[tilespmem:s26+$0x0] =	vst v38  }
0x495: {  	v19 =	vsel vm6, v27, v17;
	v27 =	vsel vm1, v3, v30;
	v47, v3, _ =	vpop (xrf1);
	v48 =	vld [tilespmem:s6+$0x420];
	(xrf1) =	vsort.ascd.msk.f32 $0xffff, v21, v9;
	[tilespmem:s29+$0x0] =	vst v24  }
0x496: {  	v17, v21, _ =	vpop (xrf1);
	v24 =	vld [tilespmem:s6+$0x430];
	(xrf1) =	vsort.dscd.msk.f32 $0xffff, v40, v10  }
0x497: {  	v25 =	vsel vm6, v26, v29;
	vm7 =	vge.f32 v4, v17;
	v50, v49, _ =	vpop (xrf1);
	v38 =	vld [tilespmem:s6+$0x440];
	(xrf1) =	vsort.ascd.msk.f32 $0xffff, v35, v11  }
0x498: {  	v51 =	vld [tilespmem:s6+$0x450];
	v26 =	vsel vm7, v4, v17;
	v29 =	vsel vm7, v28, v21;
	v28, v4, _ =	vpop (xrf1);
	(xrf1) =	vsort.dscd.msk.f32 $0xffff, v36, v12  }
0x499: {  	s10 =	sadd.s32 $0xFFFFFF80, s21;
	v52 =	vld [tilespmem:s6+$0x460];
	(xrf1) =	vsort.ascd.msk.f32 $0xffff, v37, v13  }
0x49a: {  	s7 =	sand.u32 $0x300, s10;
	v54 =	vld [tilespmem:s6+$0x470];
	v53 =	vpop (erf);
	(xrf1) =	vsort.dscd.msk.f32 $0xffff, v48, v60  }
0x49b: {  	s1 =	sor.u32 s7, s1;
	v0 =	vmul.f32 v53, v20;
	(xrf1) =	vsort.ascd.msk.f32 $0xffff, v24, v62  }
0x49c: {  	v55 =	vld [tilespmem:s1+$0x0];
	vm8 =	vge.f32 v22, v50;
	v24, v56, _ =	vpop (xrf1);
	(xrf1) =	vsort.dscd.msk.f32 $0xffff, v38, v14  }
0x49d: {  	v21 =	vsel vm8, v23, v49;
	v23 =	vmov v3;
	v3 =	vld [tilespmem:s1+$0x10];
	[tilespmem:s19+$0xFFFFFF80] =	vst v0;
	(xrf1) =	vsort.ascd.msk.f32 $0xffff, v51, v15;
	v57, v58, _ =	vpop (xrf1)  }
0x49e: {  	v0 =	vld [tilespmem:s1+$0x20];
	[tilespmem:s20+$0xFFFFFF80] =	vst v5;
	v5 =	vmov v18;
	v37, v38, _ =	vpop (xrf1);
	(xrf1) =	vsort.dscd.msk.f32 $0xffff, v52, v6;
	vm9 =	vge.f32 v24, v57  }
0x49f: {  	v18 =	vmov v4;
	v4 =	vld [tilespmem:s1+$0x30];
	v39, v40, _ =	vpop (xrf1);
	(xrf1) =	vsort.ascd.msk.f32 $0xffff, v54, v7;
	v60 =	vsel vm9, v24, v57;
	v24 =	vsel vm9, v56, v58  }
0x4a0: {  	v30 =	vsel vm1, v34, v43;
	v59 =	vld [tilespmem:s1+$0x40];
	v34, v35, _ =	vpop (xrf1);
	(xrf1) =	vsort.dscd.msk.f32 $0xffff, v60, v24  }
0x4a1: {  	v20 =	vmov v2;
	v61 =	vld [tilespmem:s1+$0x50];
	(xrf1) =	vsort.dscd.msk.f32 $0xffff, v55, v41;
	v2, v41, _ =	vpop (xrf1)  }
0x4a2: {  	(xrf1) =	vsort.ascd.msk.f32 $0xffff, v3, v16;
	v3, v42, _ =	vpop (xrf1)  }
0x4a3: {  	v63 =	vld [tilespmem:s1+$0x60];
	(xrf1) =	vsort.dscd.msk.f32 $0xffff, v0, v44;
	v0, v44, _ =	vpop (xrf1)  }
0x4a4: {  	v24 =	vld [tilespmem:s1+$0x70];
	(xrf1) =	vsort.ascd.msk.f32 $0xffff, v4, v46;
	v4, v46, _ =	vpop (xrf1)  }
0x4a5: {  	v43 =	vld [tilespmem:s1+$0x400];
	(xrf1) =	vsort.dscd.msk.f32 $0xffff, v59, v8;
	v36, v48, _ =	vpop (xrf1)  }
0x4a6: {  	v17 =	vsel vm8, v22, v50;
	v45 =	vld [tilespmem:s1+$0x410];
	(xrf1) =	vsort.ascd.msk.f32 $0xffff, v61, v9;
	v33, v50, _ =	vpop (xrf1)  }
0x4a7: {  	v52, v53, _ =	vpop (xrf1)  }
0x4a8: {  	(xrf1) =	vsort.dscd.msk.f32 $0xffff, v63, v10;
	v1, v55, _ =	vpop (xrf1)  }
0x4a9: {  	vm10 =	vge.f32 v37, v39;
	(xrf1) =	vsort.ascd.msk.f32 $0xffff, v24, v11;
	v57, v58, _ =	vpop (xrf1)  }
0x4aa: {  	vm11 =	vge.f32 v34, v2;
	v24 =	vsel vm10, v37, v39;
	(xrf1) =	vsort.dscd.msk.f32 $0xffff, v43, v12;
	v43, v60, _ =	vpop (xrf1)  }
0x4ab: {  	v16 =	vmov v15;
	v15 =	vmov v14;
	v37 =	vsel vm10, v38, v40;
	(xrf1) =	vsort.ascd.msk.f32 $0xffff, v45, v13;
	v45, v61, _ =	vpop (xrf1)  }
0x4ac: {  	v14 =	vmov v62;
	v2 =	vsel vm11, v34, v2;
	vm2 =	vge.f32 v3, v0;
	v62, v63, _ =	vpop (xrf1)  }
0x4ad: {  	v34 =	vsel vm11, v35, v41;
	v0 =	vsel vm2, v3, v0;
	v3 =	vsel vm2, v42, v44;
	v38, v39, _ =	vpop (xrf1)  }
0x4ae: {  	vm3 =	vge.f32 v4, v36;
	vm12 =	vge.f32 v33, v52;
	(xrf1) =	vsort.dscd.msk.f32 $0xffff, v24, v37;
	v37, v24, _ =	vpop (xrf1)  }
0x4af: {  	v48 =	vsel vm3, v46, v48;
	v52 =	vsel vm12, v33, v52;
	vm4 =	vge.f32 v1, v57;
	v35, v40, _ =	vpop (xrf1);
	(xrf0) =	vmax.scan.msk.f32 $0xffff, v37  }
0x4b0: {  	v1 =	vsel vm4, v1, v57;
	vm5 =	vge.f32 v43, v45;
	v41, v42, _ =	vpop (xrf1);
	(xrf1) =	vsort.ascd.msk.f32 $0xffff, v2, v34  }
0x4b1: {  	v2 =	vsel vm3, v4, v36;
	v34, v36, _ =	vpop (xrf1);
	(xrf1) =	vsort.dscd.msk.f32 $0xffff, v0, v3;
	v3 =	vsel vm12, v50, v53  }
0x4b2: {  	v22 =	vmov v47;
	v47 =	vld [tilespmem:s1+$0x420];
	v53 =	vsel vm4, v55, v58;
	v55 =	vsel vm5, v43, v45;
	v33, v44, _ =	vpop (xrf1);
	(xrf1) =	vsort.ascd.msk.f32 $0xffff, v2, v48  }
0x4b3: {  	v57 =	vsel vm5, v60, v61;
	v60 =	vld [tilespmem:$0x1FFC0];
	vm13 =	vge.f32 v62, v38;
	v4, v46, _ =	vpop (xrf1);
	(xrf1) =	vsort.dscd.msk.f32 $0xffff, v52, v3  }
0x4b4: {  	v49 =	vld [tilespmem:s1+$0x430];
	v58 =	vsel vm13, v62, v38;
	v43, v45, _ =	vpop (xrf1);
	(xrf1) =	vsort.ascd.msk.f32 $0xffff, v1, v53  }
0x4b5: {  	v51 =	vld [tilespmem:s1+$0x440];
	v52 =	vsel vm13, v63, v39;
	(xrf1) =	vsort.dscd.msk.f32 $0xffff, v55, v57;
	v53, _, _ =	vpop (xrf0)  }
0x4b6: {  	v54 =	vld [tilespmem:s1+$0x450];
	v3, v55, _ =	vpop (xrf1);
	(xrf1) =	vsort.ascd.msk.f32 $0xffff, v58, v52;
	v0 =	vbroadcast v53, $0xF  }
0x4b7: {  	v56 =	vld [tilespmem:s1+$0x460];
	(xrf0) =	vmax.scan.msk.f32 $0xffff, v28;
	v58, v57, _ =	vpop (xrf1)  }
0x4b8: {  	v59 =	vld [tilespmem:s1+$0x470];
	v62 =	vmov v14;
	vm14 =	vge.f32 v35, v41;
	v63, v61, _ =	vpop (xrf1);
	(xrf1) =	vsort.dscd.msk.f32 $0xffff, v47, v60;
	v0 =	vsub.f32 v37, v0  }
0x4b9: {  	v14 =	vmov v15;
	v2 =	vsel vm14, v40, v42;
	v52, v50, _ =	vpop (xrf1);
	(xrf1) =	vsort.ascd.msk.f32 $0xffff, v49, v62  }
0x4ba: {  	vm15 =	vge.f32 v34, v33;
	v1 =	vsel vm14, v35, v41;
	(xrf1) =	vsort.dscd.msk.f32 $0xffff, v51, v14;
	v0 =	vmul.f32 $1.442695020e+00, v0  }
0x4bb: {  	v33 =	vsel vm15, v34, v33;
	v48 =	vsel vm15, v36, v44;
	(xrf1) =	vsort.ascd.msk.f32 $0xffff, v54, v16  }
0x4bc: {  	vm4 =	vge.f32 v4, v43;
	vm5 =	vge.f32 v3, v58;
	(xrf1) =	vsort.dscd.msk.f32 $0xffff, v56, v6;
	v38, v39, _ =	vpop (xrf1);
	(erf) = vpow2.f32 v0  }
0x4bd: {  	v4 =	vsel vm4, v4, v43;
	v55 =	vsel vm5, v55, v57;
	v57, _, _ =	vpop (xrf0);
	(xrf1) =	vsort.ascd.msk.f32 $0xffff, v59, v7  }
0x4be: {  	v3 =	vsel vm5, v3, v58;
	vm6 =	vge.f32 v63, v52;
	(xrf1) =	vsort.dscd.msk.f32 $0xffff, v1, v2;
	v1, v2, _ =	vpop (xrf1)  }
0x4bf: {  	v53 =	vsel vm4, v46, v45;
	v36 =	vsel vm6, v63, v52;
	v37 =	vbroadcast v57, $0xF;
	(xrf1) =	vsort.ascd.msk.f32 $0xffff, v33, v48;
	v33, v34, _ =	vpop (xrf1)  }
0x4c0: {  	(xrf1) =	vsort.dscd.msk.f32 $0xffff, v4, v53;
	v4, v58, _ =	vpop (xrf1)  }
0x4c1: {  	v28 =	vsub.f32 v28, v37;
	(xrf1) =	vsort.ascd.msk.f32 $0xffff, v3, v55;
	v3, v35, _ =	vpop (xrf1)  }
0x4c2: {  	v56 =	vsel vm6, v61, v50;
	v61, v59, _ =	vpop (xrf1)  }
0x4c3: {  	(xrf1) =	vsort.dscd.msk.f32 $0xffff, v36, v56;
	v0, v36, _ =	vpop (xrf1)  }
0x4c4: {  	v15 =	vmov v16;
	vm7 =	vge.f32 v38, v1;
	v63 =	vmul.f32 $1.442695020e+00, v28;
	v44, v45, _ =	vpop (xrf1);
	(xrf1) =	vsort.dscd.msk.f32 $0xffff, v31, v32  }
0x4c5: {  	v1 =	vsel vm7, v38, v1;
	v2 =	vsel vm7, v39, v2;
	vm8 =	vge.f32 v33, v4;
	v28 =	vpop (erf)  }
0x4c6: {  	v46 =	vsel vm8, v33, v4;
	v16 =	vsel vm8, v34, v58;
	vm9 =	vge.f32 v3, v61;
	v4, v31, _ =	vpop (xrf1);
	(xrf2) =	vadd.scan.msk.f32 $0xffff, v28  }
0x4c7: {  	v47 =	vsel vm9, v3, v61;
	(xrf1) =	vsort.dscd.msk.f32 $0xffff, v1, v2;
	vm10 =	vge.f32 v0, v44;
	v49, v50, _ =	vpop (xrf1)  }
0x4c8: {  	v48 =	vsel vm9, v35, v59;
	(xrf1) =	vsort.ascd.msk.f32 $0xffff, v46, v16;
	v0 =	vsel vm10, v0, v44;
	v52, v53, _ =	vpop (xrf1)  }
0x4c9: {  	v51 =	vsel vm10, v36, v45;
	(xrf1) =	vsort.dscd.msk.f32 $0xffff, v47, v48;
	vm11 =	vge.f32 v4, v49;
	v3, v54, _ =	vpop (xrf1)  }
0x4ca: {  	(xrf2) =	vadd.scan.msk.f32 $0xffff, v20;
	v55 =	vsel vm11, v4, v49;
	v16 =	vsel vm11, v31, v50;
	vm12 =	vge.f32 v52, v3;
	v4, v31, _ =	vpop (xrf1)  }
0x4cb: {  	(xrf1) =	vsort.ascd.msk.f32 $0xffff, v0, v51;
	v2 =	vsel vm12, v52, v3;
	v57, v56, _ =	vpop (xrf1)  }
0x4cc: {  	s31 =	sadd.s32 $0x2, s31;
	v3 =	vsel vm12, v53, v54;
	(xrf1) =	vsort.ascd.msk.f32 $0xffff, v55, v16;
	vm13 =	vge.f32 v4, v57;
	v0, v1, _ =	vpop (xrf1)  }
0x4cd: {  	p1 =	slt.u32 s31, $0x7E;
	(xrf1) =	vsort.dscd.msk.f32 $0xffff, v2, v3;
	v58 =	vsel vm13, v4, v57;
	v3 =	vsel vm13, v31, v56;
	v4, v31, _ =	vpop (xrf1)  }
.Ltmp1:
0x4ce: {  	(xrf1) =	vsort.ascd.msk.f32 $0xffff, v27, v30;
	vm14 =	vge.f32 v0, v4;
	v27, v30, _ =	vpop (xrf1);
	(pc) =	sbr.rel @p1 .LBB2_5-.Ltmp1, $4  }
0x4cf: {  	v16 =	vsel vm14, v0, v4;
	v1 =	vsel vm14, v1, v31;
	v4, v31, _ =	vpop (xrf1);
	(xrf1) =	vsort.ascd.msk.f32 $0xffff, v58, v3  }
0x4d0: {  	s0 =	sadd.s32 $0x200, s0;
	s19 =	smov.u32 s22;
	s22 =	smov.u32 s24;
	vm15 =	vge.f32 v27, v4;
	(xrf1) =	vsort.dscd.msk.f32 $0xffff, v16, v1;
	v59, _, _ =	vpop (xrf2)  }
0x4d1: {  	s24 =	smov.u32 s30;
	s30 =	smov.u32 s26;
	s20 =	smov.u32 s23;
	(erf) = vpow2.f32 v63;
	v61 =	vsel vm15, v27, v4;
	v63 =	vsel vm15, v30, v31;
	v31, v30, _ =	vpop (xrf1);
	(xrf1) =	vsort.dscd.msk.f32 $0xffff, v26, v29  }
0x4d2: {  	s23 =	smov.u32 s25;
	s25 =	smov.u32 s28;
	s28 =	smov.u32 s29;
	v32 =	vbroadcast v59, $0xF;
	(xrf1) =	vsort.ascd.msk.f32 $0xffff, v61, v63;
	v27, v26, _ =	vpop (xrf1)  }
0x4d3: {  	_ =	sdelay $0x2  }
0x4d4: {  	v0, v1, _ =	vpop (xrf1)  }
0x4d5: {  	v2, v3, _ =	vpop (xrf1)  }
0x4d6: {  	(xrf1) =	vsort.ascd.msk.f32 $0xffff, v19, v25;
	v4, v53, _ =	vpop (xrf1)  }
0x4d7: {  	(xrf1) =	vsort.dscd.msk.f32 $0xffff, v17, v21;
	vm0 =	vge.f32 v0, v2;
	v17, v21, _ =	vpop (xrf1)  }
0x4d8: {  	v0 =	vsel vm0, v0, v2;
	v1 =	vsel vm0, v1, v3;
	vm7 =	vge.f32 v4, v17  }
0x4d9: {  	(xrf1) =	vsort.dscd.msk.f32 $0xffff, v0, v1;
	v2 =	vsel vm7, v4, v17;
	v3 =	vsel vm7, v53, v21  }
0x4da: {  	(xrf1) =	vsort.ascd.msk.f32 $0xffff, v2, v3;
	_ =	sdelay $0x3  }
0x4db: {  	v0, v1, _ =	vpop (xrf1)  }
0x4dc: {  	v2, v3, _ =	vpop (xrf1)  }
0x4dd: {  	v4, v54, _ =	vpop (xrf1)  }
0x4de: {  	v56, v55, _ =	vpop (xrf1)  }
0x4df: {  	v29, v33, _ =	vpop (xrf1)  }
0x4e0: {  	v34, v35, _ =	vpop (xrf1)  }
0x4e1: {  	v36, v37, _ =	vpop (xrf1)  }
0x4e2: {  	v38, v39, _ =	vpop (xrf1)  }
0x4e3: {  	v40, v17, _ =	vpop (xrf1)  }
0x4e4: {  	v41, v42, _ =	vpop (xrf1)  }
0x4e5: {  	v43, v44, _ =	vpop (xrf1)  }
0x4e6: {  	vm8 =	vge.f32 v41, v43  }
0x4e7: {  	v41 =	vsel vm8, v41, v43;
	v42 =	vsel vm8, v42, v44  }
0x4e8: {  	(xrf1) =	vsort.dscd.msk.f32 $0xffff, v41, v42;
	_ =	sdelay $0xd  }
0x4e9: {  	vm9 =	vge.f32 v31, v0;
	v41, v42, _ =	vpop (xrf1)  }
0x4ea: {  	v0 =	vsel vm9, v31, v0;
	v1 =	vsel vm9, v30, v1;
	vm10 =	vge.f32 v2, v56;
	(xrf0) =	vmax.scan.msk.f32 $0xffff, v41  }
0x4eb: {  	(xrf1) =	vsort.dscd.msk.f32 $0xffff, v0, v1;
	v0 =	vsel vm10, v2, v56;
	v1 =	vsel vm10, v3, v55  }
0x4ec: {  	vm11 =	vge.f32 v27, v4;
	vm1 =	vge.f32 v29, v36;
	(xrf1) =	vsort.ascd.msk.f32 $0xffff, v0, v1  }
0x4ed: {  	v3 =	vsel vm1, v29, v36;
	v1 =	vsel vm11, v27, v4;
	v4 =	vsel vm1, v33, v37  }
0x4ee: {  	(xrf1) =	vsort.dscd.msk.f32 $0xffff, v3, v4  }
0x4ef: {  	vm12 =	vge.f32 v22, v38;
	v2 =	vsel vm11, v26, v54  }
0x4f0: {  	v58 =	vsel vm12, v23, v39;
	v4 =	vsel vm12, v22, v38;
	(xrf1) =	vsort.ascd.msk.f32 $0xffff, v1, v2;
	v0, _, _ =	vpop (xrf0)  }
0x4f1: {  	(xrf1) =	vsort.dscd.msk.f32 $0xffff, v4, v58;
	v0 =	vbroadcast v0, $0xF;
	_ =	sdelay $0x1  }
0x4f2: {  	v0 =	vsub.f32 v41, v0  }
0x4f3: {  	v57, _, _ =	vpop (xrf2)  }
0x4f4: {  	v3 =	vbroadcast v57, $0xF;
	v0 =	vmul.f32 $1.442695020e+00, v0;
	_ =	sdelay $0x1  }
0x4f5: {  	(erf) = vrcp.f32 v32  }
0x4f6: {  	(erf) = vrcp.f32 v3  }
0x4f7: {  	(erf) = vpow2.f32 v0;
	v0, v1, _ =	vpop (xrf1)  }
0x4f8: {  	v2, v3, _ =	vpop (xrf1)  }
0x4f9: {  	vm13 =	vge.f32 v0, v2  }
0x4fa: {  	v4, v19, _ =	vpop (xrf1);
	v0 =	vsel vm13, v0, v2;
	v1 =	vsel vm13, v1, v3  }
0x4fb: {  	v2 =	vpop (erf);
	(xrf1) =	vsort.ascd.msk.f32 $0xffff, v0, v1  }
0x4fc: {  	v59, v61, _ =	vpop (xrf1)  }
0x4fd: {  	v63, v25, _ =	vpop (xrf1)  }
0x4fe: {  	v0 =	vpop (erf)  }
0x4ff: {  	(xrf0) =	vmax.scan.msk.f32 $0xffff, v40;
	v1 =	vpop (erf)  }
0x500: {  	(xrf0) =	vmax.scan.msk.f32 $0xffff, v63;
	v3 =	vpop (erf)  }
0x501: {  	(xrf2) =	vadd.scan.msk.f32 $0xffff, v3  }
0x502: {  	(xrf2) =	vadd.scan.msk.f32 $0xffff, v2;
	_ =	sdelay $0x2  }
0x503: {  	vm14 =	vge.f32 v34, v59  }
0x504: {  	v32, _, _ =	vpop (xrf0);
	v21 =	vsel vm14, v34, v59;
	v22 =	vsel vm14, v35, v61  }
0x505: {  	v26 =	vbroadcast v32, $0xF;
	(xrf1) =	vsort.dscd.msk.f32 $0xffff, v21, v22  }
0x506: {  	v33, _, _ =	vpop (xrf0)  }
0x507: {  	v26 =	vsub.f32 v40, v26;
	v36, v35, _ =	vpop (xrf1)  }
0x508: {  	v27 =	vbroadcast v33, $0xF;
	vm15 =	vge.f32 v4, v36  }
0x509: {  	v26 =	vmul.f32 $1.442695020e+00, v26;
	v37, _, _ =	vpop (xrf2);
	v4 =	vsel vm15, v4, v36;
	v19 =	vsel vm15, v19, v35  }
0x50a: {  	v23 =	vsub.f32 v63, v27;
	v38 =	vbroadcast v37, $0xF;
	v39, _, _ =	vpop (xrf2);
	(xrf1) =	vsort.dscd.msk.f32 $0xffff, v4, v19  }
0x50b: {  	(erf) = vpow2.f32 v26;
	v22 =	vbroadcast v39, $0xF  }
0x50c: {  	v4 =	vmul.f32 $1.442695020e+00, v23;
	(erf) = vrcp.f32 v38  }
0x50d: {  	(erf) = vrcp.f32 v22  }
0x50e: {  	(erf) = vpow2.f32 v4;
	_ =	sdelay $0x4  }
0x50f: {  	v43, v44, _ =	vpop (xrf1)  }
0x510: {  	v4 =	vpop (erf)  }
0x511: {  	v40 =	vpop (erf)  }
0x512: {  	(xrf2) =	vadd.scan.msk.f32 $0xffff, v4;
	v41 =	vpop (erf)  }
0x513: {  	(xrf0) =	vmax.scan.msk.f32 $0xffff, v43;
	v45 =	vpop (erf)  }
0x514: {  	(xrf2) =	vadd.scan.msk.f32 $0xffff, v45;
	v47, v46, _ =	vpop (xrf1)  }
0x515: {  	(xrf0) =	vmax.scan.msk.f32 $0xffff, v47;
	_ =	sdelay $0x3  }
0x516: {  	v48, _, _ =	vpop (xrf0)  }
0x517: {  	v30 =	vbroadcast v48, $0xF  }
0x518: {  	v49, _, _ =	vpop (xrf0)  }
0x519: {  	v22 =	vsub.f32 v43, v30;
	v50, _, _ =	vpop (xrf2);
	v51 =	vbroadcast v49, $0xF  }
0x51a: {  	v52 =	vbroadcast v50, $0xF  }
0x51b: {  	v22 =	vmul.f32 $1.442695020e+00, v22;
	v53, _, _ =	vpop (xrf2);
	v27 =	vsub.f32 v47, v51  }
0x51c: {  	(erf) = vrcp.f32 v52;
	v54 =	vbroadcast v53, $0xF  }
0x51d: {  	(erf) = vpow2.f32 v22;
	v55 =	vmul.f32 $1.442695020e+00, v27  }
0x51e: {  	(erf) = vrcp.f32 v54  }
0x51f: {  	(erf) = vpow2.f32 v55;
	_ =	sdelay $0x5  }
0x520: {  	v56 =	vpop (erf)  }
0x521: {  	v57 =	vpop (erf)  }
0x522: {  	(xrf2) =	vadd.scan.msk.f32 $0xffff, v57;
	v30 =	vpop (erf)  }
0x523: {  	v58 =	vpop (erf)  }
0x524: {  	(xrf2) =	vadd.scan.msk.f32 $0xffff, v58;
	_ =	sdelay $0x7  }
0x525: {  	v59, _, _ =	vpop (xrf2)  }
0x526: {  	v0 =	vmul.f32 v0, v28;
	v61 =	vbroadcast v59, $0xF  }
0x527: {  	s0 =	sadd.s32 $0x100, s26;
	v1 =	vmul.f32 v1, v20;
	v63, _, _ =	vpop (xrf2)  }
0x528: {  	s1 =	sadd.s32 $0x100, s29;
	[tilespmem:s0+$0x0] =	vst v0;
	(erf) = vrcp.f32 v61;
	v0 =	vbroadcast v63, $0xF  }
0x529: {  	[tilespmem:s1+$0x0] =	vst v24  }
0x52a: {  	[tilespmem:s19+$0xFFFFFF80] =	vst v1;
	v1 =	vmul.f32 v40, v3;
	(erf) = vrcp.f32 v0  }
0x52b: {  	s6 =	sadd.s32 $0x100, s0;
	[tilespmem:s20+$0xFFFFFF80] =	vst v5  }
0x52c: {  	s7 =	sadd.s32 $0x100, s1;
	[tilespmem:s6+$0x0] =	vst v1;
	v0 =	vmul.f32 v41, v2  }
0x52d: {  	[tilespmem:s7+$0x0] =	vst v42  }
0x52e: {  	[tilespmem:s22+$0xFFFFFF80] =	vst v0;
	v0 =	vmul.f32 v56, v4  }
0x52f: {  	[tilespmem:s23+$0xFFFFFF80] =	vst v18  }
0x530: {  	[tilespmem:s24+$0xFFFFFF80] =	vst v0;
	v0 =	vmul.f32 v30, v45  }
0x531: {  	v1 =	vpop (erf);
	[tilespmem:s25+$0xFFFFFF80] =	vst v17  }
0x532: {  	[tilespmem:s30+$0xFFFFFF80] =	vst v0;
	v0 =	vmul.f32 v1, v57  }
0x533: {  	[tilespmem:s28+$0xFFFFFF80] =	vst v25;
	v1 =	vpop (erf)  }
0x534: {  	[tilespmem:s0+$0xFFFFFF80] =	vst v0;
	v0 =	vmul.f32 v1, v58  }
0x535: {  	s0 =	sor.u32 $0x80, s18;
	[tilespmem:s1+$0xFFFFFF80] =	vst v44  }
0x536: {  	s1 =	sshll.u32 @!p0 s0, $0x5;
	s0 =	sshll.u32 s0, $0x4;
	[tilespmem:s6+$0xFFFFFF80] =	vst v0  }
0x537: {  	s1 =	sadd.s32 @!p0 s1, s8;
	s6 =	simm.s32 @!p0 $0x0;
	[tilespmem:s7+$0xFFFFFF80] =	vst v46;
	s7 =	simm.s32 @!p0 $0x8000  }
0x538: {  	[tilespmem:s7], [sflag:$0x2] =	stream.linear.gather @!p0 [hbm4b:s1+s6], $0x8000, $0x38;
	[tilespmem:$0x18000] =	vst v63  }
0x539: {  	s31 =	sadd.s32 s4, s0  }
0x53a: {  	[hbm4b:s31+s2] =	stream.linear.scatter [tilespmem:s12], [sflag:$0x3], $0x4000, $0x38;
	[tilespmem:$0x18000] =	vst v63  }
0x53b: {  	_ =	swait.ge [sflag:s13], $0x4000  }
0x53c: {  	s17 =	sadd.s32 $0x1, s17;
	[sflag:s13] =	ssyncset.done $0x0  }
0x53d: {  	s0 =	sadd.s32 s5, s0;
	p0 =	sne.s32 s17, $0x20;
	[sflag:s13] =	ssyncadd.s32 $0xFFFFC000  }
0x53e: {  	[hbm4b:s0+s2] =	stream.linear.scatter [tilespmem:s14], [sflag:$0x3], $0x4000, $0x38;
	[tilespmem:$0x18000] =	vst v63  }
.Ltmp2:
0x53f: {  	_ = 	snop;
	(pc) =	sbr.rel @p0 .LBB2_2-.Ltmp2, $4  }
0x540: {  	_ =	swait.ge [sflag:s13], $0x4000  }
0x541: {  	v5 =	vld [tilespmem:$0x1FFD0]  }
0x542: {  	[sflag:s13] =	ssyncset.done $0x0;
	v6 =	vld [tilespmem:$0x1FFE0]  }
0x543: {  	v0 =	vlaneseq.u32;
	v7 =	vld [tilespmem:$0x1FFF0];
	[sflag:s13] =	ssyncadd.s32 $0xFFFFC000  }
0x544: {  	s16 =	sadd.s32 $0x1, s16  }
0x545: {  	p0 =	sne.s32 s16, s9  }
.Ltmp3:
0x546: {  	_ = 	snop;
	(pc) =	sbr.rel @p0 .LBB2_1-.Ltmp3, $1  }
0x547: {  	_ =	sdelay $0x3  }
0x548: {  	_ =	sfence.sel $0x180000  }
0x549: {  	[bflag:$0x0] =	sbarrier.arrive $0xFFFF  }
0x54a: {  	_ =	strace $0x90000047  }
0x54b: {  	s0 =	stileid.u32;
	[bflag:$0x2] =	sbarrier.arrive $0xFFFF  }
0x54c: {  	p0 =	sne.s32 s0, $0x0;
	s0 =	rddreg [dreg:$0x1]  }
0x54d: {  	s0 =	sadd.s32 @!p0 $0x100000, s0  }
0x54e: {  	[sflag:s0] =	ssyncadd.tile.s32 @!p0 $0x1;
	_ =	shalt  }
.Lfunc_end2:
_tile_overlayer_lowered:
.L_overlay_start_2:
0x54f: {  	(tag) =	ssettag $0x2  }
0x550: {  	s0 =	rddreg [dreg:$0x0];
	s2 =	stileid.u32  }
0x551: {  	s1 =	rddreg [dreg:$0x1];
	p0 =	sne.s32 s2, $0x0  }
0x552: {  	s3 =	rddreg [dreg:$0x2];
	[bflag:$0x3] =	sbarrier.arrive $0xFFFF;
	s2 =	simm.s32 @!p0 $0x1C03  }
0x553: {  	[timem:s3], [sflag:s2] =	dma.local @!p0 [hbm:s0], s1  }
0x554: {  	s0 =	simm.s32 @!p0 $0x3  }
0x555: {  	_ =	swait.ge @!p0 [sflag:s0], s1  }
0x556: {  	s1 =	ssub.s32 @!p0 $0x0, s1;
	[sflag:s0] =	ssyncset.done @!p0 $0x0  }
0x557: {  	[sflag:s0] =	ssyncadd.s32 @!p0 s1  }
0x558: {  	[bflag:$0x3] =	sbarrier.arrive $0xFFFF  }
0x559: {  	_ =	shalt  }

</sc_bundles>
